<compile_context>
chip_gen: v7x
topology: tpu7x:2x2x1
jax: 0.10.2.dev20260603
libtpu: 0.0.44.dev20260713+nightly
codegen_flags: <defaults>
</compile_context>

<pallas_src>
import jax
import jax.numpy as jnp
from jax import lax
from jax.experimental import pallas as pl
from jax.experimental.pallas import tpu as pltpu
from jax.experimental.pallas import tpu_sc as plsc

_FIN = 128
_FQK = 64
_N = 10000
_E = 320000
_NPAD = 10240
_NC, _NS, _L = 2, 16, 16
_NW = _NC * _NS
_CH = 128
_NCHUNK = _E // _CH
_BASE_CNT = _NCHUNK // _NW
_EXTRA = _NCHUNK - _BASE_CNT * _NW
_LOOP_CH = 80
_SPAN = _LOOP_CH * _CH

_NODES_PER_TILE = _NPAD // _NS
_GROUPS = _CH // _L


def _proj_body(x_ref, w_ref, q_ref, k_ref):
    qk = jnp.dot(x_ref[...], w_ref[...], preferred_element_type=jnp.float32)
    scale = float(_FQK) ** (-0.5)
    q_ref[...] = (qk[:, :_FQK] * scale).astype(jnp.bfloat16)
    k_ref[...] = qk[:, _FQK:].astype(jnp.bfloat16)


def _project(x, W):
    return pl.pallas_call(
        _proj_body,
        out_shape=(
            jax.ShapeDtypeStruct((_N, _FQK), jnp.bfloat16),
            jax.ShapeDtypeStruct((_N, _FQK), jnp.bfloat16),
        ),
    )(x, W)


def _worker_span(wid):
    base = wid * _BASE_CNT + jnp.minimum(wid, _EXTRA)
    cnt = _BASE_CNT + jnp.where(wid < _EXTRA, 1, 0)
    return base, cnt


def _zero_ref(ref, nwords):
    zeros = jnp.zeros((_L,), jnp.float32)

    def body(i, _):
        for u in range(4):
            ref[pl.ds((i * 4 + u) * _L, _L)] = zeros
        return 0

    lax.fori_loop(0, nwords // (4 * _L), body, 0)


_SC_PARAMS = pltpu.CompilerParams(
    needs_layout_passes=False, use_tc_tiling_on_sc=False)


def _edge_body(q_hbm, k_hbm, ei_hbm,
               out_hbm, p0_hbm, p1_hbm, flag_hbm,
               sidx_v, didx_v, qr0_v, kr0_v, qr1_v, kr1_v,
               expall_v, acc_v, sum2_v, red_v, tot_v, flag_v,
               shared_sp, sem0, sem1):
    cid = lax.axis_index("c")
    sid = lax.axis_index("s")
    wid = sid * _NC + cid
    base, cnt = _worker_span(wid)
    e0 = base * _CH
    main_words = _BASE_CNT * _CH

    @pl.when(sid == 0)
    def _():
        flag_v[pl.ds(0, _L)] = jnp.zeros((_L,), jnp.float32)
        pltpu.sync_copy(flag_v, flag_hbm.at[cid])

    e0c = jnp.minimum(e0, _E - _SPAN)
    loff = e0 - e0c
    d1 = pltpu.async_copy(ei_hbm.at[0, pl.ds(e0c, _SPAN)], sidx_v, sem0)
    d2 = pltpu.async_copy(ei_hbm.at[1, pl.ds(e0c, _SPAN)], didx_v, sem0)
    d1.wait()
    d2.wait()
    _zero_ref(acc_v, _NPAD)

    bufs = ((qr0_v, kr0_v, sem0), (qr1_v, kr1_v, sem1))

    def _off(c):
        return jnp.minimum(loff + c * _CH, _SPAN - _CH)

    def _gather(c, p):
        qr, kr, sem = bufs[p]
        o = _off(c)
        pltpu.async_copy(q_hbm.at[sidx_v.at[pl.ds(o, _CH)]], qr, sem)
        pltpu.async_copy(k_hbm.at[didx_v.at[pl.ds(o, _CH)]], kr, sem)

    _gather(0, 0)
    lane = jnp.arange(_L, dtype=jnp.int32)

    def pair_body(gi, _):
        for p in range(2):
            c = gi * 2 + p
            qr, kr, sem = bufs[p]

            @pl.when(c + 1 < _LOOP_CH)
            def _():
                _gather(c + 1, 1 - p)

            o = _off(c)
            pltpu.make_async_copy(
                q_hbm.at[sidx_v.at[pl.ds(o, _CH)]], qr, sem).wait()
            pltpu.make_async_copy(
                k_hbm.at[didx_v.at[pl.ds(o, _CH)]], kr, sem).wait()

            in_range = c < cnt
            smask = jnp.full((_L,), in_range)
            lax.fori_loop(0, _GROUPS,
                          _rowwise_groups(qr, kr, sidx_v, expall_v,
                                          acc_v, smask, lane, c, o), 0)
        return 0

    lax.fori_loop(0, _LOOP_CH // 2, pair_body, 0)

    pltpu.sync_copy(acc_v, shared_sp.at[sid])
    plsc.subcore_barrier()

    nbase = sid * _NODES_PER_TILE
    pltpu.sync_copy(shared_sp.at[:, pl.ds(nbase, _NODES_PER_TILE)], red_v)

    def add_body(j, _):
        sl = pl.ds(j * _L, _L)
        s = red_v[0, sl]
        for r in range(1, _NS):
            s = s + red_v[r, sl]
        tot_v[sl] = s
        return 0

    lax.fori_loop(0, _NODES_PER_TILE // _L, add_body, 0)

    @pl.when(cid == 0)
    def _():
        pltpu.sync_copy(tot_v, p0_hbm.at[pl.ds(nbase, _NODES_PER_TILE)])

    @pl.when(cid == 1)
    def _():
        pltpu.sync_copy(tot_v, p1_hbm.at[pl.ds(nbase, _NODES_PER_TILE)])

    plsc.subcore_barrier()

    @pl.when(sid == 0)
    def _():
        flag_v[pl.ds(0, _L)] = jnp.ones((_L,), jnp.float32)
        pltpu.sync_copy(flag_v, flag_hbm.at[cid])

    def poll_cond(s):
        return s < 15.5

    def poll_body(s):
        pltpu.sync_copy(flag_hbm.at[1 - cid], flag_v)
        return jnp.sum(flag_v[pl.ds(0, _L)])

    lax.while_loop(poll_cond, poll_body, jnp.float32(0.0))

    da = pltpu.async_copy(p0_hbm, acc_v, sem0)
    db = pltpu.async_copy(p1_hbm, sum2_v, sem1)
    da.wait()
    db.wait()

    one = jnp.ones((_L,), jnp.float32)

    def comb_body(j, _):
        for u in range(4):
            sl = pl.ds((j * 4 + u) * _L, _L)
            acc_v[sl] = one / (acc_v[sl] + sum2_v[sl])
        return 0

    lax.fori_loop(0, _NPAD // (4 * _L), comb_body, 0)

    def div_body(gg, _):
        for u in range(2):
            g = gg * 2 + u
            sl = pl.ds(g * _L, _L)
            srcv = sidx_v[pl.ds(loff + g * _L, _L)]
            sv = plsc.load_gather(acc_v, [srcv])
            sum2_v[sl] = expall_v[sl] * sv
        return 0

    lax.fori_loop(0, cnt * _GROUPS // 2, div_body, 0)

    pltpu.sync_copy(sum2_v.at[pl.ds(0, main_words)],
                    out_hbm.at[pl.ds(e0, main_words)])

    @pl.when(cnt == _BASE_CNT + 1)
    def _():
        pltpu.sync_copy(sum2_v.at[pl.ds(main_words, _CH)],
                        out_hbm.at[pl.ds(e0 + main_words, _CH)])


def _rowwise_groups(qr, kr, sidx_v, expall_v, acc_v, smask, lane, c, o):
    def group_body(g, carry):
        dots = jnp.zeros((_L,), jnp.float32)
        for e in range(_L):
            prod = jnp.zeros((_L,), jnp.float32)
            row = g * _L + e
            for j in range(_FQK // (2 * _L)):
                sl = pl.ds(j * 2 * _L, 2 * _L)
                pp = qr[row, sl] * kr[row, sl]
                pa, pb = plsc.unpack(
                    pp, format=plsc.PackFormat.INTERLEAVED,
                    preferred_element_type=jnp.float32)
                prod = prod + pa + pb
            dots = jnp.where(lane == e, jnp.sum(prod), dots)
        ev = jnp.exp(dots)
        expall_v[pl.ds(c * _CH + g * _L, _L)] = ev
        srcv = sidx_v[pl.ds(o + g * _L, _L)]
        plsc.addupdate_scatter(acc_v, [srcv], ev, mask=smask)
        return carry

    return group_body


def _edge_kernel(q, k, ei):
    mesh = plsc.VectorSubcoreMesh(core_axis_name="c", subcore_axis_name="s")
    kfn = pl.kernel(
        _edge_body,
        out_type=(
            jax.ShapeDtypeStruct((_E,), jnp.float32),
            jax.ShapeDtypeStruct((_NPAD,), jnp.float32),
            jax.ShapeDtypeStruct((_NPAD,), jnp.float32),
            jax.ShapeDtypeStruct((_NC, _L), jnp.float32),
        ),
        mesh=mesh,
        compiler_params=_SC_PARAMS,
        scratch_types=(
            pltpu.VMEM((_SPAN,), jnp.int32),
            pltpu.VMEM((_SPAN,), jnp.int32),
            pltpu.VMEM((_CH, _FQK), jnp.bfloat16),
            pltpu.VMEM((_CH, _FQK), jnp.bfloat16),
            pltpu.VMEM((_CH, _FQK), jnp.bfloat16),
            pltpu.VMEM((_CH, _FQK), jnp.bfloat16),
            pltpu.VMEM((_SPAN,), jnp.float32),
            pltpu.VMEM((_NPAD,), jnp.float32),
            pltpu.VMEM((_NPAD,), jnp.float32),
            pltpu.VMEM((_NS, _NODES_PER_TILE), jnp.float32),
            pltpu.VMEM((_NODES_PER_TILE,), jnp.float32),
            pltpu.VMEM((_L,), jnp.float32),
            pltpu.VMEM_SHARED((_NS, _NPAD), jnp.float32),
            pltpu.SemaphoreType.DMA,
            pltpu.SemaphoreType.DMA,
        ),
    )
    out, _, _, _ = kfn(q, k, ei)
    return out


def kernel(x, batch, ei, W):
    del batch
    q, k = _project(x, W)
    return _edge_kernel(q, k, ei)

# --- scband reference (transcript-rebuilt; emitter-appended) ---
"""Pipeline reference for scband-attention-layer-sparse-20177756356658 (READ-ONLY COPY).

The authoritative reference and input builder live on the scoring server;
editing this copy changes nothing except your own understanding.
"""

import jax, jax.numpy as jnp
import numpy as np

FIN = 128
FQK = 64
N_NODES = 10000
N_EDGES = 320000
N_GRAPHS = 16

def setup_inputs(seed: int = 0) -> dict:
    key = jax.random.key(seed)
    k1, k2, k3, k4 = jax.random.split(key, 4)
    x = jax.random.normal(k1, (N_NODES, FIN), dtype=jnp.float32)
    batch = jnp.sort(jax.random.randint(k2, (N_NODES,), 0, N_GRAPHS, dtype=jnp.int32))
    ei = jax.random.randint(k3, (2, N_EDGES), 0, N_NODES, dtype=jnp.int32)
    # nn.Linear(Fin, 2*Fqk, bias=False) weight, stored as [Fin, 2*Fqk] so we do x @ W
    bound = 1.0 / np.sqrt(FIN)
    W = jax.random.uniform(k4, (FIN, 2 * FQK), dtype=jnp.float32, minval=-bound, maxval=bound)
    return {"x": x, "batch": batch, "ei": ei, "W": W}

def reference(x, batch, ei, W):
    src = ei[0]
    dest = ei[1]
    # B = batch[-1] + 1  (computed in original forward but unused)
    scaling = float(FQK) ** (-0.5)
    qk = x @ W                      # proj(x), [N, 2*Fqk]
    q, k = jnp.split(qk, 2, axis=-1)
    q = q * scaling
    qs = q[src]                     # gather per-edge queries  [E, Fqk]
    ks = k[dest]                    # gather per-edge keys     [E, Fqk]
    aw = jnp.sum(qs * ks, axis=-1)  # bmm of [E,1,Fqk] @ [E,Fqk,1] squeezed -> [E]
    # scatter_softmax over segments given by src
    exp = jnp.exp(aw)
    expsum = jax.ops.segment_sum(exp, src, num_segments=x.shape[0])
    aw = exp / expsum[src]
    return aw

if __name__ == "__main__":
    import jax
    _d = setup_inputs()
    print(jax.jit(kernel)(*tuple(_d.values())))

</pallas_src>

<mosaic_0001>
#map = affine_map<(d0, d1) -> (0, 0)>
#map1 = affine_map<(d0, d1) -> (0)>
module attributes {stable_mosaic.version = 14 : i64} {
  func.func @_edge_body(%arg0: i32, %arg1: i32, %arg2: memref<10000x64xbf16, #tpu.memory_space<hbm>>, %arg3: memref<10000x64xbf16, #tpu.memory_space<hbm>>, %arg4: memref<2x320000xi32, #tpu.memory_space<hbm>>, %arg5: memref<320000xf32, #tpu.memory_space<hbm>>, %arg6: memref<10240xf32, #tpu.memory_space<hbm>>, %arg7: memref<10240xf32, #tpu.memory_space<hbm>>, %arg8: memref<2x16xf32, #tpu.memory_space<hbm>>, %arg9: memref<10240xi32, #tpu.memory_space<vmem>>, %arg10: memref<10240xi32, #tpu.memory_space<vmem>>, %arg11: memref<128x64xbf16, #tpu.memory_space<vmem>>, %arg12: memref<128x64xbf16, #tpu.memory_space<vmem>>, %arg13: memref<128x64xbf16, #tpu.memory_space<vmem>>, %arg14: memref<128x64xbf16, #tpu.memory_space<vmem>>, %arg15: memref<10240xf32, #tpu.memory_space<vmem>>, %arg16: memref<10240xf32, #tpu.memory_space<vmem>>, %arg17: memref<10240xf32, #tpu.memory_space<vmem>>, %arg18: memref<16x640xf32, #tpu.memory_space<vmem>>, %arg19: memref<640xf32, #tpu.memory_space<vmem>>, %arg20: memref<16xf32, #tpu.memory_space<vmem>>, %arg21: memref<16x10240xf32, #tpu.memory_space<vmem_shared>>, %arg22: memref<!tpu.dma_semaphore, #tpu.memory_space<semaphore_mem>>, %arg23: memref<!tpu.dma_semaphore, #tpu.memory_space<semaphore_mem>>) attributes {dimension_semantics = [#tpu.dimension_semantics<core_parallel>, #tpu.dimension_semantics<subcore_parallel>], iteration_bounds = array<i64: 2, 16>, scalar_prefetch = 0 : i64, scratch_operands = 15 : i64, tpu.core_type = #tpu.core_type<sc_vector_subcore>, window_params = [{transform_indices = #map}, {transform_indices = #map}, {transform_indices = #map}, {transform_indices = #map1}, {transform_indices = #map1}, {transform_indices = #map1}, {transform_indices = #map}]} {
    %mul3A = arith.constant 2 : i32
    %mul3A_0 = arith.muli %arg1, %mul3A : i32
    %add3A = arith.addi %mul3A_0, %arg0 : i32
    %mul3A_1 = arith.constant 78 : i32
    %mul3A_2 = arith.muli %add3A, %mul3A_1 : i32
    %min3A = arith.constant 4 : i32
    %min3A_3 = arith.minsi %add3A, %min3A : i32
    %add3A_4 = arith.addi %mul3A_2, %min3A_3 : i32
    %lt3A = arith.constant 4 : i32
    %lt3A_5 = arith.cmpi slt, %add3A, %lt3A : i32
    %jit3A = arith.constant 1 : i32
    %jit3A_6 = arith.constant 0 : i32
    %select_n3A = arith.select %lt3A_5, %jit3A, %jit3A_6 : i32
    %add3A_7 = arith.constant 78 : i32
    %add3A_8 = arith.addi %add3A_7, %select_n3A : i32
    %mul3A_9 = arith.constant 128 : i32
    %mul3A_10 = arith.muli %add3A_4, %mul3A_9 : i32
    %eq3A = arith.constant 0 : i32
    %eq3A_11 = arith.cmpi eq, %arg1, %eq3A : i32
    %convert_element_type3A = arith.extui %eq3A_11 : i1 to i32
    %cond3A = arith.constant 0 : i32
    %cond3A_12 = arith.cmpi ne, %convert_element_type3A, %cond3A : i32
    scf.if %cond3A_12 {
      %broadcast_in_dim3A_132 = arith.constant 0.000000e+00 : f32
      %broadcast_in_dim3A_133 = vector.broadcast %broadcast_in_dim3A_132 : f32 to vector<16xf32>
      %swap3A = arith.constant 0 : index
      %swap3A_134 = tpu.vector_load %arg20[%swap3A] {strides = array<i32>} : memref<16xf32, #tpu.memory_space<vmem>>, vector<16xf32>,
      tpu.vector_store %arg20[%swap3A], %broadcast_in_dim3A_133 {strides = array<i32>} : memref<16xf32, #tpu.memory_space<vmem>>, vector<16xf32>,
      "tpu.region"() ({
        %run_scoped3A = tpu.sem_alloc : memref<!tpu.dma_semaphore, #tpu.memory_space<semaphore_mem>>
        %dma_start3A_135 = arith.constant 0 : i32
        %dma_start3A_136 = tpu.memref_slice %arg8[%arg0, %dma_start3A_135] : memref<2x16xf32, #tpu.memory_space<hbm>> -> memref<1x16xf32, #tpu.memory_space<hbm>>
        %dma_start3A_137 = tpu.memref_squeeze %dma_start3A_136 : memref<1x16xf32, #tpu.memory_space<hbm>> -> memref<16xf32, #tpu.memory_space<hbm>>
        %dma_start3A_138 = arith.constant 0 : i32
        %dma_start3A_139 = tpu.memref_slice %arg8[%arg0, %dma_start3A_138] : memref<2x16xf32, #tpu.memory_space<hbm>> -> memref<1x16xf32, #tpu.memory_space<hbm>>
        %dma_start3A_140 = tpu.memref_squeeze %dma_start3A_139 : memref<1x16xf32, #tpu.memory_space<hbm>> -> memref<16xf32, #tpu.memory_space<hbm>>
        tpu.enqueue_dma source(%arg20 : memref<16xf32, #tpu.memory_space<vmem>>) target(%dma_start3A_140 : memref<16xf32, #tpu.memory_space<hbm>>) target_semaphore(%run_scoped3A : memref<!tpu.dma_semaphore, #tpu.memory_space<semaphore_mem>>)
        %dma_wait3A_141 = arith.constant 0 : i32
        %dma_wait3A_142 = tpu.memref_slice %arg8[%arg0, %dma_wait3A_141] : memref<2x16xf32, #tpu.memory_space<hbm>> -> memref<1x16xf32, #tpu.memory_space<hbm>>
        %dma_wait3A_143 = tpu.memref_squeeze %dma_wait3A_142 : memref<1x16xf32, #tpu.memory_space<hbm>> -> memref<16xf32, #tpu.memory_space<hbm>>
        %dma_wait3A_144 = arith.constant 0 : i32
        %dma_wait3A_145 = tpu.memref_slice %arg8[%arg0, %dma_wait3A_144] : memref<2x16xf32, #tpu.memory_space<hbm>> -> memref<1x16xf32, #tpu.memory_space<hbm>>
        %dma_wait3A_146 = tpu.memref_squeeze %dma_wait3A_145 : memref<1x16xf32, #tpu.memory_space<hbm>> -> memref<16xf32, #tpu.memory_space<hbm>>
        tpu.wait_dma2 semaphore(%run_scoped3A : memref<!tpu.dma_semaphore, #tpu.memory_space<semaphore_mem>>) src(%arg20 : memref<16xf32, #tpu.memory_space<vmem>>) dst(%dma_wait3A_146 : memref<16xf32, #tpu.memory_space<hbm>>)
        tpu.yield
      }) : () -> ()
    } else {
    }
    %min3A_13 = arith.constant 309760 : i32
    %min3A_14 = arith.minsi %mul3A_10, %min3A_13 : i32
    %sub3A = arith.subi %mul3A_10, %min3A_14 : i32
    %dma_start3A = arith.constant 0 : i32
    %dma_start3A_15 = tpu.memref_slice %arg4[%dma_start3A, %min3A_14] : memref<2x320000xi32, #tpu.memory_space<hbm>> -> memref<1x10240xi32, #tpu.memory_space<hbm>>
    %dma_start3A_16 = tpu.memref_squeeze %dma_start3A_15 : memref<1x10240xi32, #tpu.memory_space<hbm>> -> memref<10240xi32, #tpu.memory_space<hbm>>
    %dma_start3A_17 = tpu.memref_slice %arg4[%dma_start3A, %min3A_14] : memref<2x320000xi32, #tpu.memory_space<hbm>> -> memref<1x10240xi32, #tpu.memory_space<hbm>>
    %dma_start3A_18 = tpu.memref_squeeze %dma_start3A_17 : memref<1x10240xi32, #tpu.memory_space<hbm>> -> memref<10240xi32, #tpu.memory_space<hbm>>
    tpu.enqueue_dma source(%dma_start3A_18 : memref<10240xi32, #tpu.memory_space<hbm>>) target(%arg9 : memref<10240xi32, #tpu.memory_space<vmem>>) target_semaphore(%arg22 : memref<!tpu.dma_semaphore, #tpu.memory_space<semaphore_mem>>)
    %dma_start3A_19 = arith.constant 1 : i32
    %dma_start3A_20 = tpu.memref_slice %arg4[%dma_start3A_19, %min3A_14] : memref<2x320000xi32, #tpu.memory_space<hbm>> -> memref<1x10240xi32, #tpu.memory_space<hbm>>
    %dma_start3A_21 = tpu.memref_squeeze %dma_start3A_20 : memref<1x10240xi32, #tpu.memory_space<hbm>> -> memref<10240xi32, #tpu.memory_space<hbm>>
    %dma_start3A_22 = tpu.memref_slice %arg4[%dma_start3A_19, %min3A_14] : memref<2x320000xi32, #tpu.memory_space<hbm>> -> memref<1x10240xi32, #tpu.memory_space<hbm>>
    %dma_start3A_23 = tpu.memref_squeeze %dma_start3A_22 : memref<1x10240xi32, #tpu.memory_space<hbm>> -> memref<10240xi32, #tpu.memory_space<hbm>>
    tpu.enqueue_dma source(%dma_start3A_23 : memref<10240xi32, #tpu.memory_space<hbm>>) target(%arg10 : memref<10240xi32, #tpu.memory_space<vmem>>) target_semaphore(%arg22 : memref<!tpu.dma_semaphore, #tpu.memory_space<semaphore_mem>>)
    %dma_wait3A = arith.constant 0 : i32
    %dma_wait3A_24 = tpu.memref_slice %arg4[%dma_wait3A, %min3A_14] : memref<2x320000xi32, #tpu.memory_space<hbm>> -> memref<1x10240xi32, #tpu.memory_space<hbm>>
    %dma_wait3A_25 = tpu.memref_squeeze %dma_wait3A_24 : memref<1x10240xi32, #tpu.memory_space<hbm>> -> memref<10240xi32, #tpu.memory_space<hbm>>
    %dma_wait3A_26 = tpu.memref_slice %arg4[%dma_wait3A, %min3A_14] : memref<2x320000xi32, #tpu.memory_space<hbm>> -> memref<1x10240xi32, #tpu.memory_space<hbm>>
    %dma_wait3A_27 = tpu.memref_squeeze %dma_wait3A_26 : memref<1x10240xi32, #tpu.memory_space<hbm>> -> memref<10240xi32, #tpu.memory_space<hbm>>
    tpu.wait_dma2 semaphore(%arg22 : memref<!tpu.dma_semaphore, #tpu.memory_space<semaphore_mem>>) src(%dma_wait3A_27 : memref<10240xi32, #tpu.memory_space<hbm>>) dst(%arg9 : memref<10240xi32, #tpu.memory_space<vmem>>)
    %dma_wait3A_28 = arith.constant 1 : i32
    %dma_wait3A_29 = tpu.memref_slice %arg4[%dma_wait3A_28, %min3A_14] : memref<2x320000xi32, #tpu.memory_space<hbm>> -> memref<1x10240xi32, #tpu.memory_space<hbm>>
    %dma_wait3A_30 = tpu.memref_squeeze %dma_wait3A_29 : memref<1x10240xi32, #tpu.memory_space<hbm>> -> memref<10240xi32, #tpu.memory_space<hbm>>
    %dma_wait3A_31 = tpu.memref_slice %arg4[%dma_wait3A_28, %min3A_14] : memref<2x320000xi32, #tpu.memory_space<hbm>> -> memref<1x10240xi32, #tpu.memory_space<hbm>>
    %dma_wait3A_32 = tpu.memref_squeeze %dma_wait3A_31 : memref<1x10240xi32, #tpu.memory_space<hbm>> -> memref<10240xi32, #tpu.memory_space<hbm>>
    tpu.wait_dma2 semaphore(%arg22 : memref<!tpu.dma_semaphore, #tpu.memory_space<semaphore_mem>>) src(%dma_wait3A_32 : memref<10240xi32, #tpu.memory_space<hbm>>) dst(%arg10 : memref<10240xi32, #tpu.memory_space<vmem>>)
    %broadcast_in_dim3A = arith.constant 0.000000e+00 : f32
    %broadcast_in_dim3A_33 = vector.broadcast %broadcast_in_dim3A : f32 to vector<16xf32>
    %scan3A = arith.constant 0 : i32
    %scan3A_34 = arith.constant 0 : i32
    %scan3A_35 = arith.constant 160 : i32
    %scan3A_36 = arith.addi %scan3A_34, %scan3A_35 : i32
    %scan3A_37 = arith.constant 1 : i32
    %scan3A_38 = scf.for %scan3A_132 = %scan3A_34 to %scan3A_36 step %scan3A_37 iter_args(%scan3A_133 = %scan3A) -> (i32)  : i32 {
      %mul3A_134 = arith.constant 4 : i32
      %mul3A_135 = arith.muli %scan3A_132, %mul3A_134 : i32
      %add3A_136 = arith.constant 0 : i32
      %add3A_137 = arith.addi %mul3A_135, %add3A_136 : i32
      %mul3A_138 = arith.constant 16 : i32
      %mul3A_139 = arith.muli %add3A_137, %mul3A_138 : i32
      %swap3A = arith.index_cast %mul3A_139 : i32 to index
      %swap3A_140 = tpu.vector_load %arg16[%swap3A] {strides = array<i32>} : memref<10240xf32, #tpu.memory_space<vmem>>, vector<16xf32>,
      tpu.vector_store %arg16[%swap3A], %broadcast_in_dim3A_33 {strides = array<i32>} : memref<10240xf32, #tpu.memory_space<vmem>>, vector<16xf32>,
      %mul3A_141 = arith.constant 4 : i32
      %mul3A_142 = arith.muli %scan3A_132, %mul3A_141 : i32
      %add3A_143 = arith.constant 1 : i32
      %add3A_144 = arith.addi %mul3A_142, %add3A_143 : i32
      %mul3A_145 = arith.constant 16 : i32
      %mul3A_146 = arith.muli %add3A_144, %mul3A_145 : i32
      %swap3A_147 = arith.index_cast %mul3A_146 : i32 to index
      %swap3A_148 = tpu.vector_load %arg16[%swap3A_147] {strides = array<i32>} : memref<10240xf32, #tpu.memory_space<vmem>>, vector<16xf32>,
      tpu.vector_store %arg16[%swap3A_147], %broadcast_in_dim3A_33 {strides = array<i32>} : memref<10240xf32, #tpu.memory_space<vmem>>, vector<16xf32>,
      %mul3A_149 = arith.constant 4 : i32
      %mul3A_150 = arith.muli %scan3A_132, %mul3A_149 : i32
      %add3A_151 = arith.constant 2 : i32
      %add3A_152 = arith.addi %mul3A_150, %add3A_151 : i32
      %mul3A_153 = arith.constant 16 : i32
      %mul3A_154 = arith.muli %add3A_152, %mul3A_153 : i32
      %swap3A_155 = arith.index_cast %mul3A_154 : i32 to index
      %swap3A_156 = tpu.vector_load %arg16[%swap3A_155] {strides = array<i32>} : memref<10240xf32, #tpu.memory_space<vmem>>, vector<16xf32>,
      tpu.vector_store %arg16[%swap3A_155], %broadcast_in_dim3A_33 {strides = array<i32>} : memref<10240xf32, #tpu.memory_space<vmem>>, vector<16xf32>,
      %mul3A_157 = arith.constant 4 : i32
      %mul3A_158 = arith.muli %scan3A_132, %mul3A_157 : i32
      %add3A_159 = arith.constant 3 : i32
      %add3A_160 = arith.addi %mul3A_158, %add3A_159 : i32
      %mul3A_161 = arith.constant 16 : i32
      %mul3A_162 = arith.muli %add3A_160, %mul3A_161 : i32
      %swap3A_163 = arith.index_cast %mul3A_162 : i32 to index
      %swap3A_164 = tpu.vector_load %arg16[%swap3A_163] {strides = array<i32>} : memref<10240xf32, #tpu.memory_space<vmem>>, vector<16xf32>,
      tpu.vector_store %arg16[%swap3A_163], %broadcast_in_dim3A_33 {strides = array<i32>} : memref<10240xf32, #tpu.memory_space<vmem>>, vector<16xf32>,
      %scan3A_165 = arith.constant 0 : i32
      scf.yield %scan3A_165 : i32
    }
    %scan3A_39 = arith.constant 160 : i32
    %add3A_40 = arith.constant 0 : i32
    %add3A_41 = arith.addi %sub3A, %add3A_40 : i32
    %min3A_42 = arith.constant 10112 : i32
    %min3A_43 = arith.minsi %add3A_41, %min3A_42 : i32
    %dma_start3A_44 = tpu.memref_slice %arg9[%min3A_43] : memref<10240xi32, #tpu.memory_space<vmem>> -> memref<128xi32, #tpu.memory_space<vmem>>
    %dma_start3A_45 = arith.constant 0 : i32
    %dma_start3A_46 = arith.constant 0 : i32
    %dma_start3A_47 = tpu.memref_slice %arg2[%dma_start3A_45, %dma_start3A_46] : memref<10000x64xbf16, #tpu.memory_space<hbm>> -> memref<10000x64xbf16, #tpu.memory_space<hbm>>
    tpu.enqueue_indirect_dma source(%dma_start3A_47 : memref<10000x64xbf16, #tpu.memory_space<hbm>>) target(%arg11 : memref<128x64xbf16, #tpu.memory_space<vmem>>) offsets(%dma_start3A_44 : memref<128xi32, #tpu.memory_space<vmem>>) semaphore(%arg22 : memref<!tpu.dma_semaphore, #tpu.memory_space<semaphore_mem>>)
    %dma_start3A_48 = tpu.memref_slice %arg10[%min3A_43] : memref<10240xi32, #tpu.memory_space<vmem>> -> memref<128xi32, #tpu.memory_space<vmem>>
    %dma_start3A_49 = arith.constant 0 : i32
    %dma_start3A_50 = arith.constant 0 : i32
    %dma_start3A_51 = tpu.memref_slice %arg3[%dma_start3A_49, %dma_start3A_50] : memref<10000x64xbf16, #tpu.memory_space<hbm>> -> memref<10000x64xbf16, #tpu.memory_space<hbm>>
    tpu.enqueue_indirect_dma source(%dma_start3A_51 : memref<10000x64xbf16, #tpu.memory_space<hbm>>) target(%arg12 : memref<128x64xbf16, #tpu.memory_space<vmem>>) offsets(%dma_start3A_48 : memref<128xi32, #tpu.memory_space<vmem>>) semaphore(%arg22 : memref<!tpu.dma_semaphore, #tpu.memory_space<semaphore_mem>>)
    %iota3A = tpu.iota {dimensions = array<i32: 0>} : vector<16xi32>
    %scan3A_52 = arith.constant 0 : i32
    %scan3A_53 = arith.constant 0 : i32
    %scan3A_54 = arith.constant 40 : i32
    %scan3A_55 = arith.addi %scan3A_53, %scan3A_54 : i32
    %scan3A_56 = arith.constant 1 : i32
    %scan3A_57 = scf.for %scan3A_132 = %scan3A_53 to %scan3A_55 step %scan3A_56 iter_args(%scan3A_133 = %scan3A_52) -> (i32)  : i32 {
      %mul3A_134 = arith.constant 2 : i32
      %mul3A_135 = arith.muli %scan3A_132, %mul3A_134 : i32
      %add3A_136 = arith.constant 0 : i32
      %add3A_137 = arith.addi %mul3A_135, %add3A_136 : i32
      %add3A_138 = arith.constant 1 : i32
      %add3A_139 = arith.addi %add3A_137, %add3A_138 : i32
      %lt3A_140 = arith.constant 80 : i32
      %lt3A_141 = arith.cmpi slt, %add3A_139, %lt3A_140 : i32
      %convert_element_type3A_142 = arith.extui %lt3A_141 : i1 to i32
      %cond3A_143 = arith.constant 0 : i32
      %cond3A_144 = arith.cmpi ne, %convert_element_type3A_142, %cond3A_143 : i32
      scf.if %cond3A_144 {
        %add3A_199 = arith.constant 1 : i32
        %add3A_200 = arith.addi %add3A_137, %add3A_199 : i32
        %mul3A_201 = arith.constant 128 : i32
        %mul3A_202 = arith.muli %add3A_200, %mul3A_201 : i32
        %add3A_203 = arith.addi %sub3A, %mul3A_202 : i32
        %min3A_204 = arith.constant 10112 : i32
        %min3A_205 = arith.minsi %add3A_203, %min3A_204 : i32
        %dma_start3A_206 = tpu.memref_slice %arg9[%min3A_205] : memref<10240xi32, #tpu.memory_space<vmem>> -> memref<128xi32, #tpu.memory_space<vmem>>
        %dma_start3A_207 = arith.constant 0 : i32
        %dma_start3A_208 = arith.constant 0 : i32
        %dma_start3A_209 = tpu.memref_slice %arg2[%dma_start3A_207, %dma_start3A_208] : memref<10000x64xbf16, #tpu.memory_space<hbm>> -> memref<10000x64xbf16, #tpu.memory_space<hbm>>
        tpu.enqueue_indirect_dma source(%dma_start3A_209 : memref<10000x64xbf16, #tpu.memory_space<hbm>>) target(%arg13 : memref<128x64xbf16, #tpu.memory_space<vmem>>) offsets(%dma_start3A_206 : memref<128xi32, #tpu.memory_space<vmem>>) semaphore(%arg23 : memref<!tpu.dma_semaphore, #tpu.memory_space<semaphore_mem>>)
        %dma_start3A_210 = tpu.memref_slice %arg10[%min3A_205] : memref<10240xi32, #tpu.memory_space<vmem>> -> memref<128xi32, #tpu.memory_space<vmem>>
        %dma_start3A_211 = arith.constant 0 : i32
        %dma_start3A_212 = arith.constant 0 : i32
        %dma_start3A_213 = tpu.memref_slice %arg3[%dma_start3A_211, %dma_start3A_212] : memref<10000x64xbf16, #tpu.memory_space<hbm>> -> memref<10000x64xbf16, #tpu.memory_space<hbm>>
        tpu.enqueue_indirect_dma source(%dma_start3A_213 : memref<10000x64xbf16, #tpu.memory_space<hbm>>) target(%arg14 : memref<128x64xbf16, #tpu.memory_space<vmem>>) offsets(%dma_start3A_210 : memref<128xi32, #tpu.memory_space<vmem>>) semaphore(%arg23 : memref<!tpu.dma_semaphore, #tpu.memory_space<semaphore_mem>>)
      } else {
      }
      %mul3A_145 = arith.constant 128 : i32
      %mul3A_146 = arith.muli %add3A_137, %mul3A_145 : i32
      %add3A_147 = arith.addi %sub3A, %mul3A_146 : i32
      %min3A_148 = arith.constant 10112 : i32
      %min3A_149 = arith.minsi %add3A_147, %min3A_148 : i32
      %dma_wait3A_150 = tpu.memref_slice %arg9[%min3A_149] : memref<10240xi32, #tpu.memory_space<vmem>> -> memref<128xi32, #tpu.memory_space<vmem>>
      %dma_wait3A_151 = arith.constant 0 : i32
      %dma_wait3A_152 = arith.constant 0 : i32
      %dma_wait3A_153 = tpu.memref_slice %arg2[%dma_wait3A_151, %dma_wait3A_152] : memref<10000x64xbf16, #tpu.memory_space<hbm>> -> memref<10000x64xbf16, #tpu.memory_space<hbm>>
      tpu.wait_indirect_dma semaphore(%arg22 : memref<!tpu.dma_semaphore, #tpu.memory_space<semaphore_mem>>) src(%dma_wait3A_153 : memref<10000x64xbf16, #tpu.memory_space<hbm>>) dst(%arg11 : memref<128x64xbf16, #tpu.memory_space<vmem>>)
      %dma_wait3A_154 = tpu.memref_slice %arg10[%min3A_149] : memref<10240xi32, #tpu.memory_space<vmem>> -> memref<128xi32, #tpu.memory_space<vmem>>
      %dma_wait3A_155 = arith.constant 0 : i32
      %dma_wait3A_156 = arith.constant 0 : i32
      %dma_wait3A_157 = tpu.memref_slice %arg3[%dma_wait3A_155, %dma_wait3A_156] : memref<10000x64xbf16, #tpu.memory_space<hbm>> -> memref<10000x64xbf16, #tpu.memory_space<hbm>>
      tpu.wait_indirect_dma semaphore(%arg22 : memref<!tpu.dma_semaphore, #tpu.memory_space<semaphore_mem>>) src(%dma_wait3A_157 : memref<10000x64xbf16, #tpu.memory_space<hbm>>) dst(%arg12 : memref<128x64xbf16, #tpu.memory_space<vmem>>)
      %lt3A_158 = arith.cmpi slt, %add3A_137, %add3A_8 : i32
      %broadcast_in_dim3A_159 = vector.broadcast %lt3A_158 : i1 to vector<16xi1>
      %scan3A_160 = arith.constant 0 : i32
      %scan3A_161 = arith.constant 0 : i32
      %scan3A_162 = arith.constant 8 : i32
      %scan3A_163 = arith.addi %scan3A_161, %scan3A_162 : i32
      %scan3A_164 = arith.constant 1 : i32
      scf.for %scan3A_199 = %scan3A_161 to %scan3A_163 step %scan3A_164  : i32 {
        %broadcast_in_dim3A_200 = arith.constant 0.000000e+00 : f32
        %broadcast_in_dim3A_201 = vector.broadcast %broadcast_in_dim3A_200 : f32 to vector<16xf32>
        %broadcast_in_dim3A_202 = arith.constant 0.000000e+00 : f32
        %broadcast_in_dim3A_203 = vector.broadcast %broadcast_in_dim3A_202 : f32 to vector<16xf32>
        %mul3A_204 = arith.constant 16 : i32
        %mul3A_205 = arith.muli %scan3A_199, %mul3A_204 : i32
        %add3A_206 = arith.constant 0 : i32
        %add3A_207 = arith.addi %mul3A_205, %add3A_206 : i32
        %get3A = arith.index_cast %add3A_207 : i32 to index
        %get3A_208 = arith.constant 0 : index
        %get3A_209 = tpu.vector_load %arg11[%get3A, %get3A_208] {strides = array<i32>} : memref<128x64xbf16, #tpu.memory_space<vmem>>, vector<32xbf16>,
        %get3A_210 = arith.index_cast %add3A_207 : i32 to index
        %get3A_211 = arith.constant 0 : index
        %get3A_212 = tpu.vector_load %arg12[%get3A_210, %get3A_211] {strides = array<i32>} : memref<128x64xbf16, #tpu.memory_space<vmem>>, vector<32xbf16>,
        %mul3A_213 = arith.mulf %get3A_209, %get3A_212 : vector<32xbf16>
        %unpack3A = tpu.unpack_subelements %mul3A_213, 0 {pack_format = #tpu.pack_format<interleaved>} : vector<32xbf16> -> vector<16xf32>
        %unpack3A_214 = tpu.unpack_subelements %mul3A_213, 1 {pack_format = #tpu.pack_format<interleaved>} : vector<32xbf16> -> vector<16xf32>
        %add3A_215 = arith.addf %broadcast_in_dim3A_203, %unpack3A : vector<16xf32>
        %add3A_216 = arith.addf %add3A_215, %unpack3A_214 : vector<16xf32>
        %get3A_217 = arith.index_cast %add3A_207 : i32 to index
        %get3A_218 = arith.constant 32 : index
        %get3A_219 = tpu.vector_load %arg11[%get3A_217, %get3A_218] {strides = array<i32>} : memref<128x64xbf16, #tpu.memory_space<vmem>>, vector<32xbf16>,
        %get3A_220 = arith.index_cast %add3A_207 : i32 to index
        %get3A_221 = arith.constant 32 : index
        %get3A_222 = tpu.vector_load %arg12[%get3A_220, %get3A_221] {strides = array<i32>} : memref<128x64xbf16, #tpu.memory_space<vmem>>, vector<32xbf16>,
        %mul3A_223 = arith.mulf %get3A_219, %get3A_222 : vector<32xbf16>
        %unpack3A_224 = tpu.unpack_subelements %mul3A_223, 0 {pack_format = #tpu.pack_format<interleaved>} : vector<32xbf16> -> vector<16xf32>
        %unpack3A_225 = tpu.unpack_subelements %mul3A_223, 1 {pack_format = #tpu.pack_format<interleaved>} : vector<32xbf16> -> vector<16xf32>
        %add3A_226 = arith.addf %add3A_216, %unpack3A_224 : vector<16xf32>
        %add3A_227 = arith.addf %add3A_226, %unpack3A_225 : vector<16xf32>
        %eq3A_228 = arith.constant 0 : i32
        %eq3A_229 = vector.broadcast %eq3A_228 : i32 to vector<16xi32>
        %eq3A_230 = arith.cmpi eq, %iota3A, %eq3A_229 : vector<16xi32>
        %reduce_sum3A = arith.constant true
        %reduce_sum3A_231 = vector.broadcast %reduce_sum3A : i1 to vector<16xi1>
        %reduce_sum3A_232 = tpu.scan <sum>, %add3A_227 masked %reduce_sum3A_231 : vector<16xf32>, vector<16xi1> -> vector<16xf32>
        %reduce_sum3A_233 = vector.extract %reduce_sum3A_232[15] : f32 from vector<16xf32>
        %broadcast_in_dim3A_234 = vector.broadcast %reduce_sum3A_233 : f32 to vector<16xf32>
        %select_n3A_235 = arith.select %eq3A_230, %broadcast_in_dim3A_234, %broadcast_in_dim3A_201 : vector<16xi1>, vector<16xf32>
        %broadcast_in_dim3A_236 = arith.constant 0.000000e+00 : f32
        %broadcast_in_dim3A_237 = vector.broadcast %broadcast_in_dim3A_236 : f32 to vector<16xf32>
        %mul3A_238 = arith.constant 16 : i32
        %mul3A_239 = arith.muli %scan3A_199, %mul3A_238 : i32
        %add3A_240 = arith.constant 1 : i32
        %add3A_241 = arith.addi %mul3A_239, %add3A_240 : i32
        %get3A_242 = arith.index_cast %add3A_241 : i32 to index
        %get3A_243 = arith.constant 0 : index
        %get3A_244 = tpu.vector_load %arg11[%get3A_242, %get3A_243] {strides = array<i32>} : memref<128x64xbf16, #tpu.memory_space<vmem>>, vector<32xbf16>,
        %get3A_245 = arith.index_cast %add3A_241 : i32 to index
        %get3A_246 = arith.constant 0 : index
        %get3A_247 = tpu.vector_load %arg12[%get3A_245, %get3A_246] {strides = array<i32>} : memref<128x64xbf16, #tpu.memory_space<vmem>>, vector<32xbf16>,
        %mul3A_248 = arith.mulf %get3A_244, %get3A_247 : vector<32xbf16>
        %unpack3A_249 = tpu.unpack_subelements %mul3A_248, 0 {pack_format = #tpu.pack_format<interleaved>} : vector<32xbf16> -> vector<16xf32>
        %unpack3A_250 = tpu.unpack_subelements %mul3A_248, 1 {pack_format = #tpu.pack_format<interleaved>} : vector<32xbf16> -> vector<16xf32>
        %add3A_251 = arith.addf %broadcast_in_dim3A_237, %unpack3A_249 : vector<16xf32>
        %add3A_252 = arith.addf %add3A_251, %unpack3A_250 : vector<16xf32>
        %get3A_253 = arith.index_cast %add3A_241 : i32 to index
        %get3A_254 = arith.constant 32 : index
        %get3A_255 = tpu.vector_load %arg11[%get3A_253, %get3A_254] {strides = array<i32>} : memref<128x64xbf16, #tpu.memory_space<vmem>>, vector<32xbf16>,
        %get3A_256 = arith.index_cast %add3A_241 : i32 to index
        %get3A_257 = arith.constant 32 : index
        %get3A_258 = tpu.vector_load %arg12[%get3A_256, %get3A_257] {strides = array<i32>} : memref<128x64xbf16, #tpu.memory_space<vmem>>, vector<32xbf16>,
        %mul3A_259 = arith.mulf %get3A_255, %get3A_258 : vector<32xbf16>
        %unpack3A_260 = tpu.unpack_subelements %mul3A_259, 0 {pack_format = #tpu.pack_format<interleaved>} : vector<32xbf16> -> vector<16xf32>
        %unpack3A_261 = tpu.unpack_subelements %mul3A_259, 1 {pack_format = #tpu.pack_format<interleaved>} : vector<32xbf16> -> vector<16xf32>
        %add3A_262 = arith.addf %add3A_252, %unpack3A_260 : vector<16xf32>
        %add3A_263 = arith.addf %add3A_262, %unpack3A_261 : vector<16xf32>
        %eq3A_264 = arith.constant 1 : i32
        %eq3A_265 = vector.broadcast %eq3A_264 : i32 to vector<16xi32>
        %eq3A_266 = arith.cmpi eq, %iota3A, %eq3A_265 : vector<16xi32>
        %reduce_sum3A_267 = arith.constant true
        %reduce_sum3A_268 = vector.broadcast %reduce_sum3A_267 : i1 to vector<16xi1>
        %reduce_sum3A_269 = tpu.scan <sum>, %add3A_263 masked %reduce_sum3A_268 : vector<16xf32>, vector<16xi1> -> vector<16xf32>
        %reduce_sum3A_270 = vector.extract %reduce_sum3A_269[15] : f32 from vector<16xf32>
        %broadcast_in_dim3A_271 = vector.broadcast %reduce_sum3A_270 : f32 to vector<16xf32>
        %select_n3A_272 = arith.select %eq3A_266, %broadcast_in_dim3A_271, %select_n3A_235 : vector<16xi1>, vector<16xf32>
        %broadcast_in_dim3A_273 = arith.constant 0.000000e+00 : f32
        %broadcast_in_dim3A_274 = vector.broadcast %broadcast_in_dim3A_273 : f32 to vector<16xf32>
        %mul3A_275 = arith.constant 16 : i32
        %mul3A_276 = arith.muli %scan3A_199, %mul3A_275 : i32
        %add3A_277 = arith.constant 2 : i32
        %add3A_278 = arith.addi %mul3A_276, %add3A_277 : i32
        %get3A_279 = arith.index_cast %add3A_278 : i32 to index
        %get3A_280 = arith.constant 0 : index
        %get3A_281 = tpu.vector_load %arg11[%get3A_279, %get3A_280] {strides = array<i32>} : memref<128x64xbf16, #tpu.memory_space<vmem>>, vector<32xbf16>,
        %get3A_282 = arith.index_cast %add3A_278 : i32 to index
        %get3A_283 = arith.constant 0 : index
        %get3A_284 = tpu.vector_load %arg12[%get3A_282, %get3A_283] {strides = array<i32>} : memref<128x64xbf16, #tpu.memory_space<vmem>>, vector<32xbf16>,
        %mul3A_285 = arith.mulf %get3A_281, %get3A_284 : vector<32xbf16>
        %unpack3A_286 = tpu.unpack_subelements %mul3A_285, 0 {pack_format = #tpu.pack_format<interleaved>} : vector<32xbf16> -> vector<16xf32>
        %unpack3A_287 = tpu.unpack_subelements %mul3A_285, 1 {pack_format = #tpu.pack_format<interleaved>} : vector<32xbf16> -> vector<16xf32>
        %add3A_288 = arith.addf %broadcast_in_dim3A_274, %unpack3A_286 : vector<16xf32>
        %add3A_289 = arith.addf %add3A_288, %unpack3A_287 : vector<16xf32>
        %get3A_290 = arith.index_cast %add3A_278 : i32 to index
        %get3A_291 = arith.constant 32 : index
        %get3A_292 = tpu.vector_load %arg11[%get3A_290, %get3A_291] {strides = array<i32>} : memref<128x64xbf16, #tpu.memory_space<vmem>>, vector<32xbf16>,
        %get3A_293 = arith.index_cast %add3A_278 : i32 to index
        %get3A_294 = arith.constant 32 : index
        %get3A_295 = tpu.vector_load %arg12[%get3A_293, %get3A_294] {strides = array<i32>} : memref<128x64xbf16, #tpu.memory_space<vmem>>, vector<32xbf16>,
        %mul3A_296 = arith.mulf %get3A_292, %get3A_295 : vector<32xbf16>
        %unpack3A_297 = tpu.unpack_subelements %mul3A_296, 0 {pack_format = #tpu.pack_format<interleaved>} : vector<32xbf16> -> vector<16xf32>
        %unpack3A_298 = tpu.unpack_subelements %mul3A_296, 1 {pack_format = #tpu.pack_format<interleaved>} : vector<32xbf16> -> vector<16xf32>
        %add3A_299 = arith.addf %add3A_289, %unpack3A_297 : vector<16xf32>
        %add3A_300 = arith.addf %add3A_299, %unpack3A_298 : vector<16xf32>
        %eq3A_301 = arith.constant 2 : i32
        %eq3A_302 = vector.broadcast %eq3A_301 : i32 to vector<16xi32>
        %eq3A_303 = arith.cmpi eq, %iota3A, %eq3A_302 : vector<16xi32>
        %reduce_sum3A_304 = arith.constant true
        %reduce_sum3A_305 = vector.broadcast %reduce_sum3A_304 : i1 to vector<16xi1>
        %reduce_sum3A_306 = tpu.scan <sum>, %add3A_300 masked %reduce_sum3A_305 : vector<16xf32>, vector<16xi1> -> vector<16xf32>
        %reduce_sum3A_307 = vector.extract %reduce_sum3A_306[15] : f32 from vector<16xf32>
        %broadcast_in_dim3A_308 = vector.broadcast %reduce_sum3A_307 : f32 to vector<16xf32>
        %select_n3A_309 = arith.select %eq3A_303, %broadcast_in_dim3A_308, %select_n3A_272 : vector<16xi1>, vector<16xf32>
        %broadcast_in_dim3A_310 = arith.constant 0.000000e+00 : f32
        %broadcast_in_dim3A_311 = vector.broadcast %broadcast_in_dim3A_310 : f32 to vector<16xf32>
        %mul3A_312 = arith.constant 16 : i32
        %mul3A_313 = arith.muli %scan3A_199, %mul3A_312 : i32
        %add3A_314 = arith.constant 3 : i32
        %add3A_315 = arith.addi %mul3A_313, %add3A_314 : i32
        %get3A_316 = arith.index_cast %add3A_315 : i32 to index
        %get3A_317 = arith.constant 0 : index
        %get3A_318 = tpu.vector_load %arg11[%get3A_316, %get3A_317] {strides = array<i32>} : memref<128x64xbf16, #tpu.memory_space<vmem>>, vector<32xbf16>,
        %get3A_319 = arith.index_cast %add3A_315 : i32 to index
        %get3A_320 = arith.constant 0 : index
        %get3A_321 = tpu.vector_load %arg12[%get3A_319, %get3A_320] {strides = array<i32>} : memref<128x64xbf16, #tpu.memory_space<vmem>>, vector<32xbf16>,
        %mul3A_322 = arith.mulf %get3A_318, %get3A_321 : vector<32xbf16>
        %unpack3A_323 = tpu.unpack_subelements %mul3A_322, 0 {pack_format = #tpu.pack_format<interleaved>} : vector<32xbf16> -> vector<16xf32>
        %unpack3A_324 = tpu.unpack_subelements %mul3A_322, 1 {pack_format = #tpu.pack_format<interleaved>} : vector<32xbf16> -> vector<16xf32>
        %add3A_325 = arith.addf %broadcast_in_dim3A_311, %unpack3A_323 : vector<16xf32>
        %add3A_326 = arith.addf %add3A_325, %unpack3A_324 : vector<16xf32>
        %get3A_327 = arith.index_cast %add3A_315 : i32 to index
        %get3A_328 = arith.constant 32 : index
        %get3A_329 = tpu.vector_load %arg11[%get3A_327, %get3A_328] {strides = array<i32>} : memref<128x64xbf16, #tpu.memory_space<vmem>>, vector<32xbf16>,
        %get3A_330 = arith.index_cast %add3A_315 : i32 to index
        %get3A_331 = arith.constant 32 : index
        %get3A_332 = tpu.vector_load %arg12[%get3A_330, %get3A_331] {strides = array<i32>} : memref<128x64xbf16, #tpu.memory_space<vmem>>, vector<32xbf16>,
        %mul3A_333 = arith.mulf %get3A_329, %get3A_332 : vector<32xbf16>
        %unpack3A_334 = tpu.unpack_subelements %mul3A_333, 0 {pack_format = #tpu.pack_format<interleaved>} : vector<32xbf16> -> vector<16xf32>
        %unpack3A_335 = tpu.unpack_subelements %mul3A_333, 1 {pack_format = #tpu.pack_format<interleaved>} : vector<32xbf16> -> vector<16xf32>
        %add3A_336 = arith.addf %add3A_326, %unpack3A_334 : vector<16xf32>
        %add3A_337 = arith.addf %add3A_336, %unpack3A_335 : vector<16xf32>
        %eq3A_338 = arith.constant 3 : i32
        %eq3A_339 = vector.broadcast %eq3A_338 : i32 to vector<16xi32>
        %eq3A_340 = arith.cmpi eq, %iota3A, %eq3A_339 : vector<16xi32>
        %reduce_sum3A_341 = arith.constant true
        %reduce_sum3A_342 = vector.broadcast %reduce_sum3A_341 : i1 to vector<16xi1>
        %reduce_sum3A_343 = tpu.scan <sum>, %add3A_337 masked %reduce_sum3A_342 : vector<16xf32>, vector<16xi1> -> vector<16xf32>
        %reduce_sum3A_344 = vector.extract %reduce_sum3A_343[15] : f32 from vector<16xf32>
        %broadcast_in_dim3A_345 = vector.broadcast %reduce_sum3A_344 : f32 to vector<16xf32>
        %select_n3A_346 = arith.select %eq3A_340, %broadcast_in_dim3A_345, %select_n3A_309 : vector<16xi1>, vector<16xf32>
        %broadcast_in_dim3A_347 = arith.constant 0.000000e+00 : f32
        %broadcast_in_dim3A_348 = vector.broadcast %broadcast_in_dim3A_347 : f32 to vector<16xf32>
        %mul3A_349 = arith.constant 16 : i32
        %mul3A_350 = arith.muli %scan3A_199, %mul3A_349 : i32
        %add3A_351 = arith.constant 4 : i32
        %add3A_352 = arith.addi %mul3A_350, %add3A_351 : i32
        %get3A_353 = arith.index_cast %add3A_352 : i32 to index
        %get3A_354 = arith.constant 0 : index
        %get3A_355 = tpu.vector_load %arg11[%get3A_353, %get3A_354] {strides = array<i32>} : memref<128x64xbf16, #tpu.memory_space<vmem>>, vector<32xbf16>,
        %get3A_356 = arith.index_cast %add3A_352 : i32 to index
        %get3A_357 = arith.constant 0 : index
        %get3A_358 = tpu.vector_load %arg12[%get3A_356, %get3A_357] {strides = array<i32>} : memref<128x64xbf16, #tpu.memory_space<vmem>>, vector<32xbf16>,
        %mul3A_359 = arith.mulf %get3A_355, %get3A_358 : vector<32xbf16>
        %unpack3A_360 = tpu.unpack_subelements %mul3A_359, 0 {pack_format = #tpu.pack_format<interleaved>} : vector<32xbf16> -> vector<16xf32>
        %unpack3A_361 = tpu.unpack_subelements %mul3A_359, 1 {pack_format = #tpu.pack_format<interleaved>} : vector<32xbf16> -> vector<16xf32>
        %add3A_362 = arith.addf %broadcast_in_dim3A_348, %unpack3A_360 : vector<16xf32>
        %add3A_363 = arith.addf %add3A_362, %unpack3A_361 : vector<16xf32>
        %get3A_364 = arith.index_cast %add3A_352 : i32 to index
        %get3A_365 = arith.constant 32 : index
        %get3A_366 = tpu.vector_load %arg11[%get3A_364, %get3A_365] {strides = array<i32>} : memref<128x64xbf16, #tpu.memory_space<vmem>>, vector<32xbf16>,
        %get3A_367 = arith.index_cast %add3A_352 : i32 to index
        %get3A_368 = arith.constant 32 : index
        %get3A_369 = tpu.vector_load %arg12[%get3A_367, %get3A_368] {strides = array<i32>} : memref<128x64xbf16, #tpu.memory_space<vmem>>, vector<32xbf16>,
        %mul3A_370 = arith.mulf %get3A_366, %get3A_369 : vector<32xbf16>
        %unpack3A_371 = tpu.unpack_subelements %mul3A_370, 0 {pack_format = #tpu.pack_format<interleaved>} : vector<32xbf16> -> vector<16xf32>
        %unpack3A_372 = tpu.unpack_subelements %mul3A_370, 1 {pack_format = #tpu.pack_format<interleaved>} : vector<32xbf16> -> vector<16xf32>
        %add3A_373 = arith.addf %add3A_363, %unpack3A_371 : vector<16xf32>
        %add3A_374 = arith.addf %add3A_373, %unpack3A_372 : vector<16xf32>
        %eq3A_375 = arith.constant 4 : i32
        %eq3A_376 = vector.broadcast %eq3A_375 : i32 to vector<16xi32>
        %eq3A_377 = arith.cmpi eq, %iota3A, %eq3A_376 : vector<16xi32>
        %reduce_sum3A_378 = arith.constant true
        %reduce_sum3A_379 = vector.broadcast %reduce_sum3A_378 : i1 to vector<16xi1>
        %reduce_sum3A_380 = tpu.scan <sum>, %add3A_374 masked %reduce_sum3A_379 : vector<16xf32>, vector<16xi1> -> vector<16xf32>
        %reduce_sum3A_381 = vector.extract %reduce_sum3A_380[15] : f32 from vector<16xf32>
        %broadcast_in_dim3A_382 = vector.broadcast %reduce_sum3A_381 : f32 to vector<16xf32>
        %select_n3A_383 = arith.select %eq3A_377, %broadcast_in_dim3A_382, %select_n3A_346 : vector<16xi1>, vector<16xf32>
        %broadcast_in_dim3A_384 = arith.constant 0.000000e+00 : f32
        %broadcast_in_dim3A_385 = vector.broadcast %broadcast_in_dim3A_384 : f32 to vector<16xf32>
        %mul3A_386 = arith.constant 16 : i32
        %mul3A_387 = arith.muli %scan3A_199, %mul3A_386 : i32
        %add3A_388 = arith.constant 5 : i32
        %add3A_389 = arith.addi %mul3A_387, %add3A_388 : i32
        %get3A_390 = arith.index_cast %add3A_389 : i32 to index
        %get3A_391 = arith.constant 0 : index
        %get3A_392 = tpu.vector_load %arg11[%get3A_390, %get3A_391] {strides = array<i32>} : memref<128x64xbf16, #tpu.memory_space<vmem>>, vector<32xbf16>,
        %get3A_393 = arith.index_cast %add3A_389 : i32 to index
        %get3A_394 = arith.constant 0 : index
        %get3A_395 = tpu.vector_load %arg12[%get3A_393, %get3A_394] {strides = array<i32>} : memref<128x64xbf16, #tpu.memory_space<vmem>>, vector<32xbf16>,
        %mul3A_396 = arith.mulf %get3A_392, %get3A_395 : vector<32xbf16>
        %unpack3A_397 = tpu.unpack_subelements %mul3A_396, 0 {pack_format = #tpu.pack_format<interleaved>} : vector<32xbf16> -> vector<16xf32>
        %unpack3A_398 = tpu.unpack_subelements %mul3A_396, 1 {pack_format = #tpu.pack_format<interleaved>} : vector<32xbf16> -> vector<16xf32>
        %add3A_399 = arith.addf %broadcast_in_dim3A_385, %unpack3A_397 : vector<16xf32>
        %add3A_400 = arith.addf %add3A_399, %unpack3A_398 : vector<16xf32>
        %get3A_401 = arith.index_cast %add3A_389 : i32 to index
        %get3A_402 = arith.constant 32 : index
        %get3A_403 = tpu.vector_load %arg11[%get3A_401, %get3A_402] {strides = array<i32>} : memref<128x64xbf16, #tpu.memory_space<vmem>>, vector<32xbf16>,
        %get3A_404 = arith.index_cast %add3A_389 : i32 to index
        %get3A_405 = arith.constant 32 : index
        %get3A_406 = tpu.vector_load %arg12[%get3A_404, %get3A_405] {strides = array<i32>} : memref<128x64xbf16, #tpu.memory_space<vmem>>, vector<32xbf16>,
        %mul3A_407 = arith.mulf %get3A_403, %get3A_406 : vector<32xbf16>
        %unpack3A_408 = tpu.unpack_subelements %mul3A_407, 0 {pack_format = #tpu.pack_format<interleaved>} : vector<32xbf16> -> vector<16xf32>
        %unpack3A_409 = tpu.unpack_subelements %mul3A_407, 1 {pack_format = #tpu.pack_format<interleaved>} : vector<32xbf16> -> vector<16xf32>
        %add3A_410 = arith.addf %add3A_400, %unpack3A_408 : vector<16xf32>
        %add3A_411 = arith.addf %add3A_410, %unpack3A_409 : vector<16xf32>
        %eq3A_412 = arith.constant 5 : i32
        %eq3A_413 = vector.broadcast %eq3A_412 : i32 to vector<16xi32>
        %eq3A_414 = arith.cmpi eq, %iota3A, %eq3A_413 : vector<16xi32>
        %reduce_sum3A_415 = arith.constant true
        %reduce_sum3A_416 = vector.broadcast %reduce_sum3A_415 : i1 to vector<16xi1>
        %reduce_sum3A_417 = tpu.scan <sum>, %add3A_411 masked %reduce_sum3A_416 : vector<16xf32>, vector<16xi1> -> vector<16xf32>
        %reduce_sum3A_418 = vector.extract %reduce_sum3A_417[15] : f32 from vector<16xf32>
        %broadcast_in_dim3A_419 = vector.broadcast %reduce_sum3A_418 : f32 to vector<16xf32>
        %select_n3A_420 = arith.select %eq3A_414, %broadcast_in_dim3A_419, %select_n3A_383 : vector<16xi1>, vector<16xf32>
        %broadcast_in_dim3A_421 = arith.constant 0.000000e+00 : f32
        %broadcast_in_dim3A_422 = vector.broadcast %broadcast_in_dim3A_421 : f32 to vector<16xf32>
        %mul3A_423 = arith.constant 16 : i32
        %mul3A_424 = arith.muli %scan3A_199, %mul3A_423 : i32
        %add3A_425 = arith.constant 6 : i32
        %add3A_426 = arith.addi %mul3A_424, %add3A_425 : i32
        %get3A_427 = arith.index_cast %add3A_426 : i32 to index
        %get3A_428 = arith.constant 0 : index
        %get3A_429 = tpu.vector_load %arg11[%get3A_427, %get3A_428] {strides = array<i32>} : memref<128x64xbf16, #tpu.memory_space<vmem>>, vector<32xbf16>,
        %get3A_430 = arith.index_cast %add3A_426 : i32 to index
        %get3A_431 = arith.constant 0 : index
        %get3A_432 = tpu.vector_load %arg12[%get3A_430, %get3A_431] {strides = array<i32>} : memref<128x64xbf16, #tpu.memory_space<vmem>>, vector<32xbf16>,
        %mul3A_433 = arith.mulf %get3A_429, %get3A_432 : vector<32xbf16>
        %unpack3A_434 = tpu.unpack_subelements %mul3A_433, 0 {pack_format = #tpu.pack_format<interleaved>} : vector<32xbf16> -> vector<16xf32>
        %unpack3A_435 = tpu.unpack_subelements %mul3A_433, 1 {pack_format = #tpu.pack_format<interleaved>} : vector<32xbf16> -> vector<16xf32>
        %add3A_436 = arith.addf %broadcast_in_dim3A_422, %unpack3A_434 : vector<16xf32>
        %add3A_437 = arith.addf %add3A_436, %unpack3A_435 : vector<16xf32>
        %get3A_438 = arith.index_cast %add3A_426 : i32 to index
        %get3A_439 = arith.constant 32 : index
        %get3A_440 = tpu.vector_load %arg11[%get3A_438, %get3A_439] {strides = array<i32>} : memref<128x64xbf16, #tpu.memory_space<vmem>>, vector<32xbf16>,
        %get3A_441 = arith.index_cast %add3A_426 : i32 to index
        %get3A_442 = arith.constant 32 : index
        %get3A_443 = tpu.vector_load %arg12[%get3A_441, %get3A_442] {strides = array<i32>} : memref<128x64xbf16, #tpu.memory_space<vmem>>, vector<32xbf16>,
        %mul3A_444 = arith.mulf %get3A_440, %get3A_443 : vector<32xbf16>
        %unpack3A_445 = tpu.unpack_subelements %mul3A_444, 0 {pack_format = #tpu.pack_format<interleaved>} : vector<32xbf16> -> vector<16xf32>
        %unpack3A_446 = tpu.unpack_subelements %mul3A_444, 1 {pack_format = #tpu.pack_format<interleaved>} : vector<32xbf16> -> vector<16xf32>
        %add3A_447 = arith.addf %add3A_437, %unpack3A_445 : vector<16xf32>
        %add3A_448 = arith.addf %add3A_447, %unpack3A_446 : vector<16xf32>
        %eq3A_449 = arith.constant 6 : i32
        %eq3A_450 = vector.broadcast %eq3A_449 : i32 to vector<16xi32>
        %eq3A_451 = arith.cmpi eq, %iota3A, %eq3A_450 : vector<16xi32>
        %reduce_sum3A_452 = arith.constant true
        %reduce_sum3A_453 = vector.broadcast %reduce_sum3A_452 : i1 to vector<16xi1>
        %reduce_sum3A_454 = tpu.scan <sum>, %add3A_448 masked %reduce_sum3A_453 : vector<16xf32>, vector<16xi1> -> vector<16xf32>
        %reduce_sum3A_455 = vector.extract %reduce_sum3A_454[15] : f32 from vector<16xf32>
        %broadcast_in_dim3A_456 = vector.broadcast %reduce_sum3A_455 : f32 to vector<16xf32>
        %select_n3A_457 = arith.select %eq3A_451, %broadcast_in_dim3A_456, %select_n3A_420 : vector<16xi1>, vector<16xf32>
        %broadcast_in_dim3A_458 = arith.constant 0.000000e+00 : f32
        %broadcast_in_dim3A_459 = vector.broadcast %broadcast_in_dim3A_458 : f32 to vector<16xf32>
        %mul3A_460 = arith.constant 16 : i32
        %mul3A_461 = arith.muli %scan3A_199, %mul3A_460 : i32
        %add3A_462 = arith.constant 7 : i32
        %add3A_463 = arith.addi %mul3A_461, %add3A_462 : i32
        %get3A_464 = arith.index_cast %add3A_463 : i32 to index
        %get3A_465 = arith.constant 0 : index
        %get3A_466 = tpu.vector_load %arg11[%get3A_464, %get3A_465] {strides = array<i32>} : memref<128x64xbf16, #tpu.memory_space<vmem>>, vector<32xbf16>,
        %get3A_467 = arith.index_cast %add3A_463 : i32 to index
        %get3A_468 = arith.constant 0 : index
        %get3A_469 = tpu.vector_load %arg12[%get3A_467, %get3A_468] {strides = array<i32>} : memref<128x64xbf16, #tpu.memory_space<vmem>>, vector<32xbf16>,
        %mul3A_470 = arith.mulf %get3A_466, %get3A_469 : vector<32xbf16>
        %unpack3A_471 = tpu.unpack_subelements %mul3A_470, 0 {pack_format = #tpu.pack_format<interleaved>} : vector<32xbf16> -> vector<16xf32>
        %unpack3A_472 = tpu.unpack_subelements %mul3A_470, 1 {pack_format = #tpu.pack_format<interleaved>} : vector<32xbf16> -> vector<16xf32>
        %add3A_473 = arith.addf %broadcast_in_dim3A_459, %unpack3A_471 : vector<16xf32>
        %add3A_474 = arith.addf %add3A_473, %unpack3A_472 : vector<16xf32>
        %get3A_475 = arith.index_cast %add3A_463 : i32 to index
        %get3A_476 = arith.constant 32 : index
        %get3A_477 = tpu.vector_load %arg11[%get3A_475, %get3A_476] {strides = array<i32>} : memref<128x64xbf16, #tpu.memory_space<vmem>>, vector<32xbf16>,
        %get3A_478 = arith.index_cast %add3A_463 : i32 to index
        %get3A_479 = arith.constant 32 : index
        %get3A_480 = tpu.vector_load %arg12[%get3A_478, %get3A_479] {strides = array<i32>} : memref<128x64xbf16, #tpu.memory_space<vmem>>, vector<32xbf16>,
        %mul3A_481 = arith.mulf %get3A_477, %get3A_480 : vector<32xbf16>
        %unpack3A_482 = tpu.unpack_subelements %mul3A_481, 0 {pack_format = #tpu.pack_format<interleaved>} : vector<32xbf16> -> vector<16xf32>
        %unpack3A_483 = tpu.unpack_subelements %mul3A_481, 1 {pack_format = #tpu.pack_format<interleaved>} : vector<32xbf16> -> vector<16xf32>
        %add3A_484 = arith.addf %add3A_474, %unpack3A_482 : vector<16xf32>
        %add3A_485 = arith.addf %add3A_484, %unpack3A_483 : vector<16xf32>
        %eq3A_486 = arith.constant 7 : i32
        %eq3A_487 = vector.broadcast %eq3A_486 : i32 to vector<16xi32>
        %eq3A_488 = arith.cmpi eq, %iota3A, %eq3A_487 : vector<16xi32>
        %reduce_sum3A_489 = arith.constant true
        %reduce_sum3A_490 = vector.broadcast %reduce_sum3A_489 : i1 to vector<16xi1>
        %reduce_sum3A_491 = tpu.scan <sum>, %add3A_485 masked %reduce_sum3A_490 : vector<16xf32>, vector<16xi1> -> vector<16xf32>
        %reduce_sum3A_492 = vector.extract %reduce_sum3A_491[15] : f32 from vector<16xf32>
        %broadcast_in_dim3A_493 = vector.broadcast %reduce_sum3A_492 : f32 to vector<16xf32>
        %select_n3A_494 = arith.select %eq3A_488, %broadcast_in_dim3A_493, %select_n3A_457 : vector<16xi1>, vector<16xf32>
        %broadcast_in_dim3A_495 = arith.constant 0.000000e+00 : f32
        %broadcast_in_dim3A_496 = vector.broadcast %broadcast_in_dim3A_495 : f32 to vector<16xf32>
        %mul3A_497 = arith.constant 16 : i32
        %mul3A_498 = arith.muli %scan3A_199, %mul3A_497 : i32
        %add3A_499 = arith.constant 8 : i32
        %add3A_500 = arith.addi %mul3A_498, %add3A_499 : i32
        %get3A_501 = arith.index_cast %add3A_500 : i32 to index
        %get3A_502 = arith.constant 0 : index
        %get3A_503 = tpu.vector_load %arg11[%get3A_501, %get3A_502] {strides = array<i32>} : memref<128x64xbf16, #tpu.memory_space<vmem>>, vector<32xbf16>,
        %get3A_504 = arith.index_cast %add3A_500 : i32 to index
        %get3A_505 = arith.constant 0 : index
        %get3A_506 = tpu.vector_load %arg12[%get3A_504, %get3A_505] {strides = array<i32>} : memref<128x64xbf16, #tpu.memory_space<vmem>>, vector<32xbf16>,
        %mul3A_507 = arith.mulf %get3A_503, %get3A_506 : vector<32xbf16>
        %unpack3A_508 = tpu.unpack_subelements %mul3A_507, 0 {pack_format = #tpu.pack_format<interleaved>} : vector<32xbf16> -> vector<16xf32>
        %unpack3A_509 = tpu.unpack_subelements %mul3A_507, 1 {pack_format = #tpu.pack_format<interleaved>} : vector<32xbf16> -> vector<16xf32>
        %add3A_510 = arith.addf %broadcast_in_dim3A_496, %unpack3A_508 : vector<16xf32>
        %add3A_511 = arith.addf %add3A_510, %unpack3A_509 : vector<16xf32>
        %get3A_512 = arith.index_cast %add3A_500 : i32 to index
        %get3A_513 = arith.constant 32 : index
        %get3A_514 = tpu.vector_load %arg11[%get3A_512, %get3A_513] {strides = array<i32>} : memref<128x64xbf16, #tpu.memory_space<vmem>>, vector<32xbf16>,
        %get3A_515 = arith.index_cast %add3A_500 : i32 to index
        %get3A_516 = arith.constant 32 : index
        %get3A_517 = tpu.vector_load %arg12[%get3A_515, %get3A_516] {strides = array<i32>} : memref<128x64xbf16, #tpu.memory_space<vmem>>, vector<32xbf16>,
        %mul3A_518 = arith.mulf %get3A_514, %get3A_517 : vector<32xbf16>
        %unpack3A_519 = tpu.unpack_subelements %mul3A_518, 0 {pack_format = #tpu.pack_format<interleaved>} : vector<32xbf16> -> vector<16xf32>
        %unpack3A_520 = tpu.unpack_subelements %mul3A_518, 1 {pack_format = #tpu.pack_format<interleaved>} : vector<32xbf16> -> vector<16xf32>
        %add3A_521 = arith.addf %add3A_511, %unpack3A_519 : vector<16xf32>
        %add3A_522 = arith.addf %add3A_521, %unpack3A_520 : vector<16xf32>
        %eq3A_523 = arith.constant 8 : i32
        %eq3A_524 = vector.broadcast %eq3A_523 : i32 to vector<16xi32>
        %eq3A_525 = arith.cmpi eq, %iota3A, %eq3A_524 : vector<16xi32>
        %reduce_sum3A_526 = arith.constant true
        %reduce_sum3A_527 = vector.broadcast %reduce_sum3A_526 : i1 to vector<16xi1>
        %reduce_sum3A_528 = tpu.scan <sum>, %add3A_522 masked %reduce_sum3A_527 : vector<16xf32>, vector<16xi1> -> vector<16xf32>
        %reduce_sum3A_529 = vector.extract %reduce_sum3A_528[15] : f32 from vector<16xf32>
        %broadcast_in_dim3A_530 = vector.broadcast %reduce_sum3A_529 : f32 to vector<16xf32>
        %select_n3A_531 = arith.select %eq3A_525, %broadcast_in_dim3A_530, %select_n3A_494 : vector<16xi1>, vector<16xf32>
        %broadcast_in_dim3A_532 = arith.constant 0.000000e+00 : f32
        %broadcast_in_dim3A_533 = vector.broadcast %broadcast_in_dim3A_532 : f32 to vector<16xf32>
        %mul3A_534 = arith.constant 16 : i32
        %mul3A_535 = arith.muli %scan3A_199, %mul3A_534 : i32
        %add3A_536 = arith.constant 9 : i32
        %add3A_537 = arith.addi %mul3A_535, %add3A_536 : i32
        %get3A_538 = arith.index_cast %add3A_537 : i32 to index
        %get3A_539 = arith.constant 0 : index
        %get3A_540 = tpu.vector_load %arg11[%get3A_538, %get3A_539] {strides = array<i32>} : memref<128x64xbf16, #tpu.memory_space<vmem>>, vector<32xbf16>,
        %get3A_541 = arith.index_cast %add3A_537 : i32 to index
        %get3A_542 = arith.constant 0 : index
        %get3A_543 = tpu.vector_load %arg12[%get3A_541, %get3A_542] {strides = array<i32>} : memref<128x64xbf16, #tpu.memory_space<vmem>>, vector<32xbf16>,
        %mul3A_544 = arith.mulf %get3A_540, %get3A_543 : vector<32xbf16>
        %unpack3A_545 = tpu.unpack_subelements %mul3A_544, 0 {pack_format = #tpu.pack_format<interleaved>} : vector<32xbf16> -> vector<16xf32>
        %unpack3A_546 = tpu.unpack_subelements %mul3A_544, 1 {pack_format = #tpu.pack_format<interleaved>} : vector<32xbf16> -> vector<16xf32>
        %add3A_547 = arith.addf %broadcast_in_dim3A_533, %unpack3A_545 : vector<16xf32>
        %add3A_548 = arith.addf %add3A_547, %unpack3A_546 : vector<16xf32>
        %get3A_549 = arith.index_cast %add3A_537 : i32 to index
        %get3A_550 = arith.constant 32 : index
        %get3A_551 = tpu.vector_load %arg11[%get3A_549, %get3A_550] {strides = array<i32>} : memref<128x64xbf16, #tpu.memory_space<vmem>>, vector<32xbf16>,
        %get3A_552 = arith.index_cast %add3A_537 : i32 to index
        %get3A_553 = arith.constant 32 : index
        %get3A_554 = tpu.vector_load %arg12[%get3A_552, %get3A_553] {strides = array<i32>} : memref<128x64xbf16, #tpu.memory_space<vmem>>, vector<32xbf16>,
        %mul3A_555 = arith.mulf %get3A_551, %get3A_554 : vector<32xbf16>
        %unpack3A_556 = tpu.unpack_subelements %mul3A_555, 0 {pack_format = #tpu.pack_format<interleaved>} : vector<32xbf16> -> vector<16xf32>
        %unpack3A_557 = tpu.unpack_subelements %mul3A_555, 1 {pack_format = #tpu.pack_format<interleaved>} : vector<32xbf16> -> vector<16xf32>
        %add3A_558 = arith.addf %add3A_548, %unpack3A_556 : vector<16xf32>
        %add3A_559 = arith.addf %add3A_558, %unpack3A_557 : vector<16xf32>
        %eq3A_560 = arith.constant 9 : i32
        %eq3A_561 = vector.broadcast %eq3A_560 : i32 to vector<16xi32>
        %eq3A_562 = arith.cmpi eq, %iota3A, %eq3A_561 : vector<16xi32>
        %reduce_sum3A_563 = arith.constant true
        %reduce_sum3A_564 = vector.broadcast %reduce_sum3A_563 : i1 to vector<16xi1>
        %reduce_sum3A_565 = tpu.scan <sum>, %add3A_559 masked %reduce_sum3A_564 : vector<16xf32>, vector<16xi1> -> vector<16xf32>
        %reduce_sum3A_566 = vector.extract %reduce_sum3A_565[15] : f32 from vector<16xf32>
        %broadcast_in_dim3A_567 = vector.broadcast %reduce_sum3A_566 : f32 to vector<16xf32>
        %select_n3A_568 = arith.select %eq3A_562, %broadcast_in_dim3A_567, %select_n3A_531 : vector<16xi1>, vector<16xf32>
        %broadcast_in_dim3A_569 = arith.constant 0.000000e+00 : f32
        %broadcast_in_dim3A_570 = vector.broadcast %broadcast_in_dim3A_569 : f32 to vector<16xf32>
        %mul3A_571 = arith.constant 16 : i32
        %mul3A_572 = arith.muli %scan3A_199, %mul3A_571 : i32
        %add3A_573 = arith.constant 10 : i32
        %add3A_574 = arith.addi %mul3A_572, %add3A_573 : i32
        %get3A_575 = arith.index_cast %add3A_574 : i32 to index
        %get3A_576 = arith.constant 0 : index
        %get3A_577 = tpu.vector_load %arg11[%get3A_575, %get3A_576] {strides = array<i32>} : memref<128x64xbf16, #tpu.memory_space<vmem>>, vector<32xbf16>,
        %get3A_578 = arith.index_cast %add3A_574 : i32 to index
        %get3A_579 = arith.constant 0 : index
        %get3A_580 = tpu.vector_load %arg12[%get3A_578, %get3A_579] {strides = array<i32>} : memref<128x64xbf16, #tpu.memory_space<vmem>>, vector<32xbf16>,
        %mul3A_581 = arith.mulf %get3A_577, %get3A_580 : vector<32xbf16>
        %unpack3A_582 = tpu.unpack_subelements %mul3A_581, 0 {pack_format = #tpu.pack_format<interleaved>} : vector<32xbf16> -> vector<16xf32>
        %unpack3A_583 = tpu.unpack_subelements %mul3A_581, 1 {pack_format = #tpu.pack_format<interleaved>} : vector<32xbf16> -> vector<16xf32>
        %add3A_584 = arith.addf %broadcast_in_dim3A_570, %unpack3A_582 : vector<16xf32>
        %add3A_585 = arith.addf %add3A_584, %unpack3A_583 : vector<16xf32>
        %get3A_586 = arith.index_cast %add3A_574 : i32 to index
        %get3A_587 = arith.constant 32 : index
        %get3A_588 = tpu.vector_load %arg11[%get3A_586, %get3A_587] {strides = array<i32>} : memref<128x64xbf16, #tpu.memory_space<vmem>>, vector<32xbf16>,
        %get3A_589 = arith.index_cast %add3A_574 : i32 to index
        %get3A_590 = arith.constant 32 : index
        %get3A_591 = tpu.vector_load %arg12[%get3A_589, %get3A_590] {strides = array<i32>} : memref<128x64xbf16, #tpu.memory_space<vmem>>, vector<32xbf16>,
        %mul3A_592 = arith.mulf %get3A_588, %get3A_591 : vector<32xbf16>
        %unpack3A_593 = tpu.unpack_subelements %mul3A_592, 0 {pack_format = #tpu.pack_format<interleaved>} : vector<32xbf16> -> vector<16xf32>
        %unpack3A_594 = tpu.unpack_subelements %mul3A_592, 1 {pack_format = #tpu.pack_format<interleaved>} : vector<32xbf16> -> vector<16xf32>
        %add3A_595 = arith.addf %add3A_585, %unpack3A_593 : vector<16xf32>
        %add3A_596 = arith.addf %add3A_595, %unpack3A_594 : vector<16xf32>
        %eq3A_597 = arith.constant 10 : i32
        %eq3A_598 = vector.broadcast %eq3A_597 : i32 to vector<16xi32>
        %eq3A_599 = arith.cmpi eq, %iota3A, %eq3A_598 : vector<16xi32>
        %reduce_sum3A_600 = arith.constant true
        %reduce_sum3A_601 = vector.broadcast %reduce_sum3A_600 : i1 to vector<16xi1>
        %reduce_sum3A_602 = tpu.scan <sum>, %add3A_596 masked %reduce_sum3A_601 : vector<16xf32>, vector<16xi1> -> vector<16xf32>
        %reduce_sum3A_603 = vector.extract %reduce_sum3A_602[15] : f32 from vector<16xf32>
        %broadcast_in_dim3A_604 = vector.broadcast %reduce_sum3A_603 : f32 to vector<16xf32>
        %select_n3A_605 = arith.select %eq3A_599, %broadcast_in_dim3A_604, %select_n3A_568 : vector<16xi1>, vector<16xf32>
        %broadcast_in_dim3A_606 = arith.constant 0.000000e+00 : f32
        %broadcast_in_dim3A_607 = vector.broadcast %broadcast_in_dim3A_606 : f32 to vector<16xf32>
        %mul3A_608 = arith.constant 16 : i32
        %mul3A_609 = arith.muli %scan3A_199, %mul3A_608 : i32
        %add3A_610 = arith.constant 11 : i32
        %add3A_611 = arith.addi %mul3A_609, %add3A_610 : i32
        %get3A_612 = arith.index_cast %add3A_611 : i32 to index
        %get3A_613 = arith.constant 0 : index
        %get3A_614 = tpu.vector_load %arg11[%get3A_612, %get3A_613] {strides = array<i32>} : memref<128x64xbf16, #tpu.memory_space<vmem>>, vector<32xbf16>,
        %get3A_615 = arith.index_cast %add3A_611 : i32 to index
        %get3A_616 = arith.constant 0 : index
        %get3A_617 = tpu.vector_load %arg12[%get3A_615, %get3A_616] {strides = array<i32>} : memref<128x64xbf16, #tpu.memory_space<vmem>>, vector<32xbf16>,
        %mul3A_618 = arith.mulf %get3A_614, %get3A_617 : vector<32xbf16>
        %unpack3A_619 = tpu.unpack_subelements %mul3A_618, 0 {pack_format = #tpu.pack_format<interleaved>} : vector<32xbf16> -> vector<16xf32>
        %unpack3A_620 = tpu.unpack_subelements %mul3A_618, 1 {pack_format = #tpu.pack_format<interleaved>} : vector<32xbf16> -> vector<16xf32>
        %add3A_621 = arith.addf %broadcast_in_dim3A_607, %unpack3A_619 : vector<16xf32>
        %add3A_622 = arith.addf %add3A_621, %unpack3A_620 : vector<16xf32>
        %get3A_623 = arith.index_cast %add3A_611 : i32 to index
        %get3A_624 = arith.constant 32 : index
        %get3A_625 = tpu.vector_load %arg11[%get3A_623, %get3A_624] {strides = array<i32>} : memref<128x64xbf16, #tpu.memory_space<vmem>>, vector<32xbf16>,
        %get3A_626 = arith.index_cast %add3A_611 : i32 to index
        %get3A_627 = arith.constant 32 : index
        %get3A_628 = tpu.vector_load %arg12[%get3A_626, %get3A_627] {strides = array<i32>} : memref<128x64xbf16, #tpu.memory_space<vmem>>, vector<32xbf16>,
        %mul3A_629 = arith.mulf %get3A_625, %get3A_628 : vector<32xbf16>
        %unpack3A_630 = tpu.unpack_subelements %mul3A_629, 0 {pack_format = #tpu.pack_format<interleaved>} : vector<32xbf16> -> vector<16xf32>
        %unpack3A_631 = tpu.unpack_subelements %mul3A_629, 1 {pack_format = #tpu.pack_format<interleaved>} : vector<32xbf16> -> vector<16xf32>
        %add3A_632 = arith.addf %add3A_622, %unpack3A_630 : vector<16xf32>
        %add3A_633 = arith.addf %add3A_632, %unpack3A_631 : vector<16xf32>
        %eq3A_634 = arith.constant 11 : i32
        %eq3A_635 = vector.broadcast %eq3A_634 : i32 to vector<16xi32>
        %eq3A_636 = arith.cmpi eq, %iota3A, %eq3A_635 : vector<16xi32>
        %reduce_sum3A_637 = arith.constant true
        %reduce_sum3A_638 = vector.broadcast %reduce_sum3A_637 : i1 to vector<16xi1>
        %reduce_sum3A_639 = tpu.scan <sum>, %add3A_633 masked %reduce_sum3A_638 : vector<16xf32>, vector<16xi1> -> vector<16xf32>
        %reduce_sum3A_640 = vector.extract %reduce_sum3A_639[15] : f32 from vector<16xf32>
        %broadcast_in_dim3A_641 = vector.broadcast %reduce_sum3A_640 : f32 to vector<16xf32>
        %select_n3A_642 = arith.select %eq3A_636, %broadcast_in_dim3A_641, %select_n3A_605 : vector<16xi1>, vector<16xf32>
        %broadcast_in_dim3A_643 = arith.constant 0.000000e+00 : f32
        %broadcast_in_dim3A_644 = vector.broadcast %broadcast_in_dim3A_643 : f32 to vector<16xf32>
        %mul3A_645 = arith.constant 16 : i32
        %mul3A_646 = arith.muli %scan3A_199, %mul3A_645 : i32
        %add3A_647 = arith.constant 12 : i32
        %add3A_648 = arith.addi %mul3A_646, %add3A_647 : i32
        %get3A_649 = arith.index_cast %add3A_648 : i32 to index
        %get3A_650 = arith.constant 0 : index
        %get3A_651 = tpu.vector_load %arg11[%get3A_649, %get3A_650] {strides = array<i32>} : memref<128x64xbf16, #tpu.memory_space<vmem>>, vector<32xbf16>,
        %get3A_652 = arith.index_cast %add3A_648 : i32 to index
        %get3A_653 = arith.constant 0 : index
        %get3A_654 = tpu.vector_load %arg12[%get3A_652, %get3A_653] {strides = array<i32>} : memref<128x64xbf16, #tpu.memory_space<vmem>>, vector<32xbf16>,
        %mul3A_655 = arith.mulf %get3A_651, %get3A_654 : vector<32xbf16>
        %unpack3A_656 = tpu.unpack_subelements %mul3A_655, 0 {pack_format = #tpu.pack_format<interleaved>} : vector<32xbf16> -> vector<16xf32>
        %unpack3A_657 = tpu.unpack_subelements %mul3A_655, 1 {pack_format = #tpu.pack_format<interleaved>} : vector<32xbf16> -> vector<16xf32>
        %add3A_658 = arith.addf %broadcast_in_dim3A_644, %unpack3A_656 : vector<16xf32>
        %add3A_659 = arith.addf %add3A_658, %unpack3A_657 : vector<16xf32>
        %get3A_660 = arith.index_cast %add3A_648 : i32 to index
        %get3A_661 = arith.constant 32 : index
        %get3A_662 = tpu.vector_load %arg11[%get3A_660, %get3A_661] {strides = array<i32>} : memref<128x64xbf16, #tpu.memory_space<vmem>>, vector<32xbf16>,
        %get3A_663 = arith.index_cast %add3A_648 : i32 to index
        %get3A_664 = arith.constant 32 : index
        %get3A_665 = tpu.vector_load %arg12[%get3A_663, %get3A_664] {strides = array<i32>} : memref<128x64xbf16, #tpu.memory_space<vmem>>, vector<32xbf16>,
        %mul3A_666 = arith.mulf %get3A_662, %get3A_665 : vector<32xbf16>
        %unpack3A_667 = tpu.unpack_subelements %mul3A_666, 0 {pack_format = #tpu.pack_format<interleaved>} : vector<32xbf16> -> vector<16xf32>
        %unpack3A_668 = tpu.unpack_subelements %mul3A_666, 1 {pack_format = #tpu.pack_format<interleaved>} : vector<32xbf16> -> vector<16xf32>
        %add3A_669 = arith.addf %add3A_659, %unpack3A_667 : vector<16xf32>
        %add3A_670 = arith.addf %add3A_669, %unpack3A_668 : vector<16xf32>
        %eq3A_671 = arith.constant 12 : i32
        %eq3A_672 = vector.broadcast %eq3A_671 : i32 to vector<16xi32>
        %eq3A_673 = arith.cmpi eq, %iota3A, %eq3A_672 : vector<16xi32>
        %reduce_sum3A_674 = arith.constant true
        %reduce_sum3A_675 = vector.broadcast %reduce_sum3A_674 : i1 to vector<16xi1>
        %reduce_sum3A_676 = tpu.scan <sum>, %add3A_670 masked %reduce_sum3A_675 : vector<16xf32>, vector<16xi1> -> vector<16xf32>
        %reduce_sum3A_677 = vector.extract %reduce_sum3A_676[15] : f32 from vector<16xf32>
        %broadcast_in_dim3A_678 = vector.broadcast %reduce_sum3A_677 : f32 to vector<16xf32>
        %select_n3A_679 = arith.select %eq3A_673, %broadcast_in_dim3A_678, %select_n3A_642 : vector<16xi1>, vector<16xf32>
        %broadcast_in_dim3A_680 = arith.constant 0.000000e+00 : f32
        %broadcast_in_dim3A_681 = vector.broadcast %broadcast_in_dim3A_680 : f32 to vector<16xf32>
        %mul3A_682 = arith.constant 16 : i32
        %mul3A_683 = arith.muli %scan3A_199, %mul3A_682 : i32
        %add3A_684 = arith.constant 13 : i32
        %add3A_685 = arith.addi %mul3A_683, %add3A_684 : i32
        %get3A_686 = arith.index_cast %add3A_685 : i32 to index
        %get3A_687 = arith.constant 0 : index
        %get3A_688 = tpu.vector_load %arg11[%get3A_686, %get3A_687] {strides = array<i32>} : memref<128x64xbf16, #tpu.memory_space<vmem>>, vector<32xbf16>,
        %get3A_689 = arith.index_cast %add3A_685 : i32 to index
        %get3A_690 = arith.constant 0 : index
        %get3A_691 = tpu.vector_load %arg12[%get3A_689, %get3A_690] {strides = array<i32>} : memref<128x64xbf16, #tpu.memory_space<vmem>>, vector<32xbf16>,
        %mul3A_692 = arith.mulf %get3A_688, %get3A_691 : vector<32xbf16>
        %unpack3A_693 = tpu.unpack_subelements %mul3A_692, 0 {pack_format = #tpu.pack_format<interleaved>} : vector<32xbf16> -> vector<16xf32>
        %unpack3A_694 = tpu.unpack_subelements %mul3A_692, 1 {pack_format = #tpu.pack_format<interleaved>} : vector<32xbf16> -> vector<16xf32>
        %add3A_695 = arith.addf %broadcast_in_dim3A_681, %unpack3A_693 : vector<16xf32>
        %add3A_696 = arith.addf %add3A_695, %unpack3A_694 : vector<16xf32>
        %get3A_697 = arith.index_cast %add3A_685 : i32 to index
        %get3A_698 = arith.constant 32 : index
        %get3A_699 = tpu.vector_load %arg11[%get3A_697, %get3A_698] {strides = array<i32>} : memref<128x64xbf16, #tpu.memory_space<vmem>>, vector<32xbf16>,
        %get3A_700 = arith.index_cast %add3A_685 : i32 to index
        %get3A_701 = arith.constant 32 : index
        %get3A_702 = tpu.vector_load %arg12[%get3A_700, %get3A_701] {strides = array<i32>} : memref<128x64xbf16, #tpu.memory_space<vmem>>, vector<32xbf16>,
        %mul3A_703 = arith.mulf %get3A_699, %get3A_702 : vector<32xbf16>
        %unpack3A_704 = tpu.unpack_subelements %mul3A_703, 0 {pack_format = #tpu.pack_format<interleaved>} : vector<32xbf16> -> vector<16xf32>
        %unpack3A_705 = tpu.unpack_subelements %mul3A_703, 1 {pack_format = #tpu.pack_format<interleaved>} : vector<32xbf16> -> vector<16xf32>
        %add3A_706 = arith.addf %add3A_696, %unpack3A_704 : vector<16xf32>
        %add3A_707 = arith.addf %add3A_706, %unpack3A_705 : vector<16xf32>
        %eq3A_708 = arith.constant 13 : i32
        %eq3A_709 = vector.broadcast %eq3A_708 : i32 to vector<16xi32>
        %eq3A_710 = arith.cmpi eq, %iota3A, %eq3A_709 : vector<16xi32>
        %reduce_sum3A_711 = arith.constant true
        %reduce_sum3A_712 = vector.broadcast %reduce_sum3A_711 : i1 to vector<16xi1>
        %reduce_sum3A_713 = tpu.scan <sum>, %add3A_707 masked %reduce_sum3A_712 : vector<16xf32>, vector<16xi1> -> vector<16xf32>
        %reduce_sum3A_714 = vector.extract %reduce_sum3A_713[15] : f32 from vector<16xf32>
        %broadcast_in_dim3A_715 = vector.broadcast %reduce_sum3A_714 : f32 to vector<16xf32>
        %select_n3A_716 = arith.select %eq3A_710, %broadcast_in_dim3A_715, %select_n3A_679 : vector<16xi1>, vector<16xf32>
        %broadcast_in_dim3A_717 = arith.constant 0.000000e+00 : f32
        %broadcast_in_dim3A_718 = vector.broadcast %broadcast_in_dim3A_717 : f32 to vector<16xf32>
        %mul3A_719 = arith.constant 16 : i32
        %mul3A_720 = arith.muli %scan3A_199, %mul3A_719 : i32
        %add3A_721 = arith.constant 14 : i32
        %add3A_722 = arith.addi %mul3A_720, %add3A_721 : i32
        %get3A_723 = arith.index_cast %add3A_722 : i32 to index
        %get3A_724 = arith.constant 0 : index
        %get3A_725 = tpu.vector_load %arg11[%get3A_723, %get3A_724] {strides = array<i32>} : memref<128x64xbf16, #tpu.memory_space<vmem>>, vector<32xbf16>,
        %get3A_726 = arith.index_cast %add3A_722 : i32 to index
        %get3A_727 = arith.constant 0 : index
        %get3A_728 = tpu.vector_load %arg12[%get3A_726, %get3A_727] {strides = array<i32>} : memref<128x64xbf16, #tpu.memory_space<vmem>>, vector<32xbf16>,
        %mul3A_729 = arith.mulf %get3A_725, %get3A_728 : vector<32xbf16>
        %unpack3A_730 = tpu.unpack_subelements %mul3A_729, 0 {pack_format = #tpu.pack_format<interleaved>} : vector<32xbf16> -> vector<16xf32>
        %unpack3A_731 = tpu.unpack_subelements %mul3A_729, 1 {pack_format = #tpu.pack_format<interleaved>} : vector<32xbf16> -> vector<16xf32>
        %add3A_732 = arith.addf %broadcast_in_dim3A_718, %unpack3A_730 : vector<16xf32>
        %add3A_733 = arith.addf %add3A_732, %unpack3A_731 : vector<16xf32>
        %get3A_734 = arith.index_cast %add3A_722 : i32 to index
        %get3A_735 = arith.constant 32 : index
        %get3A_736 = tpu.vector_load %arg11[%get3A_734, %get3A_735] {strides = array<i32>} : memref<128x64xbf16, #tpu.memory_space<vmem>>, vector<32xbf16>,
        %get3A_737 = arith.index_cast %add3A_722 : i32 to index
        %get3A_738 = arith.constant 32 : index
        %get3A_739 = tpu.vector_load %arg12[%get3A_737, %get3A_738] {strides = array<i32>} : memref<128x64xbf16, #tpu.memory_space<vmem>>, vector<32xbf16>,
        %mul3A_740 = arith.mulf %get3A_736, %get3A_739 : vector<32xbf16>
        %unpack3A_741 = tpu.unpack_subelements %mul3A_740, 0 {pack_format = #tpu.pack_format<interleaved>} : vector<32xbf16> -> vector<16xf32>
        %unpack3A_742 = tpu.unpack_subelements %mul3A_740, 1 {pack_format = #tpu.pack_format<interleaved>} : vector<32xbf16> -> vector<16xf32>
        %add3A_743 = arith.addf %add3A_733, %unpack3A_741 : vector<16xf32>
        %add3A_744 = arith.addf %add3A_743, %unpack3A_742 : vector<16xf32>
        %eq3A_745 = arith.constant 14 : i32
        %eq3A_746 = vector.broadcast %eq3A_745 : i32 to vector<16xi32>
        %eq3A_747 = arith.cmpi eq, %iota3A, %eq3A_746 : vector<16xi32>
        %reduce_sum3A_748 = arith.constant true
        %reduce_sum3A_749 = vector.broadcast %reduce_sum3A_748 : i1 to vector<16xi1>
        %reduce_sum3A_750 = tpu.scan <sum>, %add3A_744 masked %reduce_sum3A_749 : vector<16xf32>, vector<16xi1> -> vector<16xf32>
        %reduce_sum3A_751 = vector.extract %reduce_sum3A_750[15] : f32 from vector<16xf32>
        %broadcast_in_dim3A_752 = vector.broadcast %reduce_sum3A_751 : f32 to vector<16xf32>
        %select_n3A_753 = arith.select %eq3A_747, %broadcast_in_dim3A_752, %select_n3A_716 : vector<16xi1>, vector<16xf32>
        %broadcast_in_dim3A_754 = arith.constant 0.000000e+00 : f32
        %broadcast_in_dim3A_755 = vector.broadcast %broadcast_in_dim3A_754 : f32 to vector<16xf32>
        %mul3A_756 = arith.constant 16 : i32
        %mul3A_757 = arith.muli %scan3A_199, %mul3A_756 : i32
        %add3A_758 = arith.constant 15 : i32
        %add3A_759 = arith.addi %mul3A_757, %add3A_758 : i32
        %get3A_760 = arith.index_cast %add3A_759 : i32 to index
        %get3A_761 = arith.constant 0 : index
        %get3A_762 = tpu.vector_load %arg11[%get3A_760, %get3A_761] {strides = array<i32>} : memref<128x64xbf16, #tpu.memory_space<vmem>>, vector<32xbf16>,
        %get3A_763 = arith.index_cast %add3A_759 : i32 to index
        %get3A_764 = arith.constant 0 : index
        %get3A_765 = tpu.vector_load %arg12[%get3A_763, %get3A_764] {strides = array<i32>} : memref<128x64xbf16, #tpu.memory_space<vmem>>, vector<32xbf16>,
        %mul3A_766 = arith.mulf %get3A_762, %get3A_765 : vector<32xbf16>
        %unpack3A_767 = tpu.unpack_subelements %mul3A_766, 0 {pack_format = #tpu.pack_format<interleaved>} : vector<32xbf16> -> vector<16xf32>
        %unpack3A_768 = tpu.unpack_subelements %mul3A_766, 1 {pack_format = #tpu.pack_format<interleaved>} : vector<32xbf16> -> vector<16xf32>
        %add3A_769 = arith.addf %broadcast_in_dim3A_755, %unpack3A_767 : vector<16xf32>
        %add3A_770 = arith.addf %add3A_769, %unpack3A_768 : vector<16xf32>
        %get3A_771 = arith.index_cast %add3A_759 : i32 to index
        %get3A_772 = arith.constant 32 : index
        %get3A_773 = tpu.vector_load %arg11[%get3A_771, %get3A_772] {strides = array<i32>} : memref<128x64xbf16, #tpu.memory_space<vmem>>, vector<32xbf16>,
        %get3A_774 = arith.index_cast %add3A_759 : i32 to index
        %get3A_775 = arith.constant 32 : index
        %get3A_776 = tpu.vector_load %arg12[%get3A_774, %get3A_775] {strides = array<i32>} : memref<128x64xbf16, #tpu.memory_space<vmem>>, vector<32xbf16>,
        %mul3A_777 = arith.mulf %get3A_773, %get3A_776 : vector<32xbf16>
        %unpack3A_778 = tpu.unpack_subelements %mul3A_777, 0 {pack_format = #tpu.pack_format<interleaved>} : vector<32xbf16> -> vector<16xf32>
        %unpack3A_779 = tpu.unpack_subelements %mul3A_777, 1 {pack_format = #tpu.pack_format<interleaved>} : vector<32xbf16> -> vector<16xf32>
        %add3A_780 = arith.addf %add3A_770, %unpack3A_778 : vector<16xf32>
        %add3A_781 = arith.addf %add3A_780, %unpack3A_779 : vector<16xf32>
        %eq3A_782 = arith.constant 15 : i32
        %eq3A_783 = vector.broadcast %eq3A_782 : i32 to vector<16xi32>
        %eq3A_784 = arith.cmpi eq, %iota3A, %eq3A_783 : vector<16xi32>
        %reduce_sum3A_785 = arith.constant true
        %reduce_sum3A_786 = vector.broadcast %reduce_sum3A_785 : i1 to vector<16xi1>
        %reduce_sum3A_787 = tpu.scan <sum>, %add3A_781 masked %reduce_sum3A_786 : vector<16xf32>, vector<16xi1> -> vector<16xf32>
        %reduce_sum3A_788 = vector.extract %reduce_sum3A_787[15] : f32 from vector<16xf32>
        %broadcast_in_dim3A_789 = vector.broadcast %reduce_sum3A_788 : f32 to vector<16xf32>
        %select_n3A_790 = arith.select %eq3A_784, %broadcast_in_dim3A_789, %select_n3A_753 : vector<16xi1>, vector<16xf32>
        %exp3A = math.exp %select_n3A_790 : vector<16xf32>
        %mul3A_791 = arith.constant 128 : i32
        %mul3A_792 = arith.muli %add3A_137, %mul3A_791 : i32
        %mul3A_793 = arith.constant 16 : i32
        %mul3A_794 = arith.muli %scan3A_199, %mul3A_793 : i32
        %add3A_795 = arith.addi %mul3A_792, %mul3A_794 : i32
        %swap3A = arith.index_cast %add3A_795 : i32 to index
        %swap3A_796 = tpu.vector_load %arg15[%swap3A] {strides = array<i32>} : memref<10240xf32, #tpu.memory_space<vmem>>, vector<16xf32>,
        tpu.vector_store %arg15[%swap3A], %exp3A {strides = array<i32>} : memref<10240xf32, #tpu.memory_space<vmem>>, vector<16xf32>,
        %mul3A_797 = arith.constant 16 : i32
        %mul3A_798 = arith.muli %scan3A_199, %mul3A_797 : i32
        %add3A_799 = arith.addi %min3A_149, %mul3A_798 : i32
        %get3A_800 = arith.index_cast %add3A_799 : i32 to index
        %get3A_801 = tpu.vector_load %arg9[%get3A_800] {strides = array<i32>} : memref<10240xi32, #tpu.memory_space<vmem>>, vector<16xi32>,
        tpu.vector_store_idx %arg16[%get3A_801], %exp3A masked %broadcast_in_dim3A_159 {add = true} : memref<10240xf32, #tpu.memory_space<vmem>>[vector<16xi32>], vector<16xf32>, vector<16xi1>
      }
      %scan3A_165 = arith.constant 8 : i32
      %mul3A_166 = arith.constant 2 : i32
      %mul3A_167 = arith.muli %scan3A_132, %mul3A_166 : i32
      %add3A_168 = arith.constant 1 : i32
      %add3A_169 = arith.addi %mul3A_167, %add3A_168 : i32
      %add3A_170 = arith.constant 1 : i32
      %add3A_171 = arith.addi %add3A_169, %add3A_170 : i32
      %lt3A_172 = arith.constant 80 : i32
      %lt3A_173 = arith.cmpi slt, %add3A_171, %lt3A_172 : i32
      %convert_element_type3A_174 = arith.extui %lt3A_173 : i1 to i32
      %cond3A_175 = arith.constant 0 : i32
      %cond3A_176 = arith.cmpi ne, %convert_element_type3A_174, %cond3A_175 : i32
      scf.if %cond3A_176 {
        %add3A_199 = arith.constant 1 : i32
        %add3A_200 = arith.addi %add3A_169, %add3A_199 : i32
        %mul3A_201 = arith.constant 128 : i32
        %mul3A_202 = arith.muli %add3A_200, %mul3A_201 : i32
        %add3A_203 = arith.addi %sub3A, %mul3A_202 : i32
        %min3A_204 = arith.constant 10112 : i32
        %min3A_205 = arith.minsi %add3A_203, %min3A_204 : i32
        %dma_start3A_206 = tpu.memref_slice %arg9[%min3A_205] : memref<10240xi32, #tpu.memory_space<vmem>> -> memref<128xi32, #tpu.memory_space<vmem>>
        %dma_start3A_207 = arith.constant 0 : i32
        %dma_start3A_208 = arith.constant 0 : i32
        %dma_start3A_209 = tpu.memref_slice %arg2[%dma_start3A_207, %dma_start3A_208] : memref<10000x64xbf16, #tpu.memory_space<hbm>> -> memref<10000x64xbf16, #tpu.memory_space<hbm>>
        tpu.enqueue_indirect_dma source(%dma_start3A_209 : memref<10000x64xbf16, #tpu.memory_space<hbm>>) target(%arg11 : memref<128x64xbf16, #tpu.memory_space<vmem>>) offsets(%dma_start3A_206 : memref<128xi32, #tpu.memory_space<vmem>>) semaphore(%arg22 : memref<!tpu.dma_semaphore, #tpu.memory_space<semaphore_mem>>)
        %dma_start3A_210 = tpu.memref_slice %arg10[%min3A_205] : memref<10240xi32, #tpu.memory_space<vmem>> -> memref<128xi32, #tpu.memory_space<vmem>>
        %dma_start3A_211 = arith.constant 0 : i32
        %dma_start3A_212 = arith.constant 0 : i32
        %dma_start3A_213 = tpu.memref_slice %arg3[%dma_start3A_211, %dma_start3A_212] : memref<10000x64xbf16, #tpu.memory_space<hbm>> -> memref<10000x64xbf16, #tpu.memory_space<hbm>>
        tpu.enqueue_indirect_dma source(%dma_start3A_213 : memref<10000x64xbf16, #tpu.memory_space<hbm>>) target(%arg12 : memref<128x64xbf16, #tpu.memory_space<vmem>>) offsets(%dma_start3A_210 : memref<128xi32, #tpu.memory_space<vmem>>) semaphore(%arg22 : memref<!tpu.dma_semaphore, #tpu.memory_space<semaphore_mem>>)
      } else {
      }
      %mul3A_177 = arith.constant 128 : i32
      %mul3A_178 = arith.muli %add3A_169, %mul3A_177 : i32
      %add3A_179 = arith.addi %sub3A, %mul3A_178 : i32
      %min3A_180 = arith.constant 10112 : i32
      %min3A_181 = arith.minsi %add3A_179, %min3A_180 : i32
      %dma_wait3A_182 = tpu.memref_slice %arg9[%min3A_181] : memref<10240xi32, #tpu.memory_space<vmem>> -> memref<128xi32, #tpu.memory_space<vmem>>
      %dma_wait3A_183 = arith.constant 0 : i32
      %dma_wait3A_184 = arith.constant 0 : i32
      %dma_wait3A_185 = tpu.memref_slice %arg2[%dma_wait3A_183, %dma_wait3A_184] : memref<10000x64xbf16, #tpu.memory_space<hbm>> -> memref<10000x64xbf16, #tpu.memory_space<hbm>>
      tpu.wait_indirect_dma semaphore(%arg23 : memref<!tpu.dma_semaphore, #tpu.memory_space<semaphore_mem>>) src(%dma_wait3A_185 : memref<10000x64xbf16, #tpu.memory_space<hbm>>) dst(%arg13 : memref<128x64xbf16, #tpu.memory_space<vmem>>)
      %dma_wait3A_186 = tpu.memref_slice %arg10[%min3A_181] : memref<10240xi32, #tpu.memory_space<vmem>> -> memref<128xi32, #tpu.memory_space<vmem>>
      %dma_wait3A_187 = arith.constant 0 : i32
      %dma_wait3A_188 = arith.constant 0 : i32
      %dma_wait3A_189 = tpu.memref_slice %arg3[%dma_wait3A_187, %dma_wait3A_188] : memref<10000x64xbf16, #tpu.memory_space<hbm>> -> memref<10000x64xbf16, #tpu.memory_space<hbm>>
      tpu.wait_indirect_dma semaphore(%arg23 : memref<!tpu.dma_semaphore, #tpu.memory_space<semaphore_mem>>) src(%dma_wait3A_189 : memref<10000x64xbf16, #tpu.memory_space<hbm>>) dst(%arg14 : memref<128x64xbf16, #tpu.memory_space<vmem>>)
      %lt3A_190 = arith.cmpi slt, %add3A_169, %add3A_8 : i32
      %broadcast_in_dim3A_191 = vector.broadcast %lt3A_190 : i1 to vector<16xi1>
      %scan3A_192 = arith.constant 0 : i32
      %scan3A_193 = arith.constant 0 : i32
      %scan3A_194 = arith.constant 8 : i32
      %scan3A_195 = arith.addi %scan3A_193, %scan3A_194 : i32
      %scan3A_196 = arith.constant 1 : i32
      scf.for %scan3A_199 = %scan3A_193 to %scan3A_195 step %scan3A_196  : i32 {
        %broadcast_in_dim3A_200 = arith.constant 0.000000e+00 : f32
        %broadcast_in_dim3A_201 = vector.broadcast %broadcast_in_dim3A_200 : f32 to vector<16xf32>
        %broadcast_in_dim3A_202 = arith.constant 0.000000e+00 : f32
        %broadcast_in_dim3A_203 = vector.broadcast %broadcast_in_dim3A_202 : f32 to vector<16xf32>
        %mul3A_204 = arith.constant 16 : i32
        %mul3A_205 = arith.muli %scan3A_199, %mul3A_204 : i32
        %add3A_206 = arith.constant 0 : i32
        %add3A_207 = arith.addi %mul3A_205, %add3A_206 : i32
        %get3A = arith.index_cast %add3A_207 : i32 to index
        %get3A_208 = arith.constant 0 : index
        %get3A_209 = tpu.vector_load %arg13[%get3A, %get3A_208] {strides = array<i32>} : memref<128x64xbf16, #tpu.memory_space<vmem>>, vector<32xbf16>,
        %get3A_210 = arith.index_cast %add3A_207 : i32 to index
        %get3A_211 = arith.constant 0 : index
        %get3A_212 = tpu.vector_load %arg14[%get3A_210, %get3A_211] {strides = array<i32>} : memref<128x64xbf16, #tpu.memory_space<vmem>>, vector<32xbf16>,
        %mul3A_213 = arith.mulf %get3A_209, %get3A_212 : vector<32xbf16>
        %unpack3A = tpu.unpack_subelements %mul3A_213, 0 {pack_format = #tpu.pack_format<interleaved>} : vector<32xbf16> -> vector<16xf32>
        %unpack3A_214 = tpu.unpack_subelements %mul3A_213, 1 {pack_format = #tpu.pack_format<interleaved>} : vector<32xbf16> -> vector<16xf32>
        %add3A_215 = arith.addf %broadcast_in_dim3A_203, %unpack3A : vector<16xf32>
        %add3A_216 = arith.addf %add3A_215, %unpack3A_214 : vector<16xf32>
        %get3A_217 = arith.index_cast %add3A_207 : i32 to index
        %get3A_218 = arith.constant 32 : index
        %get3A_219 = tpu.vector_load %arg13[%get3A_217, %get3A_218] {strides = array<i32>} : memref<128x64xbf16, #tpu.memory_space<vmem>>, vector<32xbf16>,
        %get3A_220 = arith.index_cast %add3A_207 : i32 to index
        %get3A_221 = arith.constant 32 : index
        %get3A_222 = tpu.vector_load %arg14[%get3A_220, %get3A_221] {strides = array<i32>} : memref<128x64xbf16, #tpu.memory_space<vmem>>, vector<32xbf16>,
        %mul3A_223 = arith.mulf %get3A_219, %get3A_222 : vector<32xbf16>
        %unpack3A_224 = tpu.unpack_subelements %mul3A_223, 0 {pack_format = #tpu.pack_format<interleaved>} : vector<32xbf16> -> vector<16xf32>
        %unpack3A_225 = tpu.unpack_subelements %mul3A_223, 1 {pack_format = #tpu.pack_format<interleaved>} : vector<32xbf16> -> vector<16xf32>
        %add3A_226 = arith.addf %add3A_216, %unpack3A_224 : vector<16xf32>
        %add3A_227 = arith.addf %add3A_226, %unpack3A_225 : vector<16xf32>
        %eq3A_228 = arith.constant 0 : i32
        %eq3A_229 = vector.broadcast %eq3A_228 : i32 to vector<16xi32>
        %eq3A_230 = arith.cmpi eq, %iota3A, %eq3A_229 : vector<16xi32>
        %reduce_sum3A = arith.constant true
        %reduce_sum3A_231 = vector.broadcast %reduce_sum3A : i1 to vector<16xi1>
        %reduce_sum3A_232 = tpu.scan <sum>, %add3A_227 masked %reduce_sum3A_231 : vector<16xf32>, vector<16xi1> -> vector<16xf32>
        %reduce_sum3A_233 = vector.extract %reduce_sum3A_232[15] : f32 from vector<16xf32>
        %broadcast_in_dim3A_234 = vector.broadcast %reduce_sum3A_233 : f32 to vector<16xf32>
        %select_n3A_235 = arith.select %eq3A_230, %broadcast_in_dim3A_234, %broadcast_in_dim3A_201 : vector<16xi1>, vector<16xf32>
        %broadcast_in_dim3A_236 = arith.constant 0.000000e+00 : f32
        %broadcast_in_dim3A_237 = vector.broadcast %broadcast_in_dim3A_236 : f32 to vector<16xf32>
        %mul3A_238 = arith.constant 16 : i32
        %mul3A_239 = arith.muli %scan3A_199, %mul3A_238 : i32
        %add3A_240 = arith.constant 1 : i32
        %add3A_241 = arith.addi %mul3A_239, %add3A_240 : i32
        %get3A_242 = arith.index_cast %add3A_241 : i32 to index
        %get3A_243 = arith.constant 0 : index
        %get3A_244 = tpu.vector_load %arg13[%get3A_242, %get3A_243] {strides = array<i32>} : memref<128x64xbf16, #tpu.memory_space<vmem>>, vector<32xbf16>,
        %get3A_245 = arith.index_cast %add3A_241 : i32 to index
        %get3A_246 = arith.constant 0 : index
        %get3A_247 = tpu.vector_load %arg14[%get3A_245, %get3A_246] {strides = array<i32>} : memref<128x64xbf16, #tpu.memory_space<vmem>>, vector<32xbf16>,
        %mul3A_248 = arith.mulf %get3A_244, %get3A_247 : vector<32xbf16>
        %unpack3A_249 = tpu.unpack_subelements %mul3A_248, 0 {pack_format = #tpu.pack_format<interleaved>} : vector<32xbf16> -> vector<16xf32>
        %unpack3A_250 = tpu.unpack_subelements %mul3A_248, 1 {pack_format = #tpu.pack_format<interleaved>} : vector<32xbf16> -> vector<16xf32>
        %add3A_251 = arith.addf %broadcast_in_dim3A_237, %unpack3A_249 : vector<16xf32>
        %add3A_252 = arith.addf %add3A_251, %unpack3A_250 : vector<16xf32>
        %get3A_253 = arith.index_cast %add3A_241 : i32 to index
        %get3A_254 = arith.constant 32 : index
        %get3A_255 = tpu.vector_load %arg13[%get3A_253, %get3A_254] {strides = array<i32>} : memref<128x64xbf16, #tpu.memory_space<vmem>>, vector<32xbf16>,
        %get3A_256 = arith.index_cast %add3A_241 : i32 to index
        %get3A_257 = arith.constant 32 : index
        %get3A_258 = tpu.vector_load %arg14[%get3A_256, %get3A_257] {strides = array<i32>} : memref<128x64xbf16, #tpu.memory_space<vmem>>, vector<32xbf16>,
        %mul3A_259 = arith.mulf %get3A_255, %get3A_258 : vector<32xbf16>
        %unpack3A_260 = tpu.unpack_subelements %mul3A_259, 0 {pack_format = #tpu.pack_format<interleaved>} : vector<32xbf16> -> vector<16xf32>
        %unpack3A_261 = tpu.unpack_subelements %mul3A_259, 1 {pack_format = #tpu.pack_format<interleaved>} : vector<32xbf16> -> vector<16xf32>
        %add3A_262 = arith.addf %add3A_252, %unpack3A_260 : vector<16xf32>
        %add3A_263 = arith.addf %add3A_262, %unpack3A_261 : vector<16xf32>
        %eq3A_264 = arith.constant 1 : i32
        %eq3A_265 = vector.broadcast %eq3A_264 : i32 to vector<16xi32>
        %eq3A_266 = arith.cmpi eq, %iota3A, %eq3A_265 : vector<16xi32>
        %reduce_sum3A_267 = arith.constant true
        %reduce_sum3A_268 = vector.broadcast %reduce_sum3A_267 : i1 to vector<16xi1>
        %reduce_sum3A_269 = tpu.scan <sum>, %add3A_263 masked %reduce_sum3A_268 : vector<16xf32>, vector<16xi1> -> vector<16xf32>
        %reduce_sum3A_270 = vector.extract %reduce_sum3A_269[15] : f32 from vector<16xf32>
        %broadcast_in_dim3A_271 = vector.broadcast %reduce_sum3A_270 : f32 to vector<16xf32>
        %select_n3A_272 = arith.select %eq3A_266, %broadcast_in_dim3A_271, %select_n3A_235 : vector<16xi1>, vector<16xf32>
        %broadcast_in_dim3A_273 = arith.constant 0.000000e+00 : f32
        %broadcast_in_dim3A_274 = vector.broadcast %broadcast_in_dim3A_273 : f32 to vector<16xf32>
        %mul3A_275 = arith.constant 16 : i32
        %mul3A_276 = arith.muli %scan3A_199, %mul3A_275 : i32
        %add3A_277 = arith.constant 2 : i32
        %add3A_278 = arith.addi %mul3A_276, %add3A_277 : i32
        %get3A_279 = arith.index_cast %add3A_278 : i32 to index
        %get3A_280 = arith.constant 0 : index
        %get3A_281 = tpu.vector_load %arg13[%get3A_279, %get3A_280] {strides = array<i32>} : memref<128x64xbf16, #tpu.memory_space<vmem>>, vector<32xbf16>,
        %get3A_282 = arith.index_cast %add3A_278 : i32 to index
        %get3A_283 = arith.constant 0 : index
        %get3A_284 = tpu.vector_load %arg14[%get3A_282, %get3A_283] {strides = array<i32>} : memref<128x64xbf16, #tpu.memory_space<vmem>>, vector<32xbf16>,
        %mul3A_285 = arith.mulf %get3A_281, %get3A_284 : vector<32xbf16>
        %unpack3A_286 = tpu.unpack_subelements %mul3A_285, 0 {pack_format = #tpu.pack_format<interleaved>} : vector<32xbf16> -> vector<16xf32>
        %unpack3A_287 = tpu.unpack_subelements %mul3A_285, 1 {pack_format = #tpu.pack_format<interleaved>} : vector<32xbf16> -> vector<16xf32>
        %add3A_288 = arith.addf %broadcast_in_dim3A_274, %unpack3A_286 : vector<16xf32>
        %add3A_289 = arith.addf %add3A_288, %unpack3A_287 : vector<16xf32>
        %get3A_290 = arith.index_cast %add3A_278 : i32 to index
        %get3A_291 = arith.constant 32 : index
        %get3A_292 = tpu.vector_load %arg13[%get3A_290, %get3A_291] {strides = array<i32>} : memref<128x64xbf16, #tpu.memory_space<vmem>>, vector<32xbf16>,
        %get3A_293 = arith.index_cast %add3A_278 : i32 to index
        %get3A_294 = arith.constant 32 : index
        %get3A_295 = tpu.vector_load %arg14[%get3A_293, %get3A_294] {strides = array<i32>} : memref<128x64xbf16, #tpu.memory_space<vmem>>, vector<32xbf16>,
        %mul3A_296 = arith.mulf %get3A_292, %get3A_295 : vector<32xbf16>
        %unpack3A_297 = tpu.unpack_subelements %mul3A_296, 0 {pack_format = #tpu.pack_format<interleaved>} : vector<32xbf16> -> vector<16xf32>
        %unpack3A_298 = tpu.unpack_subelements %mul3A_296, 1 {pack_format = #tpu.pack_format<interleaved>} : vector<32xbf16> -> vector<16xf32>
        %add3A_299 = arith.addf %add3A_289, %unpack3A_297 : vector<16xf32>
        %add3A_300 = arith.addf %add3A_299, %unpack3A_298 : vector<16xf32>
        %eq3A_301 = arith.constant 2 : i32
        %eq3A_302 = vector.broadcast %eq3A_301 : i32 to vector<16xi32>
        %eq3A_303 = arith.cmpi eq, %iota3A, %eq3A_302 : vector<16xi32>
        %reduce_sum3A_304 = arith.constant true
        %reduce_sum3A_305 = vector.broadcast %reduce_sum3A_304 : i1 to vector<16xi1>
        %reduce_sum3A_306 = tpu.scan <sum>, %add3A_300 masked %reduce_sum3A_305 : vector<16xf32>, vector<16xi1> -> vector<16xf32>
        %reduce_sum3A_307 = vector.extract %reduce_sum3A_306[15] : f32 from vector<16xf32>
        %broadcast_in_dim3A_308 = vector.broadcast %reduce_sum3A_307 : f32 to vector<16xf32>
        %select_n3A_309 = arith.select %eq3A_303, %broadcast_in_dim3A_308, %select_n3A_272 : vector<16xi1>, vector<16xf32>
        %broadcast_in_dim3A_310 = arith.constant 0.000000e+00 : f32
        %broadcast_in_dim3A_311 = vector.broadcast %broadcast_in_dim3A_310 : f32 to vector<16xf32>
        %mul3A_312 = arith.constant 16 : i32
        %mul3A_313 = arith.muli %scan3A_199, %mul3A_312 : i32
        %add3A_314 = arith.constant 3 : i32
        %add3A_315 = arith.addi %mul3A_313, %add3A_314 : i32
        %get3A_316 = arith.index_cast %add3A_315 : i32 to index
        %get3A_317 = arith.constant 0 : index
        %get3A_318 = tpu.vector_load %arg13[%get3A_316, %get3A_317] {strides = array<i32>} : memref<128x64xbf16, #tpu.memory_space<vmem>>, vector<32xbf16>,
        %get3A_319 = arith.index_cast %add3A_315 : i32 to index
        %get3A_320 = arith.constant 0 : index
        %get3A_321 = tpu.vector_load %arg14[%get3A_319, %get3A_320] {strides = array<i32>} : memref<128x64xbf16, #tpu.memory_space<vmem>>, vector<32xbf16>,
        %mul3A_322 = arith.mulf %get3A_318, %get3A_321 : vector<32xbf16>
        %unpack3A_323 = tpu.unpack_subelements %mul3A_322, 0 {pack_format = #tpu.pack_format<interleaved>} : vector<32xbf16> -> vector<16xf32>
        %unpack3A_324 = tpu.unpack_subelements %mul3A_322, 1 {pack_format = #tpu.pack_format<interleaved>} : vector<32xbf16> -> vector<16xf32>
        %add3A_325 = arith.addf %broadcast_in_dim3A_311, %unpack3A_323 : vector<16xf32>
        %add3A_326 = arith.addf %add3A_325, %unpack3A_324 : vector<16xf32>
        %get3A_327 = arith.index_cast %add3A_315 : i32 to index
        %get3A_328 = arith.constant 32 : index
        %get3A_329 = tpu.vector_load %arg13[%get3A_327, %get3A_328] {strides = array<i32>} : memref<128x64xbf16, #tpu.memory_space<vmem>>, vector<32xbf16>,
        %get3A_330 = arith.index_cast %add3A_315 : i32 to index
        %get3A_331 = arith.constant 32 : index
        %get3A_332 = tpu.vector_load %arg14[%get3A_330, %get3A_331] {strides = array<i32>} : memref<128x64xbf16, #tpu.memory_space<vmem>>, vector<32xbf16>,
        %mul3A_333 = arith.mulf %get3A_329, %get3A_332 : vector<32xbf16>
        %unpack3A_334 = tpu.unpack_subelements %mul3A_333, 0 {pack_format = #tpu.pack_format<interleaved>} : vector<32xbf16> -> vector<16xf32>
        %unpack3A_335 = tpu.unpack_subelements %mul3A_333, 1 {pack_format = #tpu.pack_format<interleaved>} : vector<32xbf16> -> vector<16xf32>
        %add3A_336 = arith.addf %add3A_326, %unpack3A_334 : vector<16xf32>
        %add3A_337 = arith.addf %add3A_336, %unpack3A_335 : vector<16xf32>
        %eq3A_338 = arith.constant 3 : i32
        %eq3A_339 = vector.broadcast %eq3A_338 : i32 to vector<16xi32>
        %eq3A_340 = arith.cmpi eq, %iota3A, %eq3A_339 : vector<16xi32>
        %reduce_sum3A_341 = arith.constant true
        %reduce_sum3A_342 = vector.broadcast %reduce_sum3A_341 : i1 to vector<16xi1>
        %reduce_sum3A_343 = tpu.scan <sum>, %add3A_337 masked %reduce_sum3A_342 : vector<16xf32>, vector<16xi1> -> vector<16xf32>
        %reduce_sum3A_344 = vector.extract %reduce_sum3A_343[15] : f32 from vector<16xf32>
        %broadcast_in_dim3A_345 = vector.broadcast %reduce_sum3A_344 : f32 to vector<16xf32>
        %select_n3A_346 = arith.select %eq3A_340, %broadcast_in_dim3A_345, %select_n3A_309 : vector<16xi1>, vector<16xf32>
        %broadcast_in_dim3A_347 = arith.constant 0.000000e+00 : f32
        %broadcast_in_dim3A_348 = vector.broadcast %broadcast_in_dim3A_347 : f32 to vector<16xf32>
        %mul3A_349 = arith.constant 16 : i32
        %mul3A_350 = arith.muli %scan3A_199, %mul3A_349 : i32
        %add3A_351 = arith.constant 4 : i32
        %add3A_352 = arith.addi %mul3A_350, %add3A_351 : i32
        %get3A_353 = arith.index_cast %add3A_352 : i32 to index
        %get3A_354 = arith.constant 0 : index
        %get3A_355 = tpu.vector_load %arg13[%get3A_353, %get3A_354] {strides = array<i32>} : memref<128x64xbf16, #tpu.memory_space<vmem>>, vector<32xbf16>,
        %get3A_356 = arith.index_cast %add3A_352 : i32 to index
        %get3A_357 = arith.constant 0 : index
        %get3A_358 = tpu.vector_load %arg14[%get3A_356, %get3A_357] {strides = array<i32>} : memref<128x64xbf16, #tpu.memory_space<vmem>>, vector<32xbf16>,
        %mul3A_359 = arith.mulf %get3A_355, %get3A_358 : vector<32xbf16>
        %unpack3A_360 = tpu.unpack_subelements %mul3A_359, 0 {pack_format = #tpu.pack_format<interleaved>} : vector<32xbf16> -> vector<16xf32>
        %unpack3A_361 = tpu.unpack_subelements %mul3A_359, 1 {pack_format = #tpu.pack_format<interleaved>} : vector<32xbf16> -> vector<16xf32>
        %add3A_362 = arith.addf %broadcast_in_dim3A_348, %unpack3A_360 : vector<16xf32>
        %add3A_363 = arith.addf %add3A_362, %unpack3A_361 : vector<16xf32>
        %get3A_364 = arith.index_cast %add3A_352 : i32 to index
        %get3A_365 = arith.constant 32 : index
        %get3A_366 = tpu.vector_load %arg13[%get3A_364, %get3A_365] {strides = array<i32>} : memref<128x64xbf16, #tpu.memory_space<vmem>>, vector<32xbf16>,
        %get3A_367 = arith.index_cast %add3A_352 : i32 to index
        %get3A_368 = arith.constant 32 : index
        %get3A_369 = tpu.vector_load %arg14[%get3A_367, %get3A_368] {strides = array<i32>} : memref<128x64xbf16, #tpu.memory_space<vmem>>, vector<32xbf16>,
        %mul3A_370 = arith.mulf %get3A_366, %get3A_369 : vector<32xbf16>
        %unpack3A_371 = tpu.unpack_subelements %mul3A_370, 0 {pack_format = #tpu.pack_format<interleaved>} : vector<32xbf16> -> vector<16xf32>
        %unpack3A_372 = tpu.unpack_subelements %mul3A_370, 1 {pack_format = #tpu.pack_format<interleaved>} : vector<32xbf16> -> vector<16xf32>
        %add3A_373 = arith.addf %add3A_363, %unpack3A_371 : vector<16xf32>
        %add3A_374 = arith.addf %add3A_373, %unpack3A_372 : vector<16xf32>
        %eq3A_375 = arith.constant 4 : i32
        %eq3A_376 = vector.broadcast %eq3A_375 : i32 to vector<16xi32>
        %eq3A_377 = arith.cmpi eq, %iota3A, %eq3A_376 : vector<16xi32>
        %reduce_sum3A_378 = arith.constant true
        %reduce_sum3A_379 = vector.broadcast %reduce_sum3A_378 : i1 to vector<16xi1>
        %reduce_sum3A_380 = tpu.scan <sum>, %add3A_374 masked %reduce_sum3A_379 : vector<16xf32>, vector<16xi1> -> vector<16xf32>
        %reduce_sum3A_381 = vector.extract %reduce_sum3A_380[15] : f32 from vector<16xf32>
        %broadcast_in_dim3A_382 = vector.broadcast %reduce_sum3A_381 : f32 to vector<16xf32>
        %select_n3A_383 = arith.select %eq3A_377, %broadcast_in_dim3A_382, %select_n3A_346 : vector<16xi1>, vector<16xf32>
        %broadcast_in_dim3A_384 = arith.constant 0.000000e+00 : f32
        %broadcast_in_dim3A_385 = vector.broadcast %broadcast_in_dim3A_384 : f32 to vector<16xf32>
        %mul3A_386 = arith.constant 16 : i32
        %mul3A_387 = arith.muli %scan3A_199, %mul3A_386 : i32
        %add3A_388 = arith.constant 5 : i32
        %add3A_389 = arith.addi %mul3A_387, %add3A_388 : i32
        %get3A_390 = arith.index_cast %add3A_389 : i32 to index
        %get3A_391 = arith.constant 0 : index
        %get3A_392 = tpu.vector_load %arg13[%get3A_390, %get3A_391] {strides = array<i32>} : memref<128x64xbf16, #tpu.memory_space<vmem>>, vector<32xbf16>,
        %get3A_393 = arith.index_cast %add3A_389 : i32 to index
        %get3A_394 = arith.constant 0 : index
        %get3A_395 = tpu.vector_load %arg14[%get3A_393, %get3A_394] {strides = array<i32>} : memref<128x64xbf16, #tpu.memory_space<vmem>>, vector<32xbf16>,
        %mul3A_396 = arith.mulf %get3A_392, %get3A_395 : vector<32xbf16>
        %unpack3A_397 = tpu.unpack_subelements %mul3A_396, 0 {pack_format = #tpu.pack_format<interleaved>} : vector<32xbf16> -> vector<16xf32>
        %unpack3A_398 = tpu.unpack_subelements %mul3A_396, 1 {pack_format = #tpu.pack_format<interleaved>} : vector<32xbf16> -> vector<16xf32>
        %add3A_399 = arith.addf %broadcast_in_dim3A_385, %unpack3A_397 : vector<16xf32>
        %add3A_400 = arith.addf %add3A_399, %unpack3A_398 : vector<16xf32>
        %get3A_401 = arith.index_cast %add3A_389 : i32 to index
        %get3A_402 = arith.constant 32 : index
        %get3A_403 = tpu.vector_load %arg13[%get3A_401, %get3A_402] {strides = array<i32>} : memref<128x64xbf16, #tpu.memory_space<vmem>>, vector<32xbf16>,
        %get3A_404 = arith.index_cast %add3A_389 : i32 to index
        %get3A_405 = arith.constant 32 : index
        %get3A_406 = tpu.vector_load %arg14[%get3A_404, %get3A_405] {strides = array<i32>} : memref<128x64xbf16, #tpu.memory_space<vmem>>, vector<32xbf16>,
        %mul3A_407 = arith.mulf %get3A_403, %get3A_406 : vector<32xbf16>
        %unpack3A_408 = tpu.unpack_subelements %mul3A_407, 0 {pack_format = #tpu.pack_format<interleaved>} : vector<32xbf16> -> vector<16xf32>
        %unpack3A_409 = tpu.unpack_subelements %mul3A_407, 1 {pack_format = #tpu.pack_format<interleaved>} : vector<32xbf16> -> vector<16xf32>
        %add3A_410 = arith.addf %add3A_400, %unpack3A_408 : vector<16xf32>
        %add3A_411 = arith.addf %add3A_410, %unpack3A_409 : vector<16xf32>
        %eq3A_412 = arith.constant 5 : i32
        %eq3A_413 = vector.broadcast %eq3A_412 : i32 to vector<16xi32>
        %eq3A_414 = arith.cmpi eq, %iota3A, %eq3A_413 : vector<16xi32>
        %reduce_sum3A_415 = arith.constant true
        %reduce_sum3A_416 = vector.broadcast %reduce_sum3A_415 : i1 to vector<16xi1>
        %reduce_sum3A_417 = tpu.scan <sum>, %add3A_411 masked %reduce_sum3A_416 : vector<16xf32>, vector<16xi1> -> vector<16xf32>
        %reduce_sum3A_418 = vector.extract %reduce_sum3A_417[15] : f32 from vector<16xf32>
        %broadcast_in_dim3A_419 = vector.broadcast %reduce_sum3A_418 : f32 to vector<16xf32>
        %select_n3A_420 = arith.select %eq3A_414, %broadcast_in_dim3A_419, %select_n3A_383 : vector<16xi1>, vector<16xf32>
        %broadcast_in_dim3A_421 = arith.constant 0.000000e+00 : f32
        %broadcast_in_dim3A_422 = vector.broadcast %broadcast_in_dim3A_421 : f32 to vector<16xf32>
        %mul3A_423 = arith.constant 16 : i32
        %mul3A_424 = arith.muli %scan3A_199, %mul3A_423 : i32
        %add3A_425 = arith.constant 6 : i32
        %add3A_426 = arith.addi %mul3A_424, %add3A_425 : i32
        %get3A_427 = arith.index_cast %add3A_426 : i32 to index
        %get3A_428 = arith.constant 0 : index
        %get3A_429 = tpu.vector_load %arg13[%get3A_427, %get3A_428] {strides = array<i32>} : memref<128x64xbf16, #tpu.memory_space<vmem>>, vector<32xbf16>,
        %get3A_430 = arith.index_cast %add3A_426 : i32 to index
        %get3A_431 = arith.constant 0 : index
        %get3A_432 = tpu.vector_load %arg14[%get3A_430, %get3A_431] {strides = array<i32>} : memref<128x64xbf16, #tpu.memory_space<vmem>>, vector<32xbf16>,
        %mul3A_433 = arith.mulf %get3A_429, %get3A_432 : vector<32xbf16>
        %unpack3A_434 = tpu.unpack_subelements %mul3A_433, 0 {pack_format = #tpu.pack_format<interleaved>} : vector<32xbf16> -> vector<16xf32>
        %unpack3A_435 = tpu.unpack_subelements %mul3A_433, 1 {pack_format = #tpu.pack_format<interleaved>} : vector<32xbf16> -> vector<16xf32>
        %add3A_436 = arith.addf %broadcast_in_dim3A_422, %unpack3A_434 : vector<16xf32>
        %add3A_437 = arith.addf %add3A_436, %unpack3A_435 : vector<16xf32>
        %get3A_438 = arith.index_cast %add3A_426 : i32 to index
        %get3A_439 = arith.constant 32 : index
        %get3A_440 = tpu.vector_load %arg13[%get3A_438, %get3A_439] {strides = array<i32>} : memref<128x64xbf16, #tpu.memory_space<vmem>>, vector<32xbf16>,
        %get3A_441 = arith.index_cast %add3A_426 : i32 to index
        %get3A_442 = arith.constant 32 : index
        %get3A_443 = tpu.vector_load %arg14[%get3A_441, %get3A_442] {strides = array<i32>} : memref<128x64xbf16, #tpu.memory_space<vmem>>, vector<32xbf16>,
        %mul3A_444 = arith.mulf %get3A_440, %get3A_443 : vector<32xbf16>
        %unpack3A_445 = tpu.unpack_subelements %mul3A_444, 0 {pack_format = #tpu.pack_format<interleaved>} : vector<32xbf16> -> vector<16xf32>
        %unpack3A_446 = tpu.unpack_subelements %mul3A_444, 1 {pack_format = #tpu.pack_format<interleaved>} : vector<32xbf16> -> vector<16xf32>
        %add3A_447 = arith.addf %add3A_437, %unpack3A_445 : vector<16xf32>
        %add3A_448 = arith.addf %add3A_447, %unpack3A_446 : vector<16xf32>
        %eq3A_449 = arith.constant 6 : i32
        %eq3A_450 = vector.broadcast %eq3A_449 : i32 to vector<16xi32>
        %eq3A_451 = arith.cmpi eq, %iota3A, %eq3A_450 : vector<16xi32>
        %reduce_sum3A_452 = arith.constant true
        %reduce_sum3A_453 = vector.broadcast %reduce_sum3A_452 : i1 to vector<16xi1>
        %reduce_sum3A_454 = tpu.scan <sum>, %add3A_448 masked %reduce_sum3A_453 : vector<16xf32>, vector<16xi1> -> vector<16xf32>
        %reduce_sum3A_455 = vector.extract %reduce_sum3A_454[15] : f32 from vector<16xf32>
        %broadcast_in_dim3A_456 = vector.broadcast %reduce_sum3A_455 : f32 to vector<16xf32>
        %select_n3A_457 = arith.select %eq3A_451, %broadcast_in_dim3A_456, %select_n3A_420 : vector<16xi1>, vector<16xf32>
        %broadcast_in_dim3A_458 = arith.constant 0.000000e+00 : f32
        %broadcast_in_dim3A_459 = vector.broadcast %broadcast_in_dim3A_458 : f32 to vector<16xf32>
        %mul3A_460 = arith.constant 16 : i32
        %mul3A_461 = arith.muli %scan3A_199, %mul3A_460 : i32
        %add3A_462 = arith.constant 7 : i32
        %add3A_463 = arith.addi %mul3A_461, %add3A_462 : i32
        %get3A_464 = arith.index_cast %add3A_463 : i32 to index
        %get3A_465 = arith.constant 0 : index
        %get3A_466 = tpu.vector_load %arg13[%get3A_464, %get3A_465] {strides = array<i32>} : memref<128x64xbf16, #tpu.memory_space<vmem>>, vector<32xbf16>,
        %get3A_467 = arith.index_cast %add3A_463 : i32 to index
        %get3A_468 = arith.constant 0 : index
        %get3A_469 = tpu.vector_load %arg14[%get3A_467, %get3A_468] {strides = array<i32>} : memref<128x64xbf16, #tpu.memory_space<vmem>>, vector<32xbf16>,
        %mul3A_470 = arith.mulf %get3A_466, %get3A_469 : vector<32xbf16>
        %unpack3A_471 = tpu.unpack_subelements %mul3A_470, 0 {pack_format = #tpu.pack_format<interleaved>} : vector<32xbf16> -> vector<16xf32>
        %unpack3A_472 = tpu.unpack_subelements %mul3A_470, 1 {pack_format = #tpu.pack_format<interleaved>} : vector<32xbf16> -> vector<16xf32>
        %add3A_473 = arith.addf %broadcast_in_dim3A_459, %unpack3A_471 : vector<16xf32>
        %add3A_474 = arith.addf %add3A_473, %unpack3A_472 : vector<16xf32>
        %get3A_475 = arith.index_cast %add3A_463 : i32 to index
        %get3A_476 = arith.constant 32 : index
        %get3A_477 = tpu.vector_load %arg13[%get3A_475, %get3A_476] {strides = array<i32>} : memref<128x64xbf16, #tpu.memory_space<vmem>>, vector<32xbf16>,
        %get3A_478 = arith.index_cast %add3A_463 : i32 to index
        %get3A_479 = arith.constant 32 : index
        %get3A_480 = tpu.vector_load %arg14[%get3A_478, %get3A_479] {strides = array<i32>} : memref<128x64xbf16, #tpu.memory_space<vmem>>, vector<32xbf16>,
        %mul3A_481 = arith.mulf %get3A_477, %get3A_480 : vector<32xbf16>
        %unpack3A_482 = tpu.unpack_subelements %mul3A_481, 0 {pack_format = #tpu.pack_format<interleaved>} : vector<32xbf16> -> vector<16xf32>
        %unpack3A_483 = tpu.unpack_subelements %mul3A_481, 1 {pack_format = #tpu.pack_format<interleaved>} : vector<32xbf16> -> vector<16xf32>
        %add3A_484 = arith.addf %add3A_474, %unpack3A_482 : vector<16xf32>
        %add3A_485 = arith.addf %add3A_484, %unpack3A_483 : vector<16xf32>
        %eq3A_486 = arith.constant 7 : i32
        %eq3A_487 = vector.broadcast %eq3A_486 : i32 to vector<16xi32>
        %eq3A_488 = arith.cmpi eq, %iota3A, %eq3A_487 : vector<16xi32>
        %reduce_sum3A_489 = arith.constant true
        %reduce_sum3A_490 = vector.broadcast %reduce_sum3A_489 : i1 to vector<16xi1>
        %reduce_sum3A_491 = tpu.scan <sum>, %add3A_485 masked %reduce_sum3A_490 : vector<16xf32>, vector<16xi1> -> vector<16xf32>
        %reduce_sum3A_492 = vector.extract %reduce_sum3A_491[15] : f32 from vector<16xf32>
        %broadcast_in_dim3A_493 = vector.broadcast %reduce_sum3A_492 : f32 to vector<16xf32>
        %select_n3A_494 = arith.select %eq3A_488, %broadcast_in_dim3A_493, %select_n3A_457 : vector<16xi1>, vector<16xf32>
        %broadcast_in_dim3A_495 = arith.constant 0.000000e+00 : f32
        %broadcast_in_dim3A_496 = vector.broadcast %broadcast_in_dim3A_495 : f32 to vector<16xf32>
        %mul3A_497 = arith.constant 16 : i32
        %mul3A_498 = arith.muli %scan3A_199, %mul3A_497 : i32
        %add3A_499 = arith.constant 8 : i32
        %add3A_500 = arith.addi %mul3A_498, %add3A_499 : i32
        %get3A_501 = arith.index_cast %add3A_500 : i32 to index
        %get3A_502 = arith.constant 0 : index
        %get3A_503 = tpu.vector_load %arg13[%get3A_501, %get3A_502] {strides = array<i32>} : memref<128x64xbf16, #tpu.memory_space<vmem>>, vector<32xbf16>,
        %get3A_504 = arith.index_cast %add3A_500 : i32 to index
        %get3A_505 = arith.constant 0 : index
        %get3A_506 = tpu.vector_load %arg14[%get3A_504, %get3A_505] {strides = array<i32>} : memref<128x64xbf16, #tpu.memory_space<vmem>>, vector<32xbf16>,
        %mul3A_507 = arith.mulf %get3A_503, %get3A_506 : vector<32xbf16>
        %unpack3A_508 = tpu.unpack_subelements %mul3A_507, 0 {pack_format = #tpu.pack_format<interleaved>} : vector<32xbf16> -> vector<16xf32>
        %unpack3A_509 = tpu.unpack_subelements %mul3A_507, 1 {pack_format = #tpu.pack_format<interleaved>} : vector<32xbf16> -> vector<16xf32>
        %add3A_510 = arith.addf %broadcast_in_dim3A_496, %unpack3A_508 : vector<16xf32>
        %add3A_511 = arith.addf %add3A_510, %unpack3A_509 : vector<16xf32>
        %get3A_512 = arith.index_cast %add3A_500 : i32 to index
        %get3A_513 = arith.constant 32 : index
        %get3A_514 = tpu.vector_load %arg13[%get3A_512, %get3A_513] {strides = array<i32>} : memref<128x64xbf16, #tpu.memory_space<vmem>>, vector<32xbf16>,
        %get3A_515 = arith.index_cast %add3A_500 : i32 to index
        %get3A_516 = arith.constant 32 : index
        %get3A_517 = tpu.vector_load %arg14[%get3A_515, %get3A_516] {strides = array<i32>} : memref<128x64xbf16, #tpu.memory_space<vmem>>, vector<32xbf16>,
        %mul3A_518 = arith.mulf %get3A_514, %get3A_517 : vector<32xbf16>
        %unpack3A_519 = tpu.unpack_subelements %mul3A_518, 0 {pack_format = #tpu.pack_format<interleaved>} : vector<32xbf16> -> vector<16xf32>
        %unpack3A_520 = tpu.unpack_subelements %mul3A_518, 1 {pack_format = #tpu.pack_format<interleaved>} : vector<32xbf16> -> vector<16xf32>
        %add3A_521 = arith.addf %add3A_511, %unpack3A_519 : vector<16xf32>
        %add3A_522 = arith.addf %add3A_521, %unpack3A_520 : vector<16xf32>
        %eq3A_523 = arith.constant 8 : i32
        %eq3A_524 = vector.broadcast %eq3A_523 : i32 to vector<16xi32>
        %eq3A_525 = arith.cmpi eq, %iota3A, %eq3A_524 : vector<16xi32>
        %reduce_sum3A_526 = arith.constant true
        %reduce_sum3A_527 = vector.broadcast %reduce_sum3A_526 : i1 to vector<16xi1>
        %reduce_sum3A_528 = tpu.scan <sum>, %add3A_522 masked %reduce_sum3A_527 : vector<16xf32>, vector<16xi1> -> vector<16xf32>
        %reduce_sum3A_529 = vector.extract %reduce_sum3A_528[15] : f32 from vector<16xf32>
        %broadcast_in_dim3A_530 = vector.broadcast %reduce_sum3A_529 : f32 to vector<16xf32>
        %select_n3A_531 = arith.select %eq3A_525, %broadcast_in_dim3A_530, %select_n3A_494 : vector<16xi1>, vector<16xf32>
        %broadcast_in_dim3A_532 = arith.constant 0.000000e+00 : f32
        %broadcast_in_dim3A_533 = vector.broadcast %broadcast_in_dim3A_532 : f32 to vector<16xf32>
        %mul3A_534 = arith.constant 16 : i32
        %mul3A_535 = arith.muli %scan3A_199, %mul3A_534 : i32
        %add3A_536 = arith.constant 9 : i32
        %add3A_537 = arith.addi %mul3A_535, %add3A_536 : i32
        %get3A_538 = arith.index_cast %add3A_537 : i32 to index
        %get3A_539 = arith.constant 0 : index
        %get3A_540 = tpu.vector_load %arg13[%get3A_538, %get3A_539] {strides = array<i32>} : memref<128x64xbf16, #tpu.memory_space<vmem>>, vector<32xbf16>,
        %get3A_541 = arith.index_cast %add3A_537 : i32 to index
        %get3A_542 = arith.constant 0 : index
        %get3A_543 = tpu.vector_load %arg14[%get3A_541, %get3A_542] {strides = array<i32>} : memref<128x64xbf16, #tpu.memory_space<vmem>>, vector<32xbf16>,
        %mul3A_544 = arith.mulf %get3A_540, %get3A_543 : vector<32xbf16>
        %unpack3A_545 = tpu.unpack_subelements %mul3A_544, 0 {pack_format = #tpu.pack_format<interleaved>} : vector<32xbf16> -> vector<16xf32>
        %unpack3A_546 = tpu.unpack_subelements %mul3A_544, 1 {pack_format = #tpu.pack_format<interleaved>} : vector<32xbf16> -> vector<16xf32>
        %add3A_547 = arith.addf %broadcast_in_dim3A_533, %unpack3A_545 : vector<16xf32>
        %add3A_548 = arith.addf %add3A_547, %unpack3A_546 : vector<16xf32>
        %get3A_549 = arith.index_cast %add3A_537 : i32 to index
        %get3A_550 = arith.constant 32 : index
        %get3A_551 = tpu.vector_load %arg13[%get3A_549, %get3A_550] {strides = array<i32>} : memref<128x64xbf16, #tpu.memory_space<vmem>>, vector<32xbf16>,
        %get3A_552 = arith.index_cast %add3A_537 : i32 to index
        %get3A_553 = arith.constant 32 : index
        %get3A_554 = tpu.vector_load %arg14[%get3A_552, %get3A_553] {strides = array<i32>} : memref<128x64xbf16, #tpu.memory_space<vmem>>, vector<32xbf16>,
        %mul3A_555 = arith.mulf %get3A_551, %get3A_554 : vector<32xbf16>
        %unpack3A_556 = tpu.unpack_subelements %mul3A_555, 0 {pack_format = #tpu.pack_format<interleaved>} : vector<32xbf16> -> vector<16xf32>
        %unpack3A_557 = tpu.unpack_subelements %mul3A_555, 1 {pack_format = #tpu.pack_format<interleaved>} : vector<32xbf16> -> vector<16xf32>
        %add3A_558 = arith.addf %add3A_548, %unpack3A_556 : vector<16xf32>
        %add3A_559 = arith.addf %add3A_558, %unpack3A_557 : vector<16xf32>
        %eq3A_560 = arith.constant 9 : i32
        %eq3A_561 = vector.broadcast %eq3A_560 : i32 to vector<16xi32>
        %eq3A_562 = arith.cmpi eq, %iota3A, %eq3A_561 : vector<16xi32>
        %reduce_sum3A_563 = arith.constant true
        %reduce_sum3A_564 = vector.broadcast %reduce_sum3A_563 : i1 to vector<16xi1>
        %reduce_sum3A_565 = tpu.scan <sum>, %add3A_559 masked %reduce_sum3A_564 : vector<16xf32>, vector<16xi1> -> vector<16xf32>
        %reduce_sum3A_566 = vector.extract %reduce_sum3A_565[15] : f32 from vector<16xf32>
        %broadcast_in_dim3A_567 = vector.broadcast %reduce_sum3A_566 : f32 to vector<16xf32>
        %select_n3A_568 = arith.select %eq3A_562, %broadcast_in_dim3A_567, %select_n3A_531 : vector<16xi1>, vector<16xf32>
        %broadcast_in_dim3A_569 = arith.constant 0.000000e+00 : f32
        %broadcast_in_dim3A_570 = vector.broadcast %broadcast_in_dim3A_569 : f32 to vector<16xf32>
        %mul3A_571 = arith.constant 16 : i32
        %mul3A_572 = arith.muli %scan3A_199, %mul3A_571 : i32
        %add3A_573 = arith.constant 10 : i32
        %add3A_574 = arith.addi %mul3A_572, %add3A_573 : i32
        %get3A_575 = arith.index_cast %add3A_574 : i32 to index
        %get3A_576 = arith.constant 0 : index
        %get3A_577 = tpu.vector_load %arg13[%get3A_575, %get3A_576] {strides = array<i32>} : memref<128x64xbf16, #tpu.memory_space<vmem>>, vector<32xbf16>,
        %get3A_578 = arith.index_cast %add3A_574 : i32 to index
        %get3A_579 = arith.constant 0 : index
        %get3A_580 = tpu.vector_load %arg14[%get3A_578, %get3A_579] {strides = array<i32>} : memref<128x64xbf16, #tpu.memory_space<vmem>>, vector<32xbf16>,
        %mul3A_581 = arith.mulf %get3A_577, %get3A_580 : vector<32xbf16>
        %unpack3A_582 = tpu.unpack_subelements %mul3A_581, 0 {pack_format = #tpu.pack_format<interleaved>} : vector<32xbf16> -> vector<16xf32>
        %unpack3A_583 = tpu.unpack_subelements %mul3A_581, 1 {pack_format = #tpu.pack_format<interleaved>} : vector<32xbf16> -> vector<16xf32>
        %add3A_584 = arith.addf %broadcast_in_dim3A_570, %unpack3A_582 : vector<16xf32>
        %add3A_585 = arith.addf %add3A_584, %unpack3A_583 : vector<16xf32>
        %get3A_586 = arith.index_cast %add3A_574 : i32 to index
        %get3A_587 = arith.constant 32 : index
        %get3A_588 = tpu.vector_load %arg13[%get3A_586, %get3A_587] {strides = array<i32>} : memref<128x64xbf16, #tpu.memory_space<vmem>>, vector<32xbf16>,
        %get3A_589 = arith.index_cast %add3A_574 : i32 to index
        %get3A_590 = arith.constant 32 : index
        %get3A_591 = tpu.vector_load %arg14[%get3A_589, %get3A_590] {strides = array<i32>} : memref<128x64xbf16, #tpu.memory_space<vmem>>, vector<32xbf16>,
        %mul3A_592 = arith.mulf %get3A_588, %get3A_591 : vector<32xbf16>
        %unpack3A_593 = tpu.unpack_subelements %mul3A_592, 0 {pack_format = #tpu.pack_format<interleaved>} : vector<32xbf16> -> vector<16xf32>
        %unpack3A_594 = tpu.unpack_subelements %mul3A_592, 1 {pack_format = #tpu.pack_format<interleaved>} : vector<32xbf16> -> vector<16xf32>
        %add3A_595 = arith.addf %add3A_585, %unpack3A_593 : vector<16xf32>
        %add3A_596 = arith.addf %add3A_595, %unpack3A_594 : vector<16xf32>
        %eq3A_597 = arith.constant 10 : i32
        %eq3A_598 = vector.broadcast %eq3A_597 : i32 to vector<16xi32>
        %eq3A_599 = arith.cmpi eq, %iota3A, %eq3A_598 : vector<16xi32>
        %reduce_sum3A_600 = arith.constant true
        %reduce_sum3A_601 = vector.broadcast %reduce_sum3A_600 : i1 to vector<16xi1>
        %reduce_sum3A_602 = tpu.scan <sum>, %add3A_596 masked %reduce_sum3A_601 : vector<16xf32>, vector<16xi1> -> vector<16xf32>
        %reduce_sum3A_603 = vector.extract %reduce_sum3A_602[15] : f32 from vector<16xf32>
        %broadcast_in_dim3A_604 = vector.broadcast %reduce_sum3A_603 : f32 to vector<16xf32>
        %select_n3A_605 = arith.select %eq3A_599, %broadcast_in_dim3A_604, %select_n3A_568 : vector<16xi1>, vector<16xf32>
        %broadcast_in_dim3A_606 = arith.constant 0.000000e+00 : f32
        %broadcast_in_dim3A_607 = vector.broadcast %broadcast_in_dim3A_606 : f32 to vector<16xf32>
        %mul3A_608 = arith.constant 16 : i32
        %mul3A_609 = arith.muli %scan3A_199, %mul3A_608 : i32
        %add3A_610 = arith.constant 11 : i32
        %add3A_611 = arith.addi %mul3A_609, %add3A_610 : i32
        %get3A_612 = arith.index_cast %add3A_611 : i32 to index
        %get3A_613 = arith.constant 0 : index
        %get3A_614 = tpu.vector_load %arg13[%get3A_612, %get3A_613] {strides = array<i32>} : memref<128x64xbf16, #tpu.memory_space<vmem>>, vector<32xbf16>,
        %get3A_615 = arith.index_cast %add3A_611 : i32 to index
        %get3A_616 = arith.constant 0 : index
        %get3A_617 = tpu.vector_load %arg14[%get3A_615, %get3A_616] {strides = array<i32>} : memref<128x64xbf16, #tpu.memory_space<vmem>>, vector<32xbf16>,
        %mul3A_618 = arith.mulf %get3A_614, %get3A_617 : vector<32xbf16>
        %unpack3A_619 = tpu.unpack_subelements %mul3A_618, 0 {pack_format = #tpu.pack_format<interleaved>} : vector<32xbf16> -> vector<16xf32>
        %unpack3A_620 = tpu.unpack_subelements %mul3A_618, 1 {pack_format = #tpu.pack_format<interleaved>} : vector<32xbf16> -> vector<16xf32>
        %add3A_621 = arith.addf %broadcast_in_dim3A_607, %unpack3A_619 : vector<16xf32>
        %add3A_622 = arith.addf %add3A_621, %unpack3A_620 : vector<16xf32>
        %get3A_623 = arith.index_cast %add3A_611 : i32 to index
        %get3A_624 = arith.constant 32 : index
        %get3A_625 = tpu.vector_load %arg13[%get3A_623, %get3A_624] {strides = array<i32>} : memref<128x64xbf16, #tpu.memory_space<vmem>>, vector<32xbf16>,
        %get3A_626 = arith.index_cast %add3A_611 : i32 to index
        %get3A_627 = arith.constant 32 : index
        %get3A_628 = tpu.vector_load %arg14[%get3A_626, %get3A_627] {strides = array<i32>} : memref<128x64xbf16, #tpu.memory_space<vmem>>, vector<32xbf16>,
        %mul3A_629 = arith.mulf %get3A_625, %get3A_628 : vector<32xbf16>
        %unpack3A_630 = tpu.unpack_subelements %mul3A_629, 0 {pack_format = #tpu.pack_format<interleaved>} : vector<32xbf16> -> vector<16xf32>
        %unpack3A_631 = tpu.unpack_subelements %mul3A_629, 1 {pack_format = #tpu.pack_format<interleaved>} : vector<32xbf16> -> vector<16xf32>
        %add3A_632 = arith.addf %add3A_622, %unpack3A_630 : vector<16xf32>
        %add3A_633 = arith.addf %add3A_632, %unpack3A_631 : vector<16xf32>
        %eq3A_634 = arith.constant 11 : i32
        %eq3A_635 = vector.broadcast %eq3A_634 : i32 to vector<16xi32>
        %eq3A_636 = arith.cmpi eq, %iota3A, %eq3A_635 : vector<16xi32>
        %reduce_sum3A_637 = arith.constant true
        %reduce_sum3A_638 = vector.broadcast %reduce_sum3A_637 : i1 to vector<16xi1>
        %reduce_sum3A_639 = tpu.scan <sum>, %add3A_633 masked %reduce_sum3A_638 : vector<16xf32>, vector<16xi1> -> vector<16xf32>
        %reduce_sum3A_640 = vector.extract %reduce_sum3A_639[15] : f32 from vector<16xf32>
        %broadcast_in_dim3A_641 = vector.broadcast %reduce_sum3A_640 : f32 to vector<16xf32>
        %select_n3A_642 = arith.select %eq3A_636, %broadcast_in_dim3A_641, %select_n3A_605 : vector<16xi1>, vector<16xf32>
        %broadcast_in_dim3A_643 = arith.constant 0.000000e+00 : f32
        %broadcast_in_dim3A_644 = vector.broadcast %broadcast_in_dim3A_643 : f32 to vector<16xf32>
        %mul3A_645 = arith.constant 16 : i32
        %mul3A_646 = arith.muli %scan3A_199, %mul3A_645 : i32
        %add3A_647 = arith.constant 12 : i32
        %add3A_648 = arith.addi %mul3A_646, %add3A_647 : i32
        %get3A_649 = arith.index_cast %add3A_648 : i32 to index
        %get3A_650 = arith.constant 0 : index
        %get3A_651 = tpu.vector_load %arg13[%get3A_649, %get3A_650] {strides = array<i32>} : memref<128x64xbf16, #tpu.memory_space<vmem>>, vector<32xbf16>,
        %get3A_652 = arith.index_cast %add3A_648 : i32 to index
        %get3A_653 = arith.constant 0 : index
        %get3A_654 = tpu.vector_load %arg14[%get3A_652, %get3A_653] {strides = array<i32>} : memref<128x64xbf16, #tpu.memory_space<vmem>>, vector<32xbf16>,
        %mul3A_655 = arith.mulf %get3A_651, %get3A_654 : vector<32xbf16>
        %unpack3A_656 = tpu.unpack_subelements %mul3A_655, 0 {pack_format = #tpu.pack_format<interleaved>} : vector<32xbf16> -> vector<16xf32>
        %unpack3A_657 = tpu.unpack_subelements %mul3A_655, 1 {pack_format = #tpu.pack_format<interleaved>} : vector<32xbf16> -> vector<16xf32>
        %add3A_658 = arith.addf %broadcast_in_dim3A_644, %unpack3A_656 : vector<16xf32>
        %add3A_659 = arith.addf %add3A_658, %unpack3A_657 : vector<16xf32>
        %get3A_660 = arith.index_cast %add3A_648 : i32 to index
        %get3A_661 = arith.constant 32 : index
        %get3A_662 = tpu.vector_load %arg13[%get3A_660, %get3A_661] {strides = array<i32>} : memref<128x64xbf16, #tpu.memory_space<vmem>>, vector<32xbf16>,
        %get3A_663 = arith.index_cast %add3A_648 : i32 to index
        %get3A_664 = arith.constant 32 : index
        %get3A_665 = tpu.vector_load %arg14[%get3A_663, %get3A_664] {strides = array<i32>} : memref<128x64xbf16, #tpu.memory_space<vmem>>, vector<32xbf16>,
        %mul3A_666 = arith.mulf %get3A_662, %get3A_665 : vector<32xbf16>
        %unpack3A_667 = tpu.unpack_subelements %mul3A_666, 0 {pack_format = #tpu.pack_format<interleaved>} : vector<32xbf16> -> vector<16xf32>
        %unpack3A_668 = tpu.unpack_subelements %mul3A_666, 1 {pack_format = #tpu.pack_format<interleaved>} : vector<32xbf16> -> vector<16xf32>
        %add3A_669 = arith.addf %add3A_659, %unpack3A_667 : vector<16xf32>
        %add3A_670 = arith.addf %add3A_669, %unpack3A_668 : vector<16xf32>
        %eq3A_671 = arith.constant 12 : i32
        %eq3A_672 = vector.broadcast %eq3A_671 : i32 to vector<16xi32>
        %eq3A_673 = arith.cmpi eq, %iota3A, %eq3A_672 : vector<16xi32>
        %reduce_sum3A_674 = arith.constant true
        %reduce_sum3A_675 = vector.broadcast %reduce_sum3A_674 : i1 to vector<16xi1>
        %reduce_sum3A_676 = tpu.scan <sum>, %add3A_670 masked %reduce_sum3A_675 : vector<16xf32>, vector<16xi1> -> vector<16xf32>
        %reduce_sum3A_677 = vector.extract %reduce_sum3A_676[15] : f32 from vector<16xf32>
        %broadcast_in_dim3A_678 = vector.broadcast %reduce_sum3A_677 : f32 to vector<16xf32>
        %select_n3A_679 = arith.select %eq3A_673, %broadcast_in_dim3A_678, %select_n3A_642 : vector<16xi1>, vector<16xf32>
        %broadcast_in_dim3A_680 = arith.constant 0.000000e+00 : f32
        %broadcast_in_dim3A_681 = vector.broadcast %broadcast_in_dim3A_680 : f32 to vector<16xf32>
        %mul3A_682 = arith.constant 16 : i32
        %mul3A_683 = arith.muli %scan3A_199, %mul3A_682 : i32
        %add3A_684 = arith.constant 13 : i32
        %add3A_685 = arith.addi %mul3A_683, %add3A_684 : i32
        %get3A_686 = arith.index_cast %add3A_685 : i32 to index
        %get3A_687 = arith.constant 0 : index
        %get3A_688 = tpu.vector_load %arg13[%get3A_686, %get3A_687] {strides = array<i32>} : memref<128x64xbf16, #tpu.memory_space<vmem>>, vector<32xbf16>,
        %get3A_689 = arith.index_cast %add3A_685 : i32 to index
        %get3A_690 = arith.constant 0 : index
        %get3A_691 = tpu.vector_load %arg14[%get3A_689, %get3A_690] {strides = array<i32>} : memref<128x64xbf16, #tpu.memory_space<vmem>>, vector<32xbf16>,
        %mul3A_692 = arith.mulf %get3A_688, %get3A_691 : vector<32xbf16>
        %unpack3A_693 = tpu.unpack_subelements %mul3A_692, 0 {pack_format = #tpu.pack_format<interleaved>} : vector<32xbf16> -> vector<16xf32>
        %unpack3A_694 = tpu.unpack_subelements %mul3A_692, 1 {pack_format = #tpu.pack_format<interleaved>} : vector<32xbf16> -> vector<16xf32>
        %add3A_695 = arith.addf %broadcast_in_dim3A_681, %unpack3A_693 : vector<16xf32>
        %add3A_696 = arith.addf %add3A_695, %unpack3A_694 : vector<16xf32>
        %get3A_697 = arith.index_cast %add3A_685 : i32 to index
        %get3A_698 = arith.constant 32 : index
        %get3A_699 = tpu.vector_load %arg13[%get3A_697, %get3A_698] {strides = array<i32>} : memref<128x64xbf16, #tpu.memory_space<vmem>>, vector<32xbf16>,
        %get3A_700 = arith.index_cast %add3A_685 : i32 to index
        %get3A_701 = arith.constant 32 : index
        %get3A_702 = tpu.vector_load %arg14[%get3A_700, %get3A_701] {strides = array<i32>} : memref<128x64xbf16, #tpu.memory_space<vmem>>, vector<32xbf16>,
        %mul3A_703 = arith.mulf %get3A_699, %get3A_702 : vector<32xbf16>
        %unpack3A_704 = tpu.unpack_subelements %mul3A_703, 0 {pack_format = #tpu.pack_format<interleaved>} : vector<32xbf16> -> vector<16xf32>
        %unpack3A_705 = tpu.unpack_subelements %mul3A_703, 1 {pack_format = #tpu.pack_format<interleaved>} : vector<32xbf16> -> vector<16xf32>
        %add3A_706 = arith.addf %add3A_696, %unpack3A_704 : vector<16xf32>
        %add3A_707 = arith.addf %add3A_706, %unpack3A_705 : vector<16xf32>
        %eq3A_708 = arith.constant 13 : i32
        %eq3A_709 = vector.broadcast %eq3A_708 : i32 to vector<16xi32>
        %eq3A_710 = arith.cmpi eq, %iota3A, %eq3A_709 : vector<16xi32>
        %reduce_sum3A_711 = arith.constant true
        %reduce_sum3A_712 = vector.broadcast %reduce_sum3A_711 : i1 to vector<16xi1>
        %reduce_sum3A_713 = tpu.scan <sum>, %add3A_707 masked %reduce_sum3A_712 : vector<16xf32>, vector<16xi1> -> vector<16xf32>
        %reduce_sum3A_714 = vector.extract %reduce_sum3A_713[15] : f32 from vector<16xf32>
        %broadcast_in_dim3A_715 = vector.broadcast %reduce_sum3A_714 : f32 to vector<16xf32>
        %select_n3A_716 = arith.select %eq3A_710, %broadcast_in_dim3A_715, %select_n3A_679 : vector<16xi1>, vector<16xf32>
        %broadcast_in_dim3A_717 = arith.constant 0.000000e+00 : f32
        %broadcast_in_dim3A_718 = vector.broadcast %broadcast_in_dim3A_717 : f32 to vector<16xf32>
        %mul3A_719 = arith.constant 16 : i32
        %mul3A_720 = arith.muli %scan3A_199, %mul3A_719 : i32
        %add3A_721 = arith.constant 14 : i32
        %add3A_722 = arith.addi %mul3A_720, %add3A_721 : i32
        %get3A_723 = arith.index_cast %add3A_722 : i32 to index
        %get3A_724 = arith.constant 0 : index
        %get3A_725 = tpu.vector_load %arg13[%get3A_723, %get3A_724] {strides = array<i32>} : memref<128x64xbf16, #tpu.memory_space<vmem>>, vector<32xbf16>,
        %get3A_726 = arith.index_cast %add3A_722 : i32 to index
        %get3A_727 = arith.constant 0 : index
        %get3A_728 = tpu.vector_load %arg14[%get3A_726, %get3A_727] {strides = array<i32>} : memref<128x64xbf16, #tpu.memory_space<vmem>>, vector<32xbf16>,
        %mul3A_729 = arith.mulf %get3A_725, %get3A_728 : vector<32xbf16>
        %unpack3A_730 = tpu.unpack_subelements %mul3A_729, 0 {pack_format = #tpu.pack_format<interleaved>} : vector<32xbf16> -> vector<16xf32>
        %unpack3A_731 = tpu.unpack_subelements %mul3A_729, 1 {pack_format = #tpu.pack_format<interleaved>} : vector<32xbf16> -> vector<16xf32>
        %add3A_732 = arith.addf %broadcast_in_dim3A_718, %unpack3A_730 : vector<16xf32>
        %add3A_733 = arith.addf %add3A_732, %unpack3A_731 : vector<16xf32>
        %get3A_734 = arith.index_cast %add3A_722 : i32 to index
        %get3A_735 = arith.constant 32 : index
        %get3A_736 = tpu.vector_load %arg13[%get3A_734, %get3A_735] {strides = array<i32>} : memref<128x64xbf16, #tpu.memory_space<vmem>>, vector<32xbf16>,
        %get3A_737 = arith.index_cast %add3A_722 : i32 to index
        %get3A_738 = arith.constant 32 : index
        %get3A_739 = tpu.vector_load %arg14[%get3A_737, %get3A_738] {strides = array<i32>} : memref<128x64xbf16, #tpu.memory_space<vmem>>, vector<32xbf16>,
        %mul3A_740 = arith.mulf %get3A_736, %get3A_739 : vector<32xbf16>
        %unpack3A_741 = tpu.unpack_subelements %mul3A_740, 0 {pack_format = #tpu.pack_format<interleaved>} : vector<32xbf16> -> vector<16xf32>
        %unpack3A_742 = tpu.unpack_subelements %mul3A_740, 1 {pack_format = #tpu.pack_format<interleaved>} : vector<32xbf16> -> vector<16xf32>
        %add3A_743 = arith.addf %add3A_733, %unpack3A_741 : vector<16xf32>
        %add3A_744 = arith.addf %add3A_743, %unpack3A_742 : vector<16xf32>
        %eq3A_745 = arith.constant 14 : i32
        %eq3A_746 = vector.broadcast %eq3A_745 : i32 to vector<16xi32>
        %eq3A_747 = arith.cmpi eq, %iota3A, %eq3A_746 : vector<16xi32>
        %reduce_sum3A_748 = arith.constant true
        %reduce_sum3A_749 = vector.broadcast %reduce_sum3A_748 : i1 to vector<16xi1>
        %reduce_sum3A_750 = tpu.scan <sum>, %add3A_744 masked %reduce_sum3A_749 : vector<16xf32>, vector<16xi1> -> vector<16xf32>
        %reduce_sum3A_751 = vector.extract %reduce_sum3A_750[15] : f32 from vector<16xf32>
        %broadcast_in_dim3A_752 = vector.broadcast %reduce_sum3A_751 : f32 to vector<16xf32>
        %select_n3A_753 = arith.select %eq3A_747, %broadcast_in_dim3A_752, %select_n3A_716 : vector<16xi1>, vector<16xf32>
        %broadcast_in_dim3A_754 = arith.constant 0.000000e+00 : f32
        %broadcast_in_dim3A_755 = vector.broadcast %broadcast_in_dim3A_754 : f32 to vector<16xf32>
        %mul3A_756 = arith.constant 16 : i32
        %mul3A_757 = arith.muli %scan3A_199, %mul3A_756 : i32
        %add3A_758 = arith.constant 15 : i32
        %add3A_759 = arith.addi %mul3A_757, %add3A_758 : i32
        %get3A_760 = arith.index_cast %add3A_759 : i32 to index
        %get3A_761 = arith.constant 0 : index
        %get3A_762 = tpu.vector_load %arg13[%get3A_760, %get3A_761] {strides = array<i32>} : memref<128x64xbf16, #tpu.memory_space<vmem>>, vector<32xbf16>,
        %get3A_763 = arith.index_cast %add3A_759 : i32 to index
        %get3A_764 = arith.constant 0 : index
        %get3A_765 = tpu.vector_load %arg14[%get3A_763, %get3A_764] {strides = array<i32>} : memref<128x64xbf16, #tpu.memory_space<vmem>>, vector<32xbf16>,
        %mul3A_766 = arith.mulf %get3A_762, %get3A_765 : vector<32xbf16>
        %unpack3A_767 = tpu.unpack_subelements %mul3A_766, 0 {pack_format = #tpu.pack_format<interleaved>} : vector<32xbf16> -> vector<16xf32>
        %unpack3A_768 = tpu.unpack_subelements %mul3A_766, 1 {pack_format = #tpu.pack_format<interleaved>} : vector<32xbf16> -> vector<16xf32>
        %add3A_769 = arith.addf %broadcast_in_dim3A_755, %unpack3A_767 : vector<16xf32>
        %add3A_770 = arith.addf %add3A_769, %unpack3A_768 : vector<16xf32>
        %get3A_771 = arith.index_cast %add3A_759 : i32 to index
        %get3A_772 = arith.constant 32 : index
        %get3A_773 = tpu.vector_load %arg13[%get3A_771, %get3A_772] {strides = array<i32>} : memref<128x64xbf16, #tpu.memory_space<vmem>>, vector<32xbf16>,
        %get3A_774 = arith.index_cast %add3A_759 : i32 to index
        %get3A_775 = arith.constant 32 : index
        %get3A_776 = tpu.vector_load %arg14[%get3A_774, %get3A_775] {strides = array<i32>} : memref<128x64xbf16, #tpu.memory_space<vmem>>, vector<32xbf16>,
        %mul3A_777 = arith.mulf %get3A_773, %get3A_776 : vector<32xbf16>
        %unpack3A_778 = tpu.unpack_subelements %mul3A_777, 0 {pack_format = #tpu.pack_format<interleaved>} : vector<32xbf16> -> vector<16xf32>
        %unpack3A_779 = tpu.unpack_subelements %mul3A_777, 1 {pack_format = #tpu.pack_format<interleaved>} : vector<32xbf16> -> vector<16xf32>
        %add3A_780 = arith.addf %add3A_770, %unpack3A_778 : vector<16xf32>
        %add3A_781 = arith.addf %add3A_780, %unpack3A_779 : vector<16xf32>
        %eq3A_782 = arith.constant 15 : i32
        %eq3A_783 = vector.broadcast %eq3A_782 : i32 to vector<16xi32>
        %eq3A_784 = arith.cmpi eq, %iota3A, %eq3A_783 : vector<16xi32>
        %reduce_sum3A_785 = arith.constant true
        %reduce_sum3A_786 = vector.broadcast %reduce_sum3A_785 : i1 to vector<16xi1>
        %reduce_sum3A_787 = tpu.scan <sum>, %add3A_781 masked %reduce_sum3A_786 : vector<16xf32>, vector<16xi1> -> vector<16xf32>
        %reduce_sum3A_788 = vector.extract %reduce_sum3A_787[15] : f32 from vector<16xf32>
        %broadcast_in_dim3A_789 = vector.broadcast %reduce_sum3A_788 : f32 to vector<16xf32>
        %select_n3A_790 = arith.select %eq3A_784, %broadcast_in_dim3A_789, %select_n3A_753 : vector<16xi1>, vector<16xf32>
        %exp3A = math.exp %select_n3A_790 : vector<16xf32>
        %mul3A_791 = arith.constant 128 : i32
        %mul3A_792 = arith.muli %add3A_169, %mul3A_791 : i32
        %mul3A_793 = arith.constant 16 : i32
        %mul3A_794 = arith.muli %scan3A_199, %mul3A_793 : i32
        %add3A_795 = arith.addi %mul3A_792, %mul3A_794 : i32
        %swap3A = arith.index_cast %add3A_795 : i32 to index
        %swap3A_796 = tpu.vector_load %arg15[%swap3A] {strides = array<i32>} : memref<10240xf32, #tpu.memory_space<vmem>>, vector<16xf32>,
        tpu.vector_store %arg15[%swap3A], %exp3A {strides = array<i32>} : memref<10240xf32, #tpu.memory_space<vmem>>, vector<16xf32>,
        %mul3A_797 = arith.constant 16 : i32
        %mul3A_798 = arith.muli %scan3A_199, %mul3A_797 : i32
        %add3A_799 = arith.addi %min3A_181, %mul3A_798 : i32
        %get3A_800 = arith.index_cast %add3A_799 : i32 to index
        %get3A_801 = tpu.vector_load %arg9[%get3A_800] {strides = array<i32>} : memref<10240xi32, #tpu.memory_space<vmem>>, vector<16xi32>,
        tpu.vector_store_idx %arg16[%get3A_801], %exp3A masked %broadcast_in_dim3A_191 {add = true} : memref<10240xf32, #tpu.memory_space<vmem>>[vector<16xi32>], vector<16xf32>, vector<16xi1>
      }
      %scan3A_197 = arith.constant 8 : i32
      %scan3A_198 = arith.constant 0 : i32
      scf.yield %scan3A_198 : i32
    }
    %scan3A_58 = arith.constant 40 : i32
    "tpu.region"() ({
      %run_scoped3A = tpu.sem_alloc : memref<!tpu.dma_semaphore, #tpu.memory_space<semaphore_mem>>
      %dma_start3A_132 = arith.constant 0 : i32
      %dma_start3A_133 = tpu.memref_slice %arg21[%arg1, %dma_start3A_132] : memref<16x10240xf32, #tpu.memory_space<vmem_shared>> -> memref<1x10240xf32, #tpu.memory_space<vmem_shared>>
      %dma_start3A_134 = tpu.memref_squeeze %dma_start3A_133 : memref<1x10240xf32, #tpu.memory_space<vmem_shared>> -> memref<10240xf32, #tpu.memory_space<vmem_shared>>
      %dma_start3A_135 = arith.constant 0 : i32
      %dma_start3A_136 = tpu.memref_slice %arg21[%arg1, %dma_start3A_135] : memref<16x10240xf32, #tpu.memory_space<vmem_shared>> -> memref<1x10240xf32, #tpu.memory_space<vmem_shared>>
      %dma_start3A_137 = tpu.memref_squeeze %dma_start3A_136 : memref<1x10240xf32, #tpu.memory_space<vmem_shared>> -> memref<10240xf32, #tpu.memory_space<vmem_shared>>
      tpu.enqueue_dma source(%arg16 : memref<10240xf32, #tpu.memory_space<vmem>>) target(%dma_start3A_137 : memref<10240xf32, #tpu.memory_space<vmem_shared>>) target_semaphore(%run_scoped3A : memref<!tpu.dma_semaphore, #tpu.memory_space<semaphore_mem>>)
      %dma_wait3A_138 = arith.constant 0 : i32
      %dma_wait3A_139 = tpu.memref_slice %arg21[%arg1, %dma_wait3A_138] : memref<16x10240xf32, #tpu.memory_space<vmem_shared>> -> memref<1x10240xf32, #tpu.memory_space<vmem_shared>>
      %dma_wait3A_140 = tpu.memref_squeeze %dma_wait3A_139 : memref<1x10240xf32, #tpu.memory_space<vmem_shared>> -> memref<10240xf32, #tpu.memory_space<vmem_shared>>
      %dma_wait3A_141 = arith.constant 0 : i32
      %dma_wait3A_142 = tpu.memref_slice %arg21[%arg1, %dma_wait3A_141] : memref<16x10240xf32, #tpu.memory_space<vmem_shared>> -> memref<1x10240xf32, #tpu.memory_space<vmem_shared>>
      %dma_wait3A_143 = tpu.memref_squeeze %dma_wait3A_142 : memref<1x10240xf32, #tpu.memory_space<vmem_shared>> -> memref<10240xf32, #tpu.memory_space<vmem_shared>>
      tpu.wait_dma2 semaphore(%run_scoped3A : memref<!tpu.dma_semaphore, #tpu.memory_space<semaphore_mem>>) src(%arg16 : memref<10240xf32, #tpu.memory_space<vmem>>) dst(%dma_wait3A_143 : memref<10240xf32, #tpu.memory_space<vmem_shared>>)
      tpu.yield
    }) : () -> ()
    %barrier3A = arith.constant 0 : index
    tpu.barrier barrier_id(%barrier3A)
    %mul3A_59 = arith.constant 640 : i32
    %mul3A_60 = arith.muli %arg1, %mul3A_59 : i32
    "tpu.region"() ({
      %run_scoped3A = tpu.sem_alloc : memref<!tpu.dma_semaphore, #tpu.memory_space<semaphore_mem>>
      %dma_start3A_132 = arith.constant 0 : i32
      %dma_start3A_133 = tpu.memref_slice %arg21[%dma_start3A_132, %mul3A_60] : memref<16x10240xf32, #tpu.memory_space<vmem_shared>> -> memref<16x640xf32, #tpu.memory_space<vmem_shared>>
      %dma_start3A_134 = arith.constant 0 : i32
      %dma_start3A_135 = tpu.memref_slice %arg21[%dma_start3A_134, %mul3A_60] : memref<16x10240xf32, #tpu.memory_space<vmem_shared>> -> memref<16x640xf32, #tpu.memory_space<vmem_shared>>
      tpu.enqueue_dma source(%dma_start3A_135 : memref<16x640xf32, #tpu.memory_space<vmem_shared>>) target(%arg18 : memref<16x640xf32, #tpu.memory_space<vmem>>) target_semaphore(%run_scoped3A : memref<!tpu.dma_semaphore, #tpu.memory_space<semaphore_mem>>)
      %dma_wait3A_136 = arith.constant 0 : i32
      %dma_wait3A_137 = tpu.memref_slice %arg21[%dma_wait3A_136, %mul3A_60] : memref<16x10240xf32, #tpu.memory_space<vmem_shared>> -> memref<16x640xf32, #tpu.memory_space<vmem_shared>>
      %dma_wait3A_138 = arith.constant 0 : i32
      %dma_wait3A_139 = tpu.memref_slice %arg21[%dma_wait3A_138, %mul3A_60] : memref<16x10240xf32, #tpu.memory_space<vmem_shared>> -> memref<16x640xf32, #tpu.memory_space<vmem_shared>>
      tpu.wait_dma2 semaphore(%run_scoped3A : memref<!tpu.dma_semaphore, #tpu.memory_space<semaphore_mem>>) src(%dma_wait3A_139 : memref<16x640xf32, #tpu.memory_space<vmem_shared>>) dst(%arg18 : memref<16x640xf32, #tpu.memory_space<vmem>>)
      tpu.yield
    }) : () -> ()
    %scan3A_61 = arith.constant 0 : i32
    %scan3A_62 = arith.constant 0 : i32
    %scan3A_63 = arith.constant 40 : i32
    %scan3A_64 = arith.addi %scan3A_62, %scan3A_63 : i32
    %scan3A_65 = arith.constant 1 : i32
    %scan3A_66 = scf.for %scan3A_132 = %scan3A_62 to %scan3A_64 step %scan3A_65 iter_args(%scan3A_133 = %scan3A_61) -> (i32)  : i32 {
      %mul3A_134 = arith.constant 16 : i32
      %mul3A_135 = arith.muli %scan3A_132, %mul3A_134 : i32
      %get3A = arith.constant 0 : i32
      %get3A_136 = arith.index_cast %get3A : i32 to index
      %get3A_137 = arith.index_cast %mul3A_135 : i32 to index
      %get3A_138 = tpu.vector_load %arg18[%get3A_136, %get3A_137] {strides = array<i32>} : memref<16x640xf32, #tpu.memory_space<vmem>>, vector<16xf32>,
      %get3A_139 = arith.constant 1 : i32
      %get3A_140 = arith.index_cast %get3A_139 : i32 to index
      %get3A_141 = arith.index_cast %mul3A_135 : i32 to index
      %get3A_142 = tpu.vector_load %arg18[%get3A_140, %get3A_141] {strides = array<i32>} : memref<16x640xf32, #tpu.memory_space<vmem>>, vector<16xf32>,
      %add3A_143 = arith.addf %get3A_138, %get3A_142 : vector<16xf32>
      %get3A_144 = arith.constant 2 : i32
      %get3A_145 = arith.index_cast %get3A_144 : i32 to index
      %get3A_146 = arith.index_cast %mul3A_135 : i32 to index
      %get3A_147 = tpu.vector_load %arg18[%get3A_145, %get3A_146] {strides = array<i32>} : memref<16x640xf32, #tpu.memory_space<vmem>>, vector<16xf32>,
      %add3A_148 = arith.addf %add3A_143, %get3A_147 : vector<16xf32>
      %get3A_149 = arith.constant 3 : i32
      %get3A_150 = arith.index_cast %get3A_149 : i32 to index
      %get3A_151 = arith.index_cast %mul3A_135 : i32 to index
      %get3A_152 = tpu.vector_load %arg18[%get3A_150, %get3A_151] {strides = array<i32>} : memref<16x640xf32, #tpu.memory_space<vmem>>, vector<16xf32>,
      %add3A_153 = arith.addf %add3A_148, %get3A_152 : vector<16xf32>
      %get3A_154 = arith.constant 4 : i32
      %get3A_155 = arith.index_cast %get3A_154 : i32 to index
      %get3A_156 = arith.index_cast %mul3A_135 : i32 to index
      %get3A_157 = tpu.vector_load %arg18[%get3A_155, %get3A_156] {strides = array<i32>} : memref<16x640xf32, #tpu.memory_space<vmem>>, vector<16xf32>,
      %add3A_158 = arith.addf %add3A_153, %get3A_157 : vector<16xf32>
      %get3A_159 = arith.constant 5 : i32
      %get3A_160 = arith.index_cast %get3A_159 : i32 to index
      %get3A_161 = arith.index_cast %mul3A_135 : i32 to index
      %get3A_162 = tpu.vector_load %arg18[%get3A_160, %get3A_161] {strides = array<i32>} : memref<16x640xf32, #tpu.memory_space<vmem>>, vector<16xf32>,
      %add3A_163 = arith.addf %add3A_158, %get3A_162 : vector<16xf32>
      %get3A_164 = arith.constant 6 : i32
      %get3A_165 = arith.index_cast %get3A_164 : i32 to index
      %get3A_166 = arith.index_cast %mul3A_135 : i32 to index
      %get3A_167 = tpu.vector_load %arg18[%get3A_165, %get3A_166] {strides = array<i32>} : memref<16x640xf32, #tpu.memory_space<vmem>>, vector<16xf32>,
      %add3A_168 = arith.addf %add3A_163, %get3A_167 : vector<16xf32>
      %get3A_169 = arith.constant 7 : i32
      %get3A_170 = arith.index_cast %get3A_169 : i32 to index
      %get3A_171 = arith.index_cast %mul3A_135 : i32 to index
      %get3A_172 = tpu.vector_load %arg18[%get3A_170, %get3A_171] {strides = array<i32>} : memref<16x640xf32, #tpu.memory_space<vmem>>, vector<16xf32>,
      %add3A_173 = arith.addf %add3A_168, %get3A_172 : vector<16xf32>
      %get3A_174 = arith.constant 8 : i32
      %get3A_175 = arith.index_cast %get3A_174 : i32 to index
      %get3A_176 = arith.index_cast %mul3A_135 : i32 to index
      %get3A_177 = tpu.vector_load %arg18[%get3A_175, %get3A_176] {strides = array<i32>} : memref<16x640xf32, #tpu.memory_space<vmem>>, vector<16xf32>,
      %add3A_178 = arith.addf %add3A_173, %get3A_177 : vector<16xf32>
      %get3A_179 = arith.constant 9 : i32
      %get3A_180 = arith.index_cast %get3A_179 : i32 to index
      %get3A_181 = arith.index_cast %mul3A_135 : i32 to index
      %get3A_182 = tpu.vector_load %arg18[%get3A_180, %get3A_181] {strides = array<i32>} : memref<16x640xf32, #tpu.memory_space<vmem>>, vector<16xf32>,
      %add3A_183 = arith.addf %add3A_178, %get3A_182 : vector<16xf32>
      %get3A_184 = arith.constant 10 : i32
      %get3A_185 = arith.index_cast %get3A_184 : i32 to index
      %get3A_186 = arith.index_cast %mul3A_135 : i32 to index
      %get3A_187 = tpu.vector_load %arg18[%get3A_185, %get3A_186] {strides = array<i32>} : memref<16x640xf32, #tpu.memory_space<vmem>>, vector<16xf32>,
      %add3A_188 = arith.addf %add3A_183, %get3A_187 : vector<16xf32>
      %get3A_189 = arith.constant 11 : i32
      %get3A_190 = arith.index_cast %get3A_189 : i32 to index
      %get3A_191 = arith.index_cast %mul3A_135 : i32 to index
      %get3A_192 = tpu.vector_load %arg18[%get3A_190, %get3A_191] {strides = array<i32>} : memref<16x640xf32, #tpu.memory_space<vmem>>, vector<16xf32>,
      %add3A_193 = arith.addf %add3A_188, %get3A_192 : vector<16xf32>
      %get3A_194 = arith.constant 12 : i32
      %get3A_195 = arith.index_cast %get3A_194 : i32 to index
      %get3A_196 = arith.index_cast %mul3A_135 : i32 to index
      %get3A_197 = tpu.vector_load %arg18[%get3A_195, %get3A_196] {strides = array<i32>} : memref<16x640xf32, #tpu.memory_space<vmem>>, vector<16xf32>,
      %add3A_198 = arith.addf %add3A_193, %get3A_197 : vector<16xf32>
      %get3A_199 = arith.constant 13 : i32
      %get3A_200 = arith.index_cast %get3A_199 : i32 to index
      %get3A_201 = arith.index_cast %mul3A_135 : i32 to index
      %get3A_202 = tpu.vector_load %arg18[%get3A_200, %get3A_201] {strides = array<i32>} : memref<16x640xf32, #tpu.memory_space<vmem>>, vector<16xf32>,
      %add3A_203 = arith.addf %add3A_198, %get3A_202 : vector<16xf32>
      %get3A_204 = arith.constant 14 : i32
      %get3A_205 = arith.index_cast %get3A_204 : i32 to index
      %get3A_206 = arith.index_cast %mul3A_135 : i32 to index
      %get3A_207 = tpu.vector_load %arg18[%get3A_205, %get3A_206] {strides = array<i32>} : memref<16x640xf32, #tpu.memory_space<vmem>>, vector<16xf32>,
      %add3A_208 = arith.addf %add3A_203, %get3A_207 : vector<16xf32>
      %get3A_209 = arith.constant 15 : i32
      %get3A_210 = arith.index_cast %get3A_209 : i32 to index
      %get3A_211 = arith.index_cast %mul3A_135 : i32 to index
      %get3A_212 = tpu.vector_load %arg18[%get3A_210, %get3A_211] {strides = array<i32>} : memref<16x640xf32, #tpu.memory_space<vmem>>, vector<16xf32>,
      %add3A_213 = arith.addf %add3A_208, %get3A_212 : vector<16xf32>
      %swap3A = arith.index_cast %mul3A_135 : i32 to index
      %swap3A_214 = tpu.vector_load %arg19[%swap3A] {strides = array<i32>} : memref<640xf32, #tpu.memory_space<vmem>>, vector<16xf32>,
      tpu.vector_store %arg19[%swap3A], %add3A_213 {strides = array<i32>} : memref<640xf32, #tpu.memory_space<vmem>>, vector<16xf32>,
      %scan3A_215 = arith.constant 0 : i32
      scf.yield %scan3A_215 : i32
    }
    %scan3A_67 = arith.constant 40 : i32
    %eq3A_68 = arith.constant 0 : i32
    %eq3A_69 = arith.cmpi eq, %arg0, %eq3A_68 : i32
    %convert_element_type3A_70 = arith.extui %eq3A_69 : i1 to i32
    %cond3A_71 = arith.constant 0 : i32
    %cond3A_72 = arith.cmpi ne, %convert_element_type3A_70, %cond3A_71 : i32
    scf.if %cond3A_72 {
      "tpu.region"() ({
        %run_scoped3A = tpu.sem_alloc : memref<!tpu.dma_semaphore, #tpu.memory_space<semaphore_mem>>
        %dma_start3A_132 = tpu.memref_slice %arg6[%mul3A_60] : memref<10240xf32, #tpu.memory_space<hbm>> -> memref<640xf32, #tpu.memory_space<hbm>>
        %dma_start3A_133 = tpu.memref_slice %arg6[%mul3A_60] : memref<10240xf32, #tpu.memory_space<hbm>> -> memref<640xf32, #tpu.memory_space<hbm>>
        tpu.enqueue_dma source(%arg19 : memref<640xf32, #tpu.memory_space<vmem>>) target(%dma_start3A_133 : memref<640xf32, #tpu.memory_space<hbm>>) target_semaphore(%run_scoped3A : memref<!tpu.dma_semaphore, #tpu.memory_space<semaphore_mem>>)
        %dma_wait3A_134 = tpu.memref_slice %arg6[%mul3A_60] : memref<10240xf32, #tpu.memory_space<hbm>> -> memref<640xf32, #tpu.memory_space<hbm>>
        %dma_wait3A_135 = tpu.memref_slice %arg6[%mul3A_60] : memref<10240xf32, #tpu.memory_space<hbm>> -> memref<640xf32, #tpu.memory_space<hbm>>
        tpu.wait_dma2 semaphore(%run_scoped3A : memref<!tpu.dma_semaphore, #tpu.memory_space<semaphore_mem>>) src(%arg19 : memref<640xf32, #tpu.memory_space<vmem>>) dst(%dma_wait3A_135 : memref<640xf32, #tpu.memory_space<hbm>>)
        tpu.yield
      }) : () -> ()
    } else {
    }
    %eq3A_73 = arith.constant 1 : i32
    %eq3A_74 = arith.cmpi eq, %arg0, %eq3A_73 : i32
    %convert_element_type3A_75 = arith.extui %eq3A_74 : i1 to i32
    %cond3A_76 = arith.constant 0 : i32
    %cond3A_77 = arith.cmpi ne, %convert_element_type3A_75, %cond3A_76 : i32
    scf.if %cond3A_77 {
      "tpu.region"() ({
        %run_scoped3A = tpu.sem_alloc : memref<!tpu.dma_semaphore, #tpu.memory_space<semaphore_mem>>
        %dma_start3A_132 = tpu.memref_slice %arg7[%mul3A_60] : memref<10240xf32, #tpu.memory_space<hbm>> -> memref<640xf32, #tpu.memory_space<hbm>>
        %dma_start3A_133 = tpu.memref_slice %arg7[%mul3A_60] : memref<10240xf32, #tpu.memory_space<hbm>> -> memref<640xf32, #tpu.memory_space<hbm>>
        tpu.enqueue_dma source(%arg19 : memref<640xf32, #tpu.memory_space<vmem>>) target(%dma_start3A_133 : memref<640xf32, #tpu.memory_space<hbm>>) target_semaphore(%run_scoped3A : memref<!tpu.dma_semaphore, #tpu.memory_space<semaphore_mem>>)
        %dma_wait3A_134 = tpu.memref_slice %arg7[%mul3A_60] : memref<10240xf32, #tpu.memory_space<hbm>> -> memref<640xf32, #tpu.memory_space<hbm>>
        %dma_wait3A_135 = tpu.memref_slice %arg7[%mul3A_60] : memref<10240xf32, #tpu.memory_space<hbm>> -> memref<640xf32, #tpu.memory_space<hbm>>
        tpu.wait_dma2 semaphore(%run_scoped3A : memref<!tpu.dma_semaphore, #tpu.memory_space<semaphore_mem>>) src(%arg19 : memref<640xf32, #tpu.memory_space<vmem>>) dst(%dma_wait3A_135 : memref<640xf32, #tpu.memory_space<hbm>>)
        tpu.yield
      }) : () -> ()
    } else {
    }
    %barrier3A_78 = arith.constant 0 : index
    tpu.barrier barrier_id(%barrier3A_78)
    %eq3A_79 = arith.constant 0 : i32
    %eq3A_80 = arith.cmpi eq, %arg1, %eq3A_79 : i32
    %convert_element_type3A_81 = arith.extui %eq3A_80 : i1 to i32
    %cond3A_82 = arith.constant 0 : i32
    %cond3A_83 = arith.cmpi ne, %convert_element_type3A_81, %cond3A_82 : i32
    scf.if %cond3A_83 {
      %broadcast_in_dim3A_132 = arith.constant 1.000000e+00 : f32
      %broadcast_in_dim3A_133 = vector.broadcast %broadcast_in_dim3A_132 : f32 to vector<16xf32>
      %swap3A = arith.constant 0 : index
      %swap3A_134 = tpu.vector_load %arg20[%swap3A] {strides = array<i32>} : memref<16xf32, #tpu.memory_space<vmem>>, vector<16xf32>,
      tpu.vector_store %arg20[%swap3A], %broadcast_in_dim3A_133 {strides = array<i32>} : memref<16xf32, #tpu.memory_space<vmem>>, vector<16xf32>,
      "tpu.region"() ({
        %run_scoped3A = tpu.sem_alloc : memref<!tpu.dma_semaphore, #tpu.memory_space<semaphore_mem>>
        %dma_start3A_135 = arith.constant 0 : i32
        %dma_start3A_136 = tpu.memref_slice %arg8[%arg0, %dma_start3A_135] : memref<2x16xf32, #tpu.memory_space<hbm>> -> memref<1x16xf32, #tpu.memory_space<hbm>>
        %dma_start3A_137 = tpu.memref_squeeze %dma_start3A_136 : memref<1x16xf32, #tpu.memory_space<hbm>> -> memref<16xf32, #tpu.memory_space<hbm>>
        %dma_start3A_138 = arith.constant 0 : i32
        %dma_start3A_139 = tpu.memref_slice %arg8[%arg0, %dma_start3A_138] : memref<2x16xf32, #tpu.memory_space<hbm>> -> memref<1x16xf32, #tpu.memory_space<hbm>>
        %dma_start3A_140 = tpu.memref_squeeze %dma_start3A_139 : memref<1x16xf32, #tpu.memory_space<hbm>> -> memref<16xf32, #tpu.memory_space<hbm>>
        tpu.enqueue_dma source(%arg20 : memref<16xf32, #tpu.memory_space<vmem>>) target(%dma_start3A_140 : memref<16xf32, #tpu.memory_space<hbm>>) target_semaphore(%run_scoped3A : memref<!tpu.dma_semaphore, #tpu.memory_space<semaphore_mem>>)
        %dma_wait3A_141 = arith.constant 0 : i32
        %dma_wait3A_142 = tpu.memref_slice %arg8[%arg0, %dma_wait3A_141] : memref<2x16xf32, #tpu.memory_space<hbm>> -> memref<1x16xf32, #tpu.memory_space<hbm>>
        %dma_wait3A_143 = tpu.memref_squeeze %dma_wait3A_142 : memref<1x16xf32, #tpu.memory_space<hbm>> -> memref<16xf32, #tpu.memory_space<hbm>>
        %dma_wait3A_144 = arith.constant 0 : i32
        %dma_wait3A_145 = tpu.memref_slice %arg8[%arg0, %dma_wait3A_144] : memref<2x16xf32, #tpu.memory_space<hbm>> -> memref<1x16xf32, #tpu.memory_space<hbm>>
        %dma_wait3A_146 = tpu.memref_squeeze %dma_wait3A_145 : memref<1x16xf32, #tpu.memory_space<hbm>> -> memref<16xf32, #tpu.memory_space<hbm>>
        tpu.wait_dma2 semaphore(%run_scoped3A : memref<!tpu.dma_semaphore, #tpu.memory_space<semaphore_mem>>) src(%arg20 : memref<16xf32, #tpu.memory_space<vmem>>) dst(%dma_wait3A_146 : memref<16xf32, #tpu.memory_space<hbm>>)
        tpu.yield
      }) : () -> ()
    } else {
    }
    %while3A = arith.constant 0.000000e+00 : f32
    %while3A_84 = scf.while (%while3A_132 = %while3A) : (f32) -> f32 {
      %lt3A_133 = arith.constant 1.550000e+01 : f32
      %lt3A_134 = arith.cmpf olt, %while3A_132, %lt3A_133 : f32
      scf.condition(%lt3A_134) %while3A_132 : f32
    } do {
    ^bb0(%while3A_132: f32):
      %sub3A_133 = arith.constant 1 : i32
      %sub3A_134 = arith.subi %sub3A_133, %arg0 : i32
      "tpu.region"() ({
        %run_scoped3A = tpu.sem_alloc : memref<!tpu.dma_semaphore, #tpu.memory_space<semaphore_mem>>
        %dma_start3A_139 = arith.constant 0 : i32
        %dma_start3A_140 = tpu.memref_slice %arg8[%sub3A_134, %dma_start3A_139] : memref<2x16xf32, #tpu.memory_space<hbm>> -> memref<1x16xf32, #tpu.memory_space<hbm>>
        %dma_start3A_141 = tpu.memref_squeeze %dma_start3A_140 : memref<1x16xf32, #tpu.memory_space<hbm>> -> memref<16xf32, #tpu.memory_space<hbm>>
        %dma_start3A_142 = arith.constant 0 : i32
        %dma_start3A_143 = tpu.memref_slice %arg8[%sub3A_134, %dma_start3A_142] : memref<2x16xf32, #tpu.memory_space<hbm>> -> memref<1x16xf32, #tpu.memory_space<hbm>>
        %dma_start3A_144 = tpu.memref_squeeze %dma_start3A_143 : memref<1x16xf32, #tpu.memory_space<hbm>> -> memref<16xf32, #tpu.memory_space<hbm>>
        tpu.enqueue_dma source(%dma_start3A_144 : memref<16xf32, #tpu.memory_space<hbm>>) target(%arg20 : memref<16xf32, #tpu.memory_space<vmem>>) target_semaphore(%run_scoped3A : memref<!tpu.dma_semaphore, #tpu.memory_space<semaphore_mem>>)
        %dma_wait3A_145 = arith.constant 0 : i32
        %dma_wait3A_146 = tpu.memref_slice %arg8[%sub3A_134, %dma_wait3A_145] : memref<2x16xf32, #tpu.memory_space<hbm>> -> memref<1x16xf32, #tpu.memory_space<hbm>>
        %dma_wait3A_147 = tpu.memref_squeeze %dma_wait3A_146 : memref<1x16xf32, #tpu.memory_space<hbm>> -> memref<16xf32, #tpu.memory_space<hbm>>
        %dma_wait3A_148 = arith.constant 0 : i32
        %dma_wait3A_149 = tpu.memref_slice %arg8[%sub3A_134, %dma_wait3A_148] : memref<2x16xf32, #tpu.memory_space<hbm>> -> memref<1x16xf32, #tpu.memory_space<hbm>>
        %dma_wait3A_150 = tpu.memref_squeeze %dma_wait3A_149 : memref<1x16xf32, #tpu.memory_space<hbm>> -> memref<16xf32, #tpu.memory_space<hbm>>
        tpu.wait_dma2 semaphore(%run_scoped3A : memref<!tpu.dma_semaphore, #tpu.memory_space<semaphore_mem>>) src(%dma_wait3A_150 : memref<16xf32, #tpu.memory_space<hbm>>) dst(%arg20 : memref<16xf32, #tpu.memory_space<vmem>>)
        tpu.yield
      }) : () -> ()
      %get3A = arith.constant 0 : index
      %get3A_135 = tpu.vector_load %arg20[%get3A] {strides = array<i32>} : memref<16xf32, #tpu.memory_space<vmem>>, vector<16xf32>,
      %reduce_sum3A = arith.constant true
      %reduce_sum3A_136 = vector.broadcast %reduce_sum3A : i1 to vector<16xi1>
      %reduce_sum3A_137 = tpu.scan <sum>, %get3A_135 masked %reduce_sum3A_136 : vector<16xf32>, vector<16xi1> -> vector<16xf32>
      %reduce_sum3A_138 = vector.extract %reduce_sum3A_137[15] : f32 from vector<16xf32>
      scf.yield %reduce_sum3A_138 : f32
    }
    tpu.enqueue_dma source(%arg6 : memref<10240xf32, #tpu.memory_space<hbm>>) target(%arg16 : memref<10240xf32, #tpu.memory_space<vmem>>) target_semaphore(%arg22 : memref<!tpu.dma_semaphore, #tpu.memory_space<semaphore_mem>>)
    tpu.enqueue_dma source(%arg7 : memref<10240xf32, #tpu.memory_space<hbm>>) target(%arg17 : memref<10240xf32, #tpu.memory_space<vmem>>) target_semaphore(%arg23 : memref<!tpu.dma_semaphore, #tpu.memory_space<semaphore_mem>>)
    tpu.wait_dma2 semaphore(%arg22 : memref<!tpu.dma_semaphore, #tpu.memory_space<semaphore_mem>>) src(%arg6 : memref<10240xf32, #tpu.memory_space<hbm>>) dst(%arg16 : memref<10240xf32, #tpu.memory_space<vmem>>)
    tpu.wait_dma2 semaphore(%arg23 : memref<!tpu.dma_semaphore, #tpu.memory_space<semaphore_mem>>) src(%arg7 : memref<10240xf32, #tpu.memory_space<hbm>>) dst(%arg17 : memref<10240xf32, #tpu.memory_space<vmem>>)
    %broadcast_in_dim3A_85 = arith.constant 1.000000e+00 : f32
    %broadcast_in_dim3A_86 = vector.broadcast %broadcast_in_dim3A_85 : f32 to vector<16xf32>
    %scan3A_87 = arith.constant 0 : i32
    %scan3A_88 = arith.constant 0 : i32
    %scan3A_89 = arith.constant 160 : i32
    %scan3A_90 = arith.addi %scan3A_88, %scan3A_89 : i32
    %scan3A_91 = arith.constant 1 : i32
    %scan3A_92 = scf.for %scan3A_132 = %scan3A_88 to %scan3A_90 step %scan3A_91 iter_args(%scan3A_133 = %scan3A_87) -> (i32)  : i32 {
      %mul3A_134 = arith.constant 4 : i32
      %mul3A_135 = arith.muli %scan3A_132, %mul3A_134 : i32
      %add3A_136 = arith.constant 0 : i32
      %add3A_137 = arith.addi %mul3A_135, %add3A_136 : i32
      %mul3A_138 = arith.constant 16 : i32
      %mul3A_139 = arith.muli %add3A_137, %mul3A_138 : i32
      %get3A = arith.index_cast %mul3A_139 : i32 to index
      %get3A_140 = tpu.vector_load %arg16[%get3A] {strides = array<i32>} : memref<10240xf32, #tpu.memory_space<vmem>>, vector<16xf32>,
      %get3A_141 = arith.index_cast %mul3A_139 : i32 to index
      %get3A_142 = tpu.vector_load %arg17[%get3A_141] {strides = array<i32>} : memref<10240xf32, #tpu.memory_space<vmem>>, vector<16xf32>,
      %add3A_143 = arith.addf %get3A_140, %get3A_142 : vector<16xf32>
      %div3A_144 = arith.divf %broadcast_in_dim3A_86, %add3A_143 : vector<16xf32>
      %swap3A = arith.index_cast %mul3A_139 : i32 to index
      %swap3A_145 = tpu.vector_load %arg16[%swap3A] {strides = array<i32>} : memref<10240xf32, #tpu.memory_space<vmem>>, vector<16xf32>,
      tpu.vector_store %arg16[%swap3A], %div3A_144 {strides = array<i32>} : memref<10240xf32, #tpu.memory_space<vmem>>, vector<16xf32>,
      %mul3A_146 = arith.constant 4 : i32
      %mul3A_147 = arith.muli %scan3A_132, %mul3A_146 : i32
      %add3A_148 = arith.constant 1 : i32
      %add3A_149 = arith.addi %mul3A_147, %add3A_148 : i32
      %mul3A_150 = arith.constant 16 : i32
      %mul3A_151 = arith.muli %add3A_149, %mul3A_150 : i32
      %get3A_152 = arith.index_cast %mul3A_151 : i32 to index
      %get3A_153 = tpu.vector_load %arg16[%get3A_152] {strides = array<i32>} : memref<10240xf32, #tpu.memory_space<vmem>>, vector<16xf32>,
      %get3A_154 = arith.index_cast %mul3A_151 : i32 to index
      %get3A_155 = tpu.vector_load %arg17[%get3A_154] {strides = array<i32>} : memref<10240xf32, #tpu.memory_space<vmem>>, vector<16xf32>,
      %add3A_156 = arith.addf %get3A_153, %get3A_155 : vector<16xf32>
      %div3A_157 = arith.divf %broadcast_in_dim3A_86, %add3A_156 : vector<16xf32>
      %swap3A_158 = arith.index_cast %mul3A_151 : i32 to index
      %swap3A_159 = tpu.vector_load %arg16[%swap3A_158] {strides = array<i32>} : memref<10240xf32, #tpu.memory_space<vmem>>, vector<16xf32>,
      tpu.vector_store %arg16[%swap3A_158], %div3A_157 {strides = array<i32>} : memref<10240xf32, #tpu.memory_space<vmem>>, vector<16xf32>,
      %mul3A_160 = arith.constant 4 : i32
      %mul3A_161 = arith.muli %scan3A_132, %mul3A_160 : i32
      %add3A_162 = arith.constant 2 : i32
      %add3A_163 = arith.addi %mul3A_161, %add3A_162 : i32
      %mul3A_164 = arith.constant 16 : i32
      %mul3A_165 = arith.muli %add3A_163, %mul3A_164 : i32
      %get3A_166 = arith.index_cast %mul3A_165 : i32 to index
      %get3A_167 = tpu.vector_load %arg16[%get3A_166] {strides = array<i32>} : memref<10240xf32, #tpu.memory_space<vmem>>, vector<16xf32>,
      %get3A_168 = arith.index_cast %mul3A_165 : i32 to index
      %get3A_169 = tpu.vector_load %arg17[%get3A_168] {strides = array<i32>} : memref<10240xf32, #tpu.memory_space<vmem>>, vector<16xf32>,
      %add3A_170 = arith.addf %get3A_167, %get3A_169 : vector<16xf32>
      %div3A_171 = arith.divf %broadcast_in_dim3A_86, %add3A_170 : vector<16xf32>
      %swap3A_172 = arith.index_cast %mul3A_165 : i32 to index
      %swap3A_173 = tpu.vector_load %arg16[%swap3A_172] {strides = array<i32>} : memref<10240xf32, #tpu.memory_space<vmem>>, vector<16xf32>,
      tpu.vector_store %arg16[%swap3A_172], %div3A_171 {strides = array<i32>} : memref<10240xf32, #tpu.memory_space<vmem>>, vector<16xf32>,
      %mul3A_174 = arith.constant 4 : i32
      %mul3A_175 = arith.muli %scan3A_132, %mul3A_174 : i32
      %add3A_176 = arith.constant 3 : i32
      %add3A_177 = arith.addi %mul3A_175, %add3A_176 : i32
      %mul3A_178 = arith.constant 16 : i32
      %mul3A_179 = arith.muli %add3A_177, %mul3A_178 : i32
      %get3A_180 = arith.index_cast %mul3A_179 : i32 to index
      %get3A_181 = tpu.vector_load %arg16[%get3A_180] {strides = array<i32>} : memref<10240xf32, #tpu.memory_space<vmem>>, vector<16xf32>,
      %get3A_182 = arith.index_cast %mul3A_179 : i32 to index
      %get3A_183 = tpu.vector_load %arg17[%get3A_182] {strides = array<i32>} : memref<10240xf32, #tpu.memory_space<vmem>>, vector<16xf32>,
      %add3A_184 = arith.addf %get3A_181, %get3A_183 : vector<16xf32>
      %div3A_185 = arith.divf %broadcast_in_dim3A_86, %add3A_184 : vector<16xf32>
      %swap3A_186 = arith.index_cast %mul3A_179 : i32 to index
      %swap3A_187 = tpu.vector_load %arg16[%swap3A_186] {strides = array<i32>} : memref<10240xf32, #tpu.memory_space<vmem>>, vector<16xf32>,
      tpu.vector_store %arg16[%swap3A_186], %div3A_185 {strides = array<i32>} : memref<10240xf32, #tpu.memory_space<vmem>>, vector<16xf32>,
      %scan3A_188 = arith.constant 0 : i32
      scf.yield %scan3A_188 : i32
    }
    %scan3A_93 = arith.constant 160 : i32
    %mul3A_94 = arith.constant 8 : i32
    %mul3A_95 = arith.muli %add3A_8, %mul3A_94 : i32
    %jit3A_96 = arith.constant 2 : i32
    %div3A = arith.divsi %mul3A_95, %jit3A_96 : i32
    %sign3A = arith.constant 0 : i32
    %sign3A_97 = arith.cmpi sgt, %mul3A_95, %sign3A : i32
    %sign3A_98 = arith.extui %sign3A_97 : i1 to i32
    %sign3A_99 = arith.constant 0 : i32
    %sign3A_100 = arith.cmpi slt, %mul3A_95, %sign3A_99 : i32
    %sign3A_101 = arith.extui %sign3A_100 : i1 to i32
    %sign3A_102 = arith.subi %sign3A_98, %sign3A_101 : i32
    %sign3A_103 = arith.constant 0 : i32
    %sign3A_104 = arith.cmpi sgt, %jit3A_96, %sign3A_103 : i32
    %sign3A_105 = arith.extui %sign3A_104 : i1 to i32
    %sign3A_106 = arith.constant 0 : i32
    %sign3A_107 = arith.cmpi slt, %jit3A_96, %sign3A_106 : i32
    %sign3A_108 = arith.extui %sign3A_107 : i1 to i32
    %sign3A_109 = arith.subi %sign3A_105, %sign3A_108 : i32
    %ne3A = arith.cmpi ne, %sign3A_102, %sign3A_109 : i32
    %rem3A = arith.remsi %mul3A_95, %jit3A_96 : i32
    %ne3A_110 = arith.constant 0 : i32
    %ne3A_111 = arith.cmpi ne, %rem3A, %ne3A_110 : i32
    %and3A = arith.andi %ne3A, %ne3A_111 : i1
    %sub3A_112 = arith.constant 1 : i32
    %sub3A_113 = arith.subi %div3A, %sub3A_112 : i32
    %select_n3A_114 = arith.select %and3A, %sub3A_113, %div3A : i32
    %while3A_115 = arith.constant 0 : i32
    %while3A_116 = arith.constant 0 : i32
    %while3A_117 = arith.subi %select_n3A_114, %while3A_115 : i32
    %while3A_118 = arith.addi %while3A_115, %while3A_117 : i32
    %while3A_119 = arith.constant 1 : i32
    %while3A_120 = arith.divsi %while3A_117, %while3A_119 : i32
    %while3A_121 = arith.muli %while3A_120, %while3A_119 : i32
    %while3A_122 = arith.addi %while3A_115, %while3A_121 : i32
    %while3A_123 = arith.constant 1 : i32
    %while3A_124 = scf.for %while3A_132 = %while3A_115 to %while3A_122 step %while3A_123 iter_args(%while3A_133 = %while3A_116) -> (i32)  : i32 {
      %mul3A_134 = arith.constant 2 : i32
      %mul3A_135 = arith.muli %while3A_132, %mul3A_134 : i32
      %add3A_136 = arith.constant 0 : i32
      %add3A_137 = arith.addi %mul3A_135, %add3A_136 : i32
      %mul3A_138 = arith.constant 16 : i32
      %mul3A_139 = arith.muli %add3A_137, %mul3A_138 : i32
      %mul3A_140 = arith.constant 16 : i32
      %mul3A_141 = arith.muli %add3A_137, %mul3A_140 : i32
      %add3A_142 = arith.addi %sub3A, %mul3A_141 : i32
      %get3A = arith.index_cast %add3A_142 : i32 to index
      %get3A_143 = tpu.vector_load %arg9[%get3A] {strides = array<i32>} : memref<10240xi32, #tpu.memory_space<vmem>>, vector<16xi32>,
      %gather3A = tpu.vector_load_idx %arg16[%get3A_143] : memref<10240xf32, #tpu.memory_space<vmem>>[vector<16xi32>], vector<16xf32>,
      %get3A_144 = arith.index_cast %mul3A_139 : i32 to index
      %get3A_145 = tpu.vector_load %arg15[%get3A_144] {strides = array<i32>} : memref<10240xf32, #tpu.memory_space<vmem>>, vector<16xf32>,
      %mul3A_146 = arith.mulf %get3A_145, %gather3A : vector<16xf32>
      %swap3A = arith.index_cast %mul3A_139 : i32 to index
      %swap3A_147 = tpu.vector_load %arg17[%swap3A] {strides = array<i32>} : memref<10240xf32, #tpu.memory_space<vmem>>, vector<16xf32>,
      tpu.vector_store %arg17[%swap3A], %mul3A_146 {strides = array<i32>} : memref<10240xf32, #tpu.memory_space<vmem>>, vector<16xf32>,
      %mul3A_148 = arith.constant 2 : i32
      %mul3A_149 = arith.muli %while3A_132, %mul3A_148 : i32
      %add3A_150 = arith.constant 1 : i32
      %add3A_151 = arith.addi %mul3A_149, %add3A_150 : i32
      %mul3A_152 = arith.constant 16 : i32
      %mul3A_153 = arith.muli %add3A_151, %mul3A_152 : i32
      %mul3A_154 = arith.constant 16 : i32
      %mul3A_155 = arith.muli %add3A_151, %mul3A_154 : i32
      %add3A_156 = arith.addi %sub3A, %mul3A_155 : i32
      %get3A_157 = arith.index_cast %add3A_156 : i32 to index
      %get3A_158 = tpu.vector_load %arg9[%get3A_157] {strides = array<i32>} : memref<10240xi32, #tpu.memory_space<vmem>>, vector<16xi32>,
      %gather3A_159 = tpu.vector_load_idx %arg16[%get3A_158] : memref<10240xf32, #tpu.memory_space<vmem>>[vector<16xi32>], vector<16xf32>,
      %get3A_160 = arith.index_cast %mul3A_153 : i32 to index
      %get3A_161 = tpu.vector_load %arg15[%get3A_160] {strides = array<i32>} : memref<10240xf32, #tpu.memory_space<vmem>>, vector<16xf32>,
      %mul3A_162 = arith.mulf %get3A_161, %gather3A_159 : vector<16xf32>
      %swap3A_163 = arith.index_cast %mul3A_153 : i32 to index
      %swap3A_164 = tpu.vector_load %arg17[%swap3A_163] {strides = array<i32>} : memref<10240xf32, #tpu.memory_space<vmem>>, vector<16xf32>,
      tpu.vector_store %arg17[%swap3A_163], %mul3A_162 {strides = array<i32>} : memref<10240xf32, #tpu.memory_space<vmem>>, vector<16xf32>,
      %while3A_165 = arith.constant 0 : i32
      scf.yield %while3A_165 : i32
    }
    %while3A_125 = arith.constant 1 : i32
    %while3A_126 = scf.for %while3A_132 = %while3A_122 to %while3A_118 step %while3A_125 iter_args(%while3A_133 = %while3A_124) -> (i32)  : i32 {
      %mul3A_134 = arith.constant 2 : i32
      %mul3A_135 = arith.muli %while3A_132, %mul3A_134 : i32
      %add3A_136 = arith.constant 0 : i32
      %add3A_137 = arith.addi %mul3A_135, %add3A_136 : i32
      %mul3A_138 = arith.constant 16 : i32
      %mul3A_139 = arith.muli %add3A_137, %mul3A_138 : i32
      %mul3A_140 = arith.constant 16 : i32
      %mul3A_141 = arith.muli %add3A_137, %mul3A_140 : i32
      %add3A_142 = arith.addi %sub3A, %mul3A_141 : i32
      %get3A = arith.index_cast %add3A_142 : i32 to index
      %get3A_143 = tpu.vector_load %arg9[%get3A] {strides = array<i32>} : memref<10240xi32, #tpu.memory_space<vmem>>, vector<16xi32>,
      %gather3A = tpu.vector_load_idx %arg16[%get3A_143] : memref<10240xf32, #tpu.memory_space<vmem>>[vector<16xi32>], vector<16xf32>,
      %get3A_144 = arith.index_cast %mul3A_139 : i32 to index
      %get3A_145 = tpu.vector_load %arg15[%get3A_144] {strides = array<i32>} : memref<10240xf32, #tpu.memory_space<vmem>>, vector<16xf32>,
      %mul3A_146 = arith.mulf %get3A_145, %gather3A : vector<16xf32>
      %swap3A = arith.index_cast %mul3A_139 : i32 to index
      %swap3A_147 = tpu.vector_load %arg17[%swap3A] {strides = array<i32>} : memref<10240xf32, #tpu.memory_space<vmem>>, vector<16xf32>,
      tpu.vector_store %arg17[%swap3A], %mul3A_146 {strides = array<i32>} : memref<10240xf32, #tpu.memory_space<vmem>>, vector<16xf32>,
      %mul3A_148 = arith.constant 2 : i32
      %mul3A_149 = arith.muli %while3A_132, %mul3A_148 : i32
      %add3A_150 = arith.constant 1 : i32
      %add3A_151 = arith.addi %mul3A_149, %add3A_150 : i32
      %mul3A_152 = arith.constant 16 : i32
      %mul3A_153 = arith.muli %add3A_151, %mul3A_152 : i32
      %mul3A_154 = arith.constant 16 : i32
      %mul3A_155 = arith.muli %add3A_151, %mul3A_154 : i32
      %add3A_156 = arith.addi %sub3A, %mul3A_155 : i32
      %get3A_157 = arith.index_cast %add3A_156 : i32 to index
      %get3A_158 = tpu.vector_load %arg9[%get3A_157] {strides = array<i32>} : memref<10240xi32, #tpu.memory_space<vmem>>, vector<16xi32>,
      %gather3A_159 = tpu.vector_load_idx %arg16[%get3A_158] : memref<10240xf32, #tpu.memory_space<vmem>>[vector<16xi32>], vector<16xf32>,
      %get3A_160 = arith.index_cast %mul3A_153 : i32 to index
      %get3A_161 = tpu.vector_load %arg15[%get3A_160] {strides = array<i32>} : memref<10240xf32, #tpu.memory_space<vmem>>, vector<16xf32>,
      %mul3A_162 = arith.mulf %get3A_161, %gather3A_159 : vector<16xf32>
      %swap3A_163 = arith.index_cast %mul3A_153 : i32 to index
      %swap3A_164 = tpu.vector_load %arg17[%swap3A_163] {strides = array<i32>} : memref<10240xf32, #tpu.memory_space<vmem>>, vector<16xf32>,
      tpu.vector_store %arg17[%swap3A_163], %mul3A_162 {strides = array<i32>} : memref<10240xf32, #tpu.memory_space<vmem>>, vector<16xf32>,
      %while3A_165 = arith.constant 0 : i32
      scf.yield %while3A_165 : i32
    }
    "tpu.region"() ({
      %run_scoped3A = tpu.sem_alloc : memref<!tpu.dma_semaphore, #tpu.memory_space<semaphore_mem>>
      %dma_start3A_132 = arith.constant 0 : i32
      %dma_start3A_133 = tpu.memref_slice %arg17[%dma_start3A_132] : memref<10240xf32, #tpu.memory_space<vmem>> -> memref<9984xf32, #tpu.memory_space<vmem>>
      %dma_start3A_134 = tpu.memref_slice %arg5[%mul3A_10] : memref<320000xf32, #tpu.memory_space<hbm>> -> memref<9984xf32, #tpu.memory_space<hbm>>
      %dma_start3A_135 = tpu.memref_slice %arg5[%mul3A_10] : memref<320000xf32, #tpu.memory_space<hbm>> -> memref<9984xf32, #tpu.memory_space<hbm>>
      %dma_start3A_136 = arith.constant 0 : i32
      %dma_start3A_137 = tpu.memref_slice %arg17[%dma_start3A_136] : memref<10240xf32, #tpu.memory_space<vmem>> -> memref<9984xf32, #tpu.memory_space<vmem>>
      tpu.enqueue_dma source(%dma_start3A_137 : memref<9984xf32, #tpu.memory_space<vmem>>) target(%dma_start3A_135 : memref<9984xf32, #tpu.memory_space<hbm>>) target_semaphore(%run_scoped3A : memref<!tpu.dma_semaphore, #tpu.memory_space<semaphore_mem>>)
      %dma_wait3A_138 = arith.constant 0 : i32
      %dma_wait3A_139 = tpu.memref_slice %arg17[%dma_wait3A_138] : memref<10240xf32, #tpu.memory_space<vmem>> -> memref<9984xf32, #tpu.memory_space<vmem>>
      %dma_wait3A_140 = tpu.memref_slice %arg5[%mul3A_10] : memref<320000xf32, #tpu.memory_space<hbm>> -> memref<9984xf32, #tpu.memory_space<hbm>>
      %dma_wait3A_141 = tpu.memref_slice %arg5[%mul3A_10] : memref<320000xf32, #tpu.memory_space<hbm>> -> memref<9984xf32, #tpu.memory_space<hbm>>
      %dma_wait3A_142 = arith.constant 0 : i32
      %dma_wait3A_143 = tpu.memref_slice %arg17[%dma_wait3A_142] : memref<10240xf32, #tpu.memory_space<vmem>> -> memref<9984xf32, #tpu.memory_space<vmem>>
      tpu.wait_dma2 semaphore(%run_scoped3A : memref<!tpu.dma_semaphore, #tpu.memory_space<semaphore_mem>>) src(%dma_wait3A_143 : memref<9984xf32, #tpu.memory_space<vmem>>) dst(%dma_wait3A_141 : memref<9984xf32, #tpu.memory_space<hbm>>)
      tpu.yield
    }) : () -> ()
    %eq3A_127 = arith.constant 79 : i32
    %eq3A_128 = arith.cmpi eq, %add3A_8, %eq3A_127 : i32
    %convert_element_type3A_129 = arith.extui %eq3A_128 : i1 to i32
    %cond3A_130 = arith.constant 0 : i32
    %cond3A_131 = arith.cmpi ne, %convert_element_type3A_129, %cond3A_130 : i32
    scf.if %cond3A_131 {
      %add3A_132 = arith.constant 9984 : i32
      %add3A_133 = arith.addi %mul3A_10, %add3A_132 : i32
      "tpu.region"() ({
        %run_scoped3A = tpu.sem_alloc : memref<!tpu.dma_semaphore, #tpu.memory_space<semaphore_mem>>
        %dma_start3A_134 = arith.constant 9984 : i32
        %dma_start3A_135 = tpu.memref_slice %arg17[%dma_start3A_134] : memref<10240xf32, #tpu.memory_space<vmem>> -> memref<128xf32, #tpu.memory_space<vmem>>
        %dma_start3A_136 = tpu.memref_slice %arg5[%add3A_133] : memref<320000xf32, #tpu.memory_space<hbm>> -> memref<128xf32, #tpu.memory_space<hbm>>
        %dma_start3A_137 = tpu.memref_slice %arg5[%add3A_133] : memref<320000xf32, #tpu.memory_space<hbm>> -> memref<128xf32, #tpu.memory_space<hbm>>
        %dma_start3A_138 = arith.constant 9984 : i32
        %dma_start3A_139 = tpu.memref_slice %arg17[%dma_start3A_138] : memref<10240xf32, #tpu.memory_space<vmem>> -> memref<128xf32, #tpu.memory_space<vmem>>
        tpu.enqueue_dma source(%dma_start3A_139 : memref<128xf32, #tpu.memory_space<vmem>>) target(%dma_start3A_137 : memref<128xf32, #tpu.memory_space<hbm>>) target_semaphore(%run_scoped3A : memref<!tpu.dma_semaphore, #tpu.memory_space<semaphore_mem>>)
        %dma_wait3A_140 = arith.constant 9984 : i32
        %dma_wait3A_141 = tpu.memref_slice %arg17[%dma_wait3A_140] : memref<10240xf32, #tpu.memory_space<vmem>> -> memref<128xf32, #tpu.memory_space<vmem>>
        %dma_wait3A_142 = tpu.memref_slice %arg5[%add3A_133] : memref<320000xf32, #tpu.memory_space<hbm>> -> memref<128xf32, #tpu.memory_space<hbm>>
        %dma_wait3A_143 = tpu.memref_slice %arg5[%add3A_133] : memref<320000xf32, #tpu.memory_space<hbm>> -> memref<128xf32, #tpu.memory_space<hbm>>
        %dma_wait3A_144 = arith.constant 9984 : i32
        %dma_wait3A_145 = tpu.memref_slice %arg17[%dma_wait3A_144] : memref<10240xf32, #tpu.memory_space<vmem>> -> memref<128xf32, #tpu.memory_space<vmem>>
        tpu.wait_dma2 semaphore(%run_scoped3A : memref<!tpu.dma_semaphore, #tpu.memory_space<semaphore_mem>>) src(%dma_wait3A_145 : memref<128xf32, #tpu.memory_space<vmem>>) dst(%dma_wait3A_143 : memref<128xf32, #tpu.memory_space<hbm>>)
        tpu.yield
      }) : () -> ()
    } else {
    }
    return
  }
}

module attributes {stable_mosaic.version = 14 : i64} {
  func.func @_proj_body(%arg0: memref<10000x128xf32, #tpu.memory_space<vmem>>, %arg1: memref<128x128xf32, #tpu.memory_space<vmem>>, %arg2: memref<10000x64xbf16, #tpu.memory_space<vmem>>, %arg3: memref<10000x64xbf16, #tpu.memory_space<vmem>>) attributes {dimension_semantics = [], scalar_prefetch = 0 : i64, scratch_operands = 0 : i64, tpu.core_type = #tpu.core_type<tc>} {
    %get3A = arith.constant 0 : index
    %get3A_0 = arith.constant 0 : index
    %get3A_1 = vector.load %arg0[%get3A, %get3A_0] : memref<10000x128xf32, #tpu.memory_space<vmem>>, vector<10000x128xf32>
    %get3A_2 = arith.constant 0 : index
    %get3A_3 = arith.constant 0 : index
    %get3A_4 = vector.load %arg1[%get3A_2, %get3A_3] : memref<128x128xf32, #tpu.memory_space<vmem>>, vector<128x128xf32>
    %dot_general3A = arith.constant dense<0.000000e+00> : vector<10000x128xf32>
    %dot_general3A_5 = tpu.matmul %get3A_1, %get3A_4, %dot_general3A {dimension_numbers = #tpu.dot_dimension_numbers<[1], [0], [0], [1], [0, 0, 1, 1], [], []>, transpose_lhs_hint = false} : vector<10000x128xf32>, vector<128x128xf32>, vector<10000x128xf32> -> vector<10000x128xf32>
    %slice3A = vector.extract_strided_slice %dot_general3A_5 {offsets = [0, 0], sizes = [10000, 64], strides = [1, 1]} : vector<10000x128xf32> to vector<10000x64xf32>
    %mul3A = arith.constant 1.250000e-01 : f32
    %mul3A_6 = vector.broadcast %mul3A : f32 to vector<10000x64xf32>
    %mul3A_7 = arith.mulf %slice3A, %mul3A_6 : vector<10000x64xf32>
    %convert_element_type3A = arith.truncf %mul3A_7 : vector<10000x64xf32> to vector<10000x64xbf16>
    %swap3A = arith.constant 0 : index
    %swap3A_8 = arith.constant 0 : index
    %swap3A_9 = vector.load %arg2[%swap3A, %swap3A_8] : memref<10000x64xbf16, #tpu.memory_space<vmem>>, vector<10000x64xbf16>
    tpu.vector_store %arg2[%swap3A, %swap3A_8], %convert_element_type3A {strides = array<i32>} : memref<10000x64xbf16, #tpu.memory_space<vmem>>, vector<10000x64xbf16>,
    %slice3A_10 = vector.extract_strided_slice %dot_general3A_5 {offsets = [0, 64], sizes = [10000, 64], strides = [1, 1]} : vector<10000x128xf32> to vector<10000x64xf32>
    %convert_element_type3A_11 = arith.truncf %slice3A_10 : vector<10000x64xf32> to vector<10000x64xbf16>
    %swap3A_12 = arith.constant 0 : index
    %swap3A_13 = arith.constant 0 : index
    %swap3A_14 = vector.load %arg3[%swap3A_12, %swap3A_13] : memref<10000x64xbf16, #tpu.memory_space<vmem>>, vector<10000x64xbf16>
    tpu.vector_store %arg3[%swap3A_12, %swap3A_13], %convert_element_type3A_11 {strides = array<i32>} : memref<10000x64xbf16, #tpu.memory_space<vmem>>, vector<10000x64xbf16>,
    return
  }
}

</mosaic_0001>

<sc_bundles>
// kernel: kernel.4.cloned.1.call-start
scs
__scs_entry_jumppad:
0x0: {  	(pc) =	sbr.rel $0x88, $3  }
0x1: {  	(tag) =	ssettag $0x0;
	lr =	simm.s32 $0x1  }
0x2: {  	[smem:$0x3F9E] =	sst lr;
	_ =	strace $0xD0000000  }
0x3: {  	_ = 	snop  }
0x4: {  	_ = 	snop  }
0x5: {  	_ = 	snop  }
0x6: {  	_ = 	snop  }
0x7: {  	_ = 	snop  }
__scs_overlays_trampoline_lowered:
0x8: {  	[smem:$0x3FAD] =	sst s0  }
0x9: {  	[smem:$0x3FAE] =	sst s1  }
0xa: {  	[smem:$0x3FAF] =	sst s2  }
0xb: {  	[smem:$0x3FB0] =	sst s3  }
0xc: {  	[smem:$0x3FB1] =	sst s4  }
0xd: {  	[smem:$0x3FB2] =	sst s5  }
0xe: {  	[smem:$0x3FB3] =	sst s6  }
0xf: {  	[smem:$0x3FB4] =	sst s7  }
0x10: {  	[smem:$0x3FB5] =	sst s8  }
0x11: {  	[smem:$0x3FB6] =	sst s9;
	s0 =	simm.s32 @!p0 $0x0  }
0x12: {  	s1 =	sld [smem:$0x3F9C];
	s0 =	simm.s32 @p0 $0x1  }
0x13: {  	[smem:$0x3FB7] =	sst s0;
	s0 =	simm.s32 @!p1 $0x0  }
0x14: {  	s2 =	sld [smem:$0x3F9B];
	s0 =	simm.s32 @p1 $0x1  }
0x15: {  	[smem:$0x3FB8] =	sst s0;
	s0 =	simm.s32 @!p2 $0x0  }
0x16: {  	s3 =	sld [smem:$0x3FDB];
	s0 =	simm.s32 @p2 $0x1  }
0x17: {  	s4 =	simm.s32 $0x1BF5;
	[smem:$0x3FBA] =	sst s0  }
0x18: {  	s0 =	sld [smem:$0x3F9D];
	_ =	swait.ge [sflag:s4], $0x0  }
0x19: {  	s7 =	sld [smem:$0x3F9E]  }
0x1a: {  	s8 =	sadd.s32 $0xFFFFE003, lr  }
0x1b: {  	s9 =	sadd.s32 $0xFFFFFEF7, lr;
	s5 =	simm.s32 $0xFFFFFFFF;
	p2 =	slt.u32 s8, $0xFFFFF086  }
0x1c: {  	p1 =	slt.u32 s9, $0xF7A;
	s5 =	simm.s32 @!p2 $0x0  }
0x1d: {  	s5 =	simm.s32 @p1 $0x1;
	p0 =	seq.s32 s7, s2  }
0x1e: {  	s7 =	smul.u32 @!p0 $0xF7A, s2;
	p2 =	seq.s32 @!p0 s5, $0x0  }
0x1f: {  	s9 =	smul.u32 $0xF7A, s1;
	s8 =	simm.s32 @!p0 $0x1BF5;
	p2 =	por !p2, p0  }
0x20: {  	[sflag:s8] =	ssyncset.s32 @!p0 $0xFFFFF086;
	s6 =	sadd.s32 @!p0 s3, s7;
	s7 =	simm.s32 @!p0 $0x108  }
0x21: {  	s3 =	sadd.s32 s3, s9;
	s6 =	sadd.s32 @!p0 $0x88, s6;
	s7 =	simm.s32 @p2 $0x1082  }
0x22: {  	[simem:s7], [sflag:s8] =	dma.local @!p0 [hbm:s6], $0xF7A  }
0x23: {  	s9 =	sor.u32 $0xD0000000, s2;
	s6 =	simm.s32 $0x108;
	_ =	swait.ge @!p0 [sflag:s8], $0x0  }
0x24: {  	s3 =	sadd.s32 $0x88, s3;
	s6 =	simm.s32 @!p1 $0x1082;
	[sflag:s4] =	ssyncset.s32 $0xFFFFF086  }
0x25: {  	[simem:s6], [sflag:s4] =	dma.local [hbm:s3], $0xF7A  }
0x26: {  	[smem:$0x3F9E] =	sst s1;
	(tag) =	ssettag s2;
	_ =	strace s9  }
0x27: {  	s1 =	sld [smem:$0x3FAE]  }
0x28: {  	s2 =	sld [smem:$0x3FAF]  }
0x29: {  	s4 =	sld [smem:$0x3FB1]  }
0x2a: {  	p0 =	seq.s32 s5, $0x0;
	s5 =	sld [smem:$0x3FB2]  }
0x2b: {  	s6 =	sld [smem:$0x3FB3]  }
0x2c: {  	s7 =	sld [smem:$0x3FB4]  }
0x2d: {  	s3 =	simm.s32 $0x108;
	s8 =	sld [smem:$0x3FB5]  }
0x2e: {  	s3 =	simm.s32 @!p0 $0x1082;
	s9 =	sld [smem:$0x3FB6]  }
0x2f: {  	lr =	sadd.s32 s0, s3;
	s0 =	sld [smem:$0x3FAD]  }
0x30: {  	s3 =	sld [smem:$0x3FB0]  }
0x31: {  	[smem:$0x3FB9] =	sst s10  }
0x32: {  	s10 =	sld [smem:$0x3FB7];
	_ =	sdelay $0x3  }
0x33: {  	p0 =	seq.s32 s10, $0x1;
	s10 =	sld [smem:$0x3FB9];
	_ =	sdelay $0x3  }
0x34: {  	[smem:$0x3FB9] =	sst s10  }
0x35: {  	s10 =	sld [smem:$0x3FB8];
	_ =	sdelay $0x3  }
0x36: {  	p1 =	seq.s32 s10, $0x1;
	s10 =	sld [smem:$0x3FB9];
	_ =	sdelay $0x3  }
0x37: {  	[smem:$0x3FB9] =	sst s10  }
0x38: {  	s10 =	sld [smem:$0x3FBA]  }
0x39: {  	_ = 	snop;
	(pc) =	sbr.ind lr, $3  }
0x3a: {  	_ = 	snop  }
0x3b: {  	_ = 	snop  }
0x3c: {  	p2 =	seq.s32 s10, $0x1;
	s10 =	sld [smem:$0x3FB9]  }
0x3d: {  	_ =	shalt  }
0x3e: {  	_ =	shalt  }
0x3f: {  	_ =	shalt  }
0x40: {  	_ =	shalt  }
0x41: {  	_ =	shalt  }
0x42: {  	_ =	shalt  }
0x43: {  	_ =	shalt  }
0x44: {  	_ =	shalt  }
0x45: {  	_ =	shalt  }
0x46: {  	_ =	shalt  }
0x47: {  	_ =	shalt  }
0x48: {  	_ =	shalt  }
0x49: {  	_ =	shalt  }
0x4a: {  	_ =	shalt  }
0x4b: {  	_ =	shalt  }
0x4c: {  	_ =	shalt  }
0x4d: {  	_ =	shalt  }
0x4e: {  	_ =	shalt  }
0x4f: {  	_ =	shalt  }
0x50: {  	_ =	shalt  }
0x51: {  	_ =	shalt  }
0x52: {  	_ =	shalt  }
0x53: {  	_ =	shalt  }
0x54: {  	_ =	shalt  }
0x55: {  	_ =	shalt  }
0x56: {  	_ =	shalt  }
0x57: {  	_ =	shalt  }
0x58: {  	_ =	shalt  }
0x59: {  	_ =	shalt  }
0x5a: {  	_ =	shalt  }
0x5b: {  	_ =	shalt  }
0x5c: {  	_ =	shalt  }
0x5d: {  	_ =	shalt  }
0x5e: {  	_ =	shalt  }
0x5f: {  	_ =	shalt  }
0x60: {  	_ =	shalt  }
0x61: {  	_ =	shalt  }
0x62: {  	_ =	shalt  }
0x63: {  	_ =	shalt  }
0x64: {  	_ =	shalt  }
0x65: {  	_ =	shalt  }
0x66: {  	_ =	shalt  }
0x67: {  	_ =	shalt  }
0x68: {  	_ =	shalt  }
0x69: {  	_ =	shalt  }
0x6a: {  	_ =	shalt  }
0x6b: {  	_ =	shalt  }
0x6c: {  	_ =	shalt  }
0x6d: {  	_ =	shalt  }
0x6e: {  	_ =	shalt  }
0x6f: {  	_ =	shalt  }
0x70: {  	_ =	shalt  }
0x71: {  	_ =	shalt  }
0x72: {  	_ =	shalt  }
0x73: {  	_ =	shalt  }
0x74: {  	_ =	shalt  }
0x75: {  	_ =	shalt  }
0x76: {  	_ =	shalt  }
0x77: {  	_ =	shalt  }
0x78: {  	_ =	shalt  }
0x79: {  	_ =	shalt  }
0x7a: {  	_ =	shalt  }
0x7b: {  	_ =	shalt  }
0x7c: {  	_ =	shalt  }
0x7d: {  	_ =	shalt  }
0x7e: {  	_ =	shalt  }
0x7f: {  	_ =	shalt  }
0x80: {  	_ =	shalt  }
0x81: {  	_ =	shalt  }
0x82: {  	_ =	shalt  }
0x83: {  	_ =	shalt  }
0x84: {  	_ =	shalt  }
0x85: {  	_ =	shalt  }
0x86: {  	_ =	shalt  }
0x87: {  	_ =	shalt  }
.Lfunc_end0:
.L_simem_size_0:
called_computation_lowered:
.L_overlay_start_0:
0x88: {  	s2 =	sld [smem:$0x3FD9]  }
0x89: {  	s3 =	sld [smem:$0x3FFE];
	_ =	sdelay $0x1  }
0x8a: {  	s1 =	srdreg.scid  }
0x8b: {  	s0 =	sand.u32 $0x1, s1  }
0x8c: {  	s17 =	sshll.u32 s0, $0xA;
	s2 =	sadd.s32 s3, s2  }
0x8d: {  	s2 =	sadd.s32 s2, s17  }
0x8e: {  	[smem:$0x3FC5] =	sst s2  }
0x8f: {  	_ = 	snop  }
0x90: {  	s2 =	sld [smem:$0x3FD0];
	(tm) =	ssettm $0x1  }
0x91: {  	s18 =	sld [smem:$0x3FFB];
	_ =	sdelay $0x3  }
0x92: {  	_ =	strace s18  }
0x93: {  	s3 =	sld [smem:$0x3FFC];
	_ =	sdelay $0x3  }
0x94: {  	_ =	strace s3  }
0x95: {  	s3 =	sld [smem:$0x3FFD];
	_ =	sdelay $0x3  }
0x96: {  	_ =	strace s3  }
0x97: {  	_ =	strace $0x8FFFFFFF  }
0x98: {  	s19 =	sld [smem:$0x3FDB];
	_ =	sdelay $0x1  }
0x99: {  	s4 =	simm.s32 $_scs_section_size  }
0x9a: {  	s5 =	simm.s32 $_size__tile_overlayer_lowered;
	s6 =	simm.s32 $_tile_overlayer_lowered  }
0x9b: {  	s22 =	simm.s32 $0x1BFF;
	s21 =	sshll.u32 s6, $0x1;
	s3 =	sadd.s32 s4, s19  }
0x9c: {  	s7 =	simm.s32 $0x0;
	s20 =	sshll.u32 s5, $0x1;
	s5 =	sadd.s32 s21, s3  }
0x9d: {  	[timem:s7], [sflag:s22] =	dma.local [hbm:s5], s20  }
0x9e: {  	_ =	swait.ge [sflag:s22], s20  }
0x9f: {  	s4 =	ssub.s32 $0x0, s20;
	[sflag:s22] =	ssyncset.done $0x0  }
0xa0: {  	[sflag:s22] =	ssyncadd.s32 s4;
	_ =	sdelay $0x1  }
0xa1: {  	s23 =	simm.s32 $0x1B8B  }
0xa2: {  	_ =	swait.ge [sflag:s23], $0x1  }
0xa3: {  	[sflag:s23] =	ssyncset.done $0x0  }
0xa4: {  	s25 =	simm.s32 $0x1B8E;
	s24 =	sld [smem:$0x3FFE];
	[sflag:s23] =	ssyncadd.s32 $0xFFFFFFFF  }
0xa5: {  	s26 =	simm.s32 $execute0_lowered;
	[smem:$0x3FD2] =	sst s25  }
0xa6: {  	s5 =	sshll.u32 s26, $0x1;
	_ =	strace $0x80000046;
	[dreg:$0x1] =	wrdreg $0xFFFFFFFF  }
0xa7: {  	s28 =	simm.s32 $_size_execute0_lowered;
	s3 =	sadd.s32 s3, s5;
	[dreg:$0x0] =	wrdreg $0x0  }
0xa8: {  	s5 =	sshll.u32 s28, $0x1;
	[dreg:$0x2] =	wrdreg s3  }
0xa9: {  	[dreg:$0x3] =	wrdreg s5  }
0xaa: {  	[dreg:$0x4] =	wrdreg $0xC0  }
0xab: {  	_ =	task [dreg:s7], $0x5FFFF  }
0xac: {  	[dreg:$0x1] =	wrdreg $0xFFFFFFFF  }
0xad: {  	[dreg:$0x0] =	wrdreg $0x60  }
0xae: {  	[dreg:$0x2] =	wrdreg s24  }
0xaf: {  	[dreg:$0x3] =	wrdreg s2  }
0xb0: {  	[dreg:$0x4] =	wrdreg $0x132900  }
0xb1: {  	[dreg:$0x5] =	wrdreg $0x9  }
0xb2: {  	_ =	task.clear_ibuf [dreg:s7], $0x6FFFF;
	_ =	strace $0x90000046  }
0xb3: {  	s29 =	simm.s32 $0x9;
	_ =	strace $0x80000048  }
0xb4: {  	_ =	swait.ge [sflag:s29], $0x1  }
0xb5: {  	[sflag:s29] =	ssyncadd.s32 $0xFFFFFFFF  }
0xb6: {  	_ =	strace $0x90000048  }
0xb7: {  	_ =	sfence  }
0xb8: {  	s30 =	sld [smem:$0x0];
	_ =	sdelay $0x2  }
0xb9: {  	s31 =	sshll.u32 s1, $0xD;
	s1 =	sshrl.u32 s1, $0x2  }
0xba: {  	s3 =	sand.u32 $0x4000, s31;
	s1 =	sadd.s32 s1, s30  }
0xbb: {  	s0 =	sor.u32 s3, s0;
	s1 =	sshll.u32 s1, $0x11  }
0xbc: {  	s0 =	sor.u32 s1, s0  }
0xbd: {  	s0 =	sadd.s32 $0x8F2B, s0  }
0xbe: {  	[sflag:s0] =	ssyncadd.remote.s32 $0x1  }
0xbf: {  	_ =	sfence.sel $0xFFFF  }
0xc0: {  	[dreg:$0x0] =	wrdreg $0xFFFFFFFF;
	(pc) =	sbr.abs _section_cstart, $3  }
0xc1: {  	[dreg:$0x1] =	wrdreg $0xFFFFFFFF  }
0xc2: {  	_ =	task.clear_ibuf [dreg:s7], $0x2FFFF;
	_ =	strace $0x9FFFFFFF  }
0xc3: {  	(tm) =	ssettm $0x7FFFFFFF  }
tec
execute0_lowered:
.L_overlay_start_1:
0x0: {  	(tag) =	ssettag $0x1  }
0x1: {  	s5 =	rddreg [dreg:$0x0]  }
0x2: {  	s1 =	srdreg.scid;
	s10 =	rddreg [dreg:$0x1]  }
0x3: {  	s0 =	stileid.u32;
	s12 =	rddreg [dreg:$0x2];
	s28 =	simm.s32 $0x80  }
0x4: {  	s31 =	simm.s32 $0x7000;
	s29 =	simm.s32 $0xB800;
	s30 =	simm.s32 $0x2  }
0x5: {  	s4 =	sand.u32 $0x1, s1;
	s20 =	sshll.u32 s0, $0x1;
	s22 =	smul.u32 $0x9C, s0  }
0x6: {  	s3 =	sadd.s32 $0x1000, s5;
	s9 =	sadd.s32 $0x28600, s5;
	s24 =	smul.u32 $0xA000, s0  }
0x7: {  	p0 =	slt.u32 s0, $0x2;
	s25 =	smul.u32 $0x280, s0;
	p1 =	sgt.u32 s0, $0x1  }
0x8: {  	s1 =	sor.u32 s4, s20;
	s21 =	ssub.s32 $0x2, s4;
	s20 =	sadd.s32 $0x28C00, s5  }
0x9: {  	s16 =	sshll.u32 s4, $0x1;
	s2 =	smul.u32 $0x4E, s1;
	s11 =	smin.u32 s1, $0x4  }
0xa: {  	s1 =	simm.s32 $0x0;
	s8 =	sshrl.u32 s21, $0x1;
	s26 =	sxor.u32 $0x2, s16  }
0xb: {  	[smem:$0x7FF] =	sst s1;
	s17 =	ssub.s32 s21, s8;
	s14 =	sadd.s32 s11, s2  }
0xc: {  	_ =	strace $0x80000047;
	s2 =	sadd.s32 $0xAE00, s5;
	s15 =	sshll.u32 s14, $0x7  }
0xd: {  	s11 =	sadd.s32 s22, s11;
	[dreg:$0x4] =	wrdreg s9;
	s7 =	smin.u32 s15, $0x4BA00  }
0xe: {  	[dreg:$0x5] =	wrdreg s20;
	s14 =	sshll.u32 s14, $0x4;
	s6 =	sshrl.u32 s7, $0x3  }
0xf: {  	s7 =	ssub.s32 s15, s7;
	s15 =	sshrl.u32 s15, $0x3;
	s13 =	sadd.s32 s6, s5  }
0x10: {  	s5 =	sadd.s32 $0x29200, s5;
	s6 =	simm.s32 $0x4F;
	s19 =	smov.u32 s7  }
0x11: {  	s21 =	sadd.s32 s10, s15;
	s15 =	simm.s32 $0x2800;
	s6 =	simm.s32 @!p0 $0x4E  }
0x12: {  	s8 =	sadd.s32 s5, s16;
	p0 =	slt.s32 s7, $0x2780;
	s18 =	sadd.s32 $0x14C00, s13  }
0x13: {  	s13 =	sadd.s32 $0x1E840, s13;
	s16 =	sadd.s32 s5, s26;
	[dreg:$0x7] =	wrdreg s18  }
0x14: {  	s5 =	sadd.s32 s10, s14;
	s19 =	simm.s32 @!p0 $0x2780;
	[dreg:$0x8] =	wrdreg s13  }
0x15: {  	s13 =	sadd.s32 $0x100, s7;
	p0 =	seq.s32 s4, $0x1;
	s4 =	smul.u32 $0x4E, s4  }
0x16: {  	s18 =	sshrl.u32 s25, $0x3;
	[dreg:$0xc] =	wrdreg s5;
	s5 =	sadd.s32 $0x4E0, s21  }
0x17: {  	[dreg:$0x6] =	wrdreg s19;
	s23 =	sadd.s32 $0x2800, s19;
	s19 =	sshrl.u32 s24, $0x2  }
0x18: {  	s24 =	sshll.u32 s6, $0x2;
	[dreg:$0xf] =	wrdreg s5;
	s5 =	smov.u32 s9  }
0x19: {  	[dreg:$0x9] =	wrdreg s23;
	s19 =	sadd.s32 s19, s12;
	s12 =	sadd.s32 s25, s12  }
0x1a: {  	s4 =	sadd.s32 s4, s11;
	[dreg:$0xe] =	wrdreg s24;
	s25 =	smax.u32 s17, $0x1  }
0x1b: {  	s5 =	smov.u32 @p0 s20;
	p0 =	sne.s32 s0, $0x0;
	s0 =	simm.s32 $0x8000  }
0x1c: {  	s11 =	simm.s32 $0x13280;
	[dreg:$0xa] =	wrdreg s19;
	s19 =	sshll.u32 s4, $0x7  }
0x1d: {  	v0 =	vimm.f32 $0.0e+00;
	[dreg:$0xb] =	wrdreg s12;
	s4 =	sshll.u32 s4, $0x9;
	s22 =	smin.u32 s19, $0x4BA00  }
0x1e: {  	vm1 =	vmmov $0x1;
	vm2 =	vmmov $0x3;
	vm3 =	vmmov $0x7;
	[dreg:$0x10] =	wrdreg s25;
	s5 =	sadd.s32 s5, s18;
	s10 =	sshll.u32 s22, $0x2  }
0x1f: {  	vm4 =	vmmov $0xf;
	vm5 =	vmmov $0x1f;
	vm6 =	vmmov $0x3f;
	[dreg:$0x11] =	wrdreg s5;
	s23 =	ssub.s32 s19, s22;
	s4 =	ssub.s32 s4, s10  }
0x20: {  	vm7 =	vmmov $0x7f;
	vm8 =	vmmov $0xff;
	vm9 =	vmmov $0x1ff;
	[dreg:$0xd] =	wrdreg s23;
	s26 =	sadd.s32 $0x80, s23;
	s4 =	sor.u32 $0x40, s4  }
0x21: {  	vm10 =	vmmov $0x3ff;
	vm11 =	vmmov $0x7ff;
	vm12 =	vmmov $0xfff;
	s25 =	simm.s32 $0x0;
	[dreg:$0x12] =	wrdreg s26;
	s4 =	sshra.s32 s4, $0x2  }
0x22: {  	vm13 =	vmmov $0x1fff;
	vm14 =	vmmov $0x3fff;
	vm15 =	vmmov $0x7fff;
	s10 =	simm.s32 $0x3;
	s26 =	simm.s32 $0x1;
	[dreg:$0x13] =	wrdreg s4  }
.LBB2_1:
0x23: {  	v1 =	vimm.f32 @!p0 $0.0e+00  }
0x24: {  	s4 =	simm.s32 @!p0 $0x0;
	s5 =	simm.s32 @!p0 $0x13280;
	[tilespmem:$0x13280] =	vst @!p0 v1  }
0x25: {  	[hbm4b:s8+s4] =	stream.linear.scatter @!p0 [tilespmem:s5], [sflag:$0x3], $0x10, $0x38;
	[tilespmem:$0x15A90] =	vst v63  }
0x26: {  	s4 =	simm.s32 @!p0 $0x3  }
0x27: {  	_ =	swait.ge @!p0 [sflag:s4], $0x10  }
0x28: {  	[sflag:s4] =	ssyncset.done @!p0 $0x0  }
0x29: {  	s23 =	rddreg [dreg:$0x7];
	[sflag:s4] =	ssyncadd.s32 @!p0 $0xFFFFFFF0  }
0x2a: {  	[tilespmem:s1], [sflag:$0x1] =	stream.linear.gather [hbm4b:s23+s1], $0x2800, $0x38;
	[tilespmem:$0x15A90] =	vst v63  }
0x2b: {  	s24 =	rddreg [dreg:$0x8]  }
0x2c: {  	[tilespmem:s15], [sflag:$0x1] =	stream.linear.gather [hbm4b:s24+s1], $0x2800, $0x38;
	[tilespmem:$0x15A90] =	vst v63  }
0x2d: {  	_ =	swait.ge [sflag:s26], $0x2800  }
0x2e: {  	[sflag:s26] =	ssyncset.done $0x0  }
0x2f: {  	[sflag:s26] =	ssyncadd.s32 $0xFFFFD800  }
0x30: {  	_ =	swait.ge [sflag:s26], $0x2800  }
0x31: {  	[sflag:s26] =	ssyncset.done $0x0  }
0x32: {  	s5 =	simm.s32 $0x100;
	s4 =	simm.s32 $0x0;
	[sflag:s26] =	ssyncadd.s32 $0xFFFFD800  }
.LBB2_2:
0x33: {  	p2 =	sne.s32 s5, $0x9F00;
	[tilespmem:s4+$0xB830] =	vst v0;
	s12 =	smov.u32 s5;
	s5 =	sadd.s32 $0x100, s5  }
.Ltmp0:
0x34: {  	[tilespmem:s4+$0xB820] =	vst v0;
	(pc) =	sbr.rel @p2 .LBB2_2-.Ltmp0, $3  }
0x35: {  	[tilespmem:s4+$0xB800] =	vst v0  }
0x36: {  	[tilespmem:s4+$0xB810] =	vst v0;
	_ =	sdelay $0x1  }
0x37: {  	s4 =	sshra.s32 s12, $0x2  }
0x38: {  	[tilespmem:s4+$0xB830] =	vst v0  }
0x39: {  	[tilespmem:s4+$0xB820] =	vst v0  }
0x3a: {  	[tilespmem:s4+$0xB800] =	vst v0;
	s22 =	rddreg [dreg:$0x6]  }
0x3b: {  	[tilespmem:s4+$0xB810] =	vst v0;
	s5 =	simm.s32 $0x5000;
	s23 =	rddreg [dreg:$0x9]  }
0x3c: {  	[tilespmem:s5], [sflag:$0x1] =	stream.indirect.gather [hbm4b:s2+s28], $0x20, s22, s28, $0xb8;
	[tilespmem:$0x15A90] =	vst v63  }
0x3d: {  	s24 =	simm.s32 $0x6000;
	s14 =	simm.s32 $0x0;
	s18 =	rddreg [dreg:$0xd]  }
0x3e: {  	[tilespmem:s24], [sflag:$0x1] =	stream.indirect.gather [hbm4b:s3+s28], $0x20, s23, s28, $0xb8;
	[tilespmem:$0x15A90] =	vst v63  }
0x3f: {  	s15 =	simm.s32 $0x9000;
	s17 =	simm.s32 $0x9080;
	s23 =	rddreg [dreg:$0x12]  }
.LBB2_4:
0x40: {  	s22 =	sshllo.u32 s14, $0x1  }
0x41: {  	s4 =	sshll.u32 s22, $0x7  }
0x42: {  	s4 =	sadd.s32 s7, s4  }
0x43: {  	p2 =	slt.s32 s4, $0x2780  }
0x44: {  	s4 =	simm.s32 @!p2 $0x2780  }
0x45: {  	[tilespmem:s31], [sflag:$0x2] =	stream.indirect.gather [hbm4b:s2+s28], $0x20, s4, s28, $0xb8;
	[tilespmem:$0x15A90] =	vst v63  }
0x46: {  	s4 =	sadd.s32 $0x2800, s4  }
0x47: {  	[tilespmem:s0], [sflag:$0x2] =	stream.indirect.gather [hbm4b:s3+s28], $0x20, s4, s28, $0xb8;
	[tilespmem:$0x15A90] =	vst v63  }
0x48: {  	_ =	swait.ge [sflag:s26], $0x1000  }
0x49: {  	[sflag:s26] =	ssyncset.done $0x0  }
0x4a: {  	[sflag:s26] =	ssyncadd.s32 $0xFFFFF000  }
0x4b: {  	_ =	swait.ge [sflag:s26], $0x1000  }
0x4c: {  	[sflag:s26] =	ssyncset.done $0x0  }
0x4d: {  	s5 =	simm.s32 $0x6100;
	[sflag:s26] =	ssyncadd.s32 $0xFFFFF000  }
0x4e: {  	v2 =	vld [tilespmem:s5+$0x20]  }
0x4f: {  	s19 =	simm.s32 $0x5100;
	v3 =	vld [tilespmem:s5+$0xFFFFFF70]  }
0x50: {  	v4 =	vld [tilespmem:s19+$0xFFFFFF70]  }
0x51: {  	v5 =	vld [tilespmem:s5+$0xFFFFFF60]  }
0x52: {  	v6 =	vld [tilespmem:s19+$0xFFFFFF60]  }
0x53: {  	v7 =	vld [tilespmem:s5+$0xFFFFFF30]  }
0x54: {  	v8 =	vld [tilespmem:s19+$0xFFFFFF20]  }
0x55: {  	v9 =	vld [tilespmem:s5+$0xFFFFFF40]  }
0x56: {  	v10 =	vld [tilespmem:s5+$0xFFFFFF20]  }
0x57: {  	v12 =	vld [tilespmem:s19+$0xFFFFFF40]  }
0x58: {  	v14 =	vld [tilespmem:s19+$0xFFFFFF30]  }
0x59: {  	v44 =	vld [tilespmem:s5+$0xFFFFFF50]  }
0x5a: {  	v45 =	vld [tilespmem:s19+$0xFFFFFF10]  }
0x5b: {  	v15 =	vld [tilespmem:s19+$0xFFFFFF50]  }
0x5c: {  	v16 =	vld [tilespmem:s5+$0xFFFFFF10]  }
0x5d: {  	v17 =	vld [tilespmem:s5+$0xFFFFFFA0]  }
0x5e: {  	v19 =	vld [tilespmem:s19+$0xFFFFFFA0]  }
0x5f: {  	v53 =	vld [tilespmem:s5+$0xFFFFFFC0]  }
0x60: {  	v54 =	vld [tilespmem:s19+$0xFFFFFFC0]  }
0x61: {  	v61 =	vld [tilespmem:s19+$0x20];
	v5 =	vmul.bf16 v5, v6  }
0x62: {  	v11 =	vld [tilespmem:s19+$0xFFFFFF00];
	v3 =	vmul.bf16 v3, v4;
	v8 =	vmul.bf16 v10, v8  }
0x63: {  	vm0 =	vmxor vm0, vm0;
	v6 =	vld [tilespmem:s5+$0xFFFFFF00];
	v9 =	vmul.bf16 v9, v12;
	v7 =	vmul.bf16 v7, v14  }
0x64: {  	v1 =	vld [tilespmem:s5+$0xFFFFFFB0];
	v50 =	vmul.bf16 v44, v15;
	v10 =	vmul.bf16 v16, v45;
	v13 =	vunpack.i.l.bf16.f32 v5  }
0x65: {  	v48 =	vld [tilespmem:s19+$0xFFFFFF80];
	v55 =	vmul.bf16 v17, v19;
	v14 =	vmul.bf16 v53, v54;
	v4 =	vadd.f32 $0.0e+00, v13  }
0x66: {  	v57 =	vld [tilespmem:s19+$0xFFFFFFE0];
	v2 =	vmul.bf16 v2, v61;
	v5 =	vunpack.i.u.bf16.f32 v5;
	v46 =	vunpack.i.l.bf16.f32 v8  }
0x67: {  	v59 =	vld [tilespmem:s5+$0xFFFFFFE0];
	v8 =	vunpack.i.u.bf16.f32 v8;
	v4 =	vadd.f32 v4, v5;
	v5 =	vunpack.i.u.bf16.f32 v3  }
0x68: {  	v51 =	vld [tilespmem:s5+$0xFFFFFF90];
	v6 =	vmul.bf16 v6, v11;
	v3 =	vunpack.i.l.bf16.f32 v3;
	v11 =	vadd.f32 $0.0e+00, v46  }
0x69: {  	v52 =	vld [tilespmem:s19+$0xFFFFFF90];
	v49 =	vunpack.i.l.bf16.f32 v9;
	v18 =	vunpack.i.l.bf16.f32 v7;
	v3 =	vadd.f32 v3, v4  }
0x6a: {  	v9 =	vunpack.i.u.bf16.f32 v9;
	v4 =	vld [tilespmem:s5+$0xFFFFFF80];
	v8 =	vadd.f32 v11, v8;
	v11 =	vadd.f32 $0.0e+00, v49  }
0x6b: {  	v56 =	vld [tilespmem:s5+$0xFFFFFFD0];
	v7 =	vunpack.i.u.bf16.f32 v7;
	v15 =	vunpack.i.l.bf16.f32 v50;
	v47 =	vunpack.i.l.bf16.f32 v6  }
0x6c: {  	v58 =	vld [tilespmem:s19+$0xFFFFFFD0];
	v13 =	vmul.bf16 v59, v57;
	v12 =	vadd.f32 $0.0e+00, v47;
	v9 =	vadd.f32 v11, v9  }
0x6d: {  	v6 =	vunpack.i.u.bf16.f32 v6;
	v49 =	vld [tilespmem:s19+$0xC0];
	v8 =	vadd.f32 v18, v8;
	v3 =	vadd.f32 v3, v5  }
0x6e: {  	v47 =	vld [tilespmem:s5+$0xC0];
	v5 =	vunpack.i.l.bf16.f32 v10;
	v10 =	vunpack.i.u.bf16.f32 v10;
	v6 =	vadd.f32 v12, v6  }
0x6f: {  	v60 =	vld [tilespmem:s5+$0x0];
	v11 =	vmul.bf16 v51, v52;
	v9 =	vadd.f32 v15, v9;
	v4 =	vmul.bf16 v4, v48  }
0x70: {  	v12 =	vunpack.i.u.bf16.f32 v50;
	(xrf2) =	vadd.scan.msk.f32 $0xffff, v3;
	v5 =	vadd.f32 v5, v6;
	v6 =	vadd.f32 v8, v7;
	v8 =	vld [tilespmem:s19+$0xFFFFFFB0]  }
0x71: {  	v62 =	vld [tilespmem:s5+$0xFFFFFFF0];
	v3 =	vunpack.i.l.bf16.f32 v11;
	v15 =	vunpack.i.l.bf16.f32 v13;
	v7 =	vunpack.i.l.bf16.f32 v4  }
0x72: {  	v63 =	vld [tilespmem:s19+$0xFFFFFFF0];
	v13 =	vunpack.i.u.bf16.f32 v13;
	v5 =	vadd.f32 v5, v10;
	(xrf2) =	vadd.scan.msk.f32 $0xffff, v6;
	v7 =	vadd.f32 $0.0e+00, v7  }
0x73: {  	v21 =	vld [tilespmem:s5+$0x10];
	v22 =	vadd.f32 $0.0e+00, v15;
	v54 =	vmul.bf16 v47, v49;
	v4 =	vunpack.i.u.bf16.f32 v4  }
0x74: {  	v24 =	vld [tilespmem:s19+$0x30];
	v6 =	vadd.f32 v9, v12;
	(xrf2) =	vadd.scan.msk.f32 $0xffff, v5;
	v4 =	vadd.f32 v7, v4;
	v7 =	vunpack.i.l.bf16.f32 v55  }
0x75: {  	v10 =	vmul.bf16 v56, v58;
	v1 =	vmul.bf16 v1, v8;
	v8 =	vld [tilespmem:s19+$0x0];
	v7 =	vadd.f32 $0.0e+00, v7  }
0x76: {  	v27 =	vld [tilespmem:s5+$0x40];
	v9 =	vadd.f32 v22, v13;
	v3 =	vadd.f32 v3, v4;
	v4 =	vunpack.i.u.bf16.f32 v55  }
0x77: {  	v29 =	vld [tilespmem:s5+$0xA0];
	v5 =	vunpack.i.u.bf16.f32 v11;
	v4 =	vadd.f32 v7, v4;
	v7 =	vunpack.i.l.bf16.f32 v14  }
0x78: {  	v30 =	vld [tilespmem:s5+$0x50];
	(xrf2) =	vadd.scan.msk.f32 $0xffff, v6;
	v3 =	vadd.f32 v3, v5;
	v5 =	vunpack.i.l.bf16.f32 v1;
	v7 =	vadd.f32 $0.0e+00, v7  }
0x79: {  	v11 =	vmul.bf16 v62, v63;
	v6 =	vld [tilespmem:s19+$0x10];
	v4 =	vadd.f32 v5, v4;
	v5 =	vunpack.i.u.bf16.f32 v14  }
0x7a: {  	v31 =	vld [tilespmem:s5+$0x60];
	v20 =	vunpack.i.u.bf16.f32 v1;
	v25, _, _ =	vpop (xrf2);
	v8 =	vmul.bf16 v60, v8;
	v5 =	vadd.f32 v7, v5  }
0x7b: {  	v33 =	vld [tilespmem:s19+$0x50];
	v16 =	vbroadcast v25, $0xF;
	v7 =	vunpack.i.l.bf16.f32 v10;
	(xrf2) =	vadd.scan.msk.f32 $0xffff, v3;
	v3 =	vunpack.i.u.bf16.f32 v10  }
0x7c: {  	v41 =	vld [tilespmem:s19+$0xA0];
	v4 =	vadd.f32 v4, v20;
	v23 =	vunpack.i.l.bf16.f32 v8;
	v26, _, _ =	vpop (xrf2);
	v5 =	vadd.f32 v7, v5  }
0x7d: {  	v8 =	vunpack.i.u.bf16.f32 v8;
	v7 =	vld [tilespmem:s5+$0x30];
	v10 =	vadd.f32 $0.0e+00, v23;
	v13 =	vbroadcast v26, $0xF  }
0x7e: {  	v45 =	vld [tilespmem:s19+$0x90];
	(xrf2) =	vadd.scan.msk.f32 $0xffff, v4;
	v4 =	vmul.bf16 v21, v6;
	v28, _, _ =	vpop (xrf2);
	v3 =	vadd.f32 v5, v3;
	v5 =	vunpack.i.u.bf16.f32 v2  }
0x7f: {  	v46 =	vld [tilespmem:s5+$0x90];
	v2 =	vunpack.i.l.bf16.f32 v2;
	v8 =	vadd.f32 v10, v8;
	v12 =	vbroadcast v28, $0xF  }
0x80: {  	v6 =	vld [tilespmem:s19+$0x40];
	v2 =	vadd.f32 $0.0e+00, v2;
	v14 =	vunpack.i.u.bf16.f32 v4;
	v4 =	vunpack.i.l.bf16.f32 v4  }
0x81: {  	v37 =	vld [tilespmem:s5+$0x80];
	v10 =	vmul.bf16 v29, v41;
	(xrf2) =	vadd.scan.msk.f32 $0xffff, v3;
	v3 =	vunpack.i.l.bf16.f32 v11;
	v4 =	vadd.f32 v4, v8  }
0x82: {  	v38 =	vld [tilespmem:s19+$0x80];
	v32, _, _ =	vpop (xrf2);
	v11 =	vunpack.i.u.bf16.f32 v11;
	v7 =	vmul.bf16 v7, v24;
	v2 =	vadd.f32 v2, v5  }
0x83: {  	v8 =	vld [tilespmem:s19+$0x60];
	v5 =	vsel vm1, v12, v13;
	v3 =	vadd.f32 v3, v9;
	v13 =	vbroadcast v32, $0xF  }
0x84: {  	v9 =	vmul.bf16 v30, v33;
	v12 =	vmul.bf16 v46, v45;
	v34 =	vunpack.i.l.bf16.f32 v7  }
0x85: {  	v6 =	vmul.bf16 v27, v6;
	v4 =	vadd.f32 v4, v14;
	v2 =	vadd.f32 v34, v2  }
0x86: {  	v3 =	vadd.f32 v3, v11;
	v7 =	vunpack.i.u.bf16.f32 v7;
	v5 =	vsel vm2, v5, v13  }
0x87: {  	v44 =	vunpack.i.l.bf16.f32 v9;
	v2 =	vadd.f32 v2, v7;
	v7 =	vunpack.i.l.bf16.f32 v6  }
0x88: {  	v35 =	vld [tilespmem:s5+$0x70];
	v13 =	vmul.bf16 v37, v38;
	v36, _, _ =	vpop (xrf2);
	v8 =	vmul.bf16 v31, v8;
	v7 =	vadd.f32 $0.0e+00, v7  }
0x89: {  	v39 =	vld [tilespmem:s19+$0x70];
	v5 =	vsel vm3, v5, v16;
	v11 =	vbroadcast v36, $0xF;
	v6 =	vunpack.i.u.bf16.f32 v6;
	v40, _, _ =	vpop (xrf2)  }
0x8a: {  	(xrf2) =	vadd.scan.msk.f32 $0xffff, v3;
	v3 =	vbroadcast v40, $0xF;
	v6 =	vadd.f32 v7, v6;
	v7 =	vunpack.i.l.bf16.f32 v8  }
0x8b: {  	v9 =	vunpack.i.u.bf16.f32 v9;
	v5 =	vsel vm4, v5, v11;
	v43, _, _ =	vpop (xrf2);
	v7 =	vadd.f32 $0.0e+00, v7  }
0x8c: {  	v42 =	vld [tilespmem:s5+$0xB0];
	(xrf2) =	vadd.scan.msk.f32 $0xffff, v4;
	v8 =	vunpack.i.u.bf16.f32 v8;
	v3 =	vsel vm5, v5, v3;
	v5 =	vbroadcast v43, $0xF  }
0x8d: {  	v52 =	vunpack.i.l.bf16.f32 v12;
	(xrf2) =	vadd.scan.msk.f32 $0xffff, v2;
	v6 =	vadd.f32 v44, v6;
	v7 =	vadd.f32 v7, v8;
	v8 =	vld [tilespmem:s19+$0xB0]  }
0x8e: {  	v4 =	vmul.bf16 v35, v39;
	v3 =	vsel vm6, v3, v5;
	v5 =	vunpack.i.l.bf16.f32 v13  }
0x8f: {  	v2 =	vunpack.i.l.bf16.f32 v10;
	v6 =	vadd.f32 v6, v9;
	v5 =	vadd.f32 $0.0e+00, v5  }
0x90: {  	v51 =	vld [tilespmem:s5+$0xE0];
	v14 =	vunpack.i.u.bf16.f32 v13;
	v48 =	vunpack.i.l.bf16.f32 v4;
	v2 =	vadd.f32 $0.0e+00, v2  }
0x91: {  	s24 =	sshll.u32 s14, $0x1;
	v50 =	vld [tilespmem:s5+$0xD0];
	v10 =	vunpack.i.u.bf16.f32 v10;
	v7 =	vadd.f32 v48, v7;
	(xrf2) =	vadd.scan.msk.f32 $0xffff, v6;
	v5 =	vadd.f32 v5, v14  }
0x92: {  	p2 =	slt.u32 s24, s6;
	v4 =	vunpack.i.u.bf16.f32 v4;
	v2 =	vadd.f32 v2, v10;
	v6 =	vld [tilespmem:s19+$0xE0];
	v8 =	vmul.bf16 v42, v8  }
0x93: {  	vm0 =	vmneg @p2 vm0;
	v4 =	vadd.f32 v7, v4;
	v7 =	vld [tilespmem:s19+$0xD0];
	v5 =	vadd.f32 v52, v5  }
0x94: {  	v58 =	vld [tilespmem:s19+$0xF0];
	v57 =	vunpack.i.l.bf16.f32 v54;
	v12 =	vunpack.i.u.bf16.f32 v12;
	v55 =	vunpack.i.l.bf16.f32 v8  }
0x95: {  	v11 =	vunpack.i.u.bf16.f32 v54;
	v53, _, _ =	vpop (xrf2);
	(xrf2) =	vadd.scan.msk.f32 $0xffff, v4;
	v4 =	vadd.f32 v5, v12;
	v2 =	vadd.f32 v55, v2;
	v5 =	vld [tilespmem:s5+$0xF0]  }
0x96: {  	v13 =	vadd.f32 $0.0e+00, v57;
	v10 =	vbroadcast v53, $0xF;
	v56, _, _ =	vpop (xrf2);
	v8 =	vunpack.i.u.bf16.f32 v8  }
0x97: {  	v12 =	vbroadcast v56, $0xF;
	v6 =	vmul.bf16 v51, v6;
	v61, _, _ =	vpop (xrf2);
	v2 =	vadd.f32 v2, v8  }
0x98: {  	v3 =	vsel vm7, v3, v10;
	v7 =	vmul.bf16 v50, v7;
	v62 =	vbroadcast v61, $0xF  }
0x99: {  	v8 =	vadd.f32 v13, v11;
	v3 =	vsel vm8, v3, v12;
	v59 =	vunpack.i.l.bf16.f32 v6;
	(xrf2) =	vadd.scan.msk.f32 $0xffff, v2  }
0x9a: {  	v60 =	vunpack.i.l.bf16.f32 v7;
	v9 =	vadd.f32 $0.0e+00, v59;
	v63 =	vmul.bf16 v5, v58  }
0x9b: {  	p2 =	slt.s32 s18, $0x2780;
	s4 =	smov.u32 s18;
	v6 =	vunpack.i.u.bf16.f32 v6;
	v7 =	vunpack.i.u.bf16.f32 v7;
	v8 =	vadd.f32 v60, v8;
	v5, _, _ =	vpop (xrf2)  }
0x9c: {  	s12 =	smov.u32 s23;
	s4 =	simm.s32 @!p2 $0x2780;
	p2 =	slt.s32 s23, $0x2780;
	v6 =	vadd.f32 v9, v6;
	(xrf2) =	vadd.scan.msk.f32 $0xffff, v4;
	v5 =	vbroadcast v5, $0xF;
	v4 =	vunpack.i.l.bf16.f32 v63  }
0x9d: {  	s12 =	simm.s32 @!p2 $0x2780;
	s4 =	sshll.u32 s4, $0x2;
	v3 =	vsel vm9, v3, v62;
	v7 =	vadd.f32 v8, v7  }
0x9e: {  	s20 =	sshll.u32 s14, $0x8;
	s12 =	sshll.u32 s12, $0x2;
	s4 =	sshra.s32 s4, $0x2;
	v3 =	vsel vm10, v3, v5;
	v5 =	vadd.f32 v4, v6  }
0x9f: {  	s24 =	simm.s32 $0x0;
	s12 =	sshra.s32 s12, $0x2;
	v1 =	vmov s15;
	v2 =	vmov s4;
	s4 =	simm.s32 $0x40;
	v6 =	vunpack.i.u.bf16.f32 v63;
	(xrf2) =	vadd.scan.msk.f32 $0xffff, v7;
	v4, _, _ =	vpop (xrf2)  }
.LBB2_5:
0xa0: {  	p2 =	sne.s32 s4, $0x1C0;
	v6 =	vadd.f32 v5, v6;
	s5 =	sadd.s32 $0x200, s5;
	s19 =	sadd.s32 $0x200, s19  }
0xa1: {  	s21 =	smov.u32 s4;
	s4 =	sadd.s32 $0x40, s4  }
0xa2: {  	(xrf2) =	vadd.scan.msk.f32 $0xffff, v6  }
0xa3: {  	v6 =	vbroadcast v4, $0xF;
	v5, _, _ =	vpop (xrf2);
	_ =	sdelay $0x1  }
0xa4: {  	v3 =	vsel vm11, v3, v6  }
0xa5: {  	v4, _, _ =	vpop (xrf2);
	_ =	sdelay $0x1  }
0xa6: {  	v4 =	vbroadcast v4, $0xF  }
0xa7: {  	v5 =	vbroadcast v5, $0xF;
	v6, _, _ =	vpop (xrf2)  }
0xa8: {  	v3 =	vsel vm12, v3, v4;
	v6 =	vbroadcast v6, $0xF  }
0xa9: {  	v3 =	vsel vm13, v3, v5  }
0xaa: {  	v3 =	vsel vm14, v3, v6;
	v4, _, _ =	vpop (xrf2)  }
0xab: {  	v3 =	vsel vm15, v3, v4  }
0xac: {  	v3 =	vmul.f32 $1.442695020e+00, v3;
	_ =	sdelay $0x1  }
0xad: {  	(erf) = vpow2.f32 v3;
	_ =	sdelay $0x8  }
0xae: {  	s9 =	sshra.s32 s24, $0x2;
	s24 =	smov.u32 s21;
	v3 =	vpop (erf)  }
0xaf: {  	[tilespmem:v1+s9+$0x0 ss:$0x1] =	vst.idx.msk $0xffff, v3  }
0xb0: {  	v4 =	vld.idx.msk [tilespmem:v2+s9+$0x0 ss:$0x1], $0xffff;
	_ =	sdelay $0x7  }
0xb1: {  	[tilespmem:v4+s29+$0x0] =	vst.idx.add.f32.msk vm0, v3  }
0xb2: {  	v3 =	vld [tilespmem:s5+$0x20]  }
0xb3: {  	v4 =	vld [tilespmem:s5+$0x0]  }
0xb4: {  	v5 =	vld [tilespmem:s5+$0xFFFFFFB0]  }
0xb5: {  	v6 =	vld [tilespmem:s5+$0xFFFFFF70]  }
0xb6: {  	v7 =	vld [tilespmem:s19+$0xFFFFFF70]  }
0xb7: {  	v8 =	vld [tilespmem:s5+$0xFFFFFF60]  }
0xb8: {  	v9 =	vld [tilespmem:s19+$0xFFFFFF60]  }
0xb9: {  	v10 =	vld [tilespmem:s5+$0xFFFFFF30]  }
0xba: {  	v11 =	vld [tilespmem:s19+$0xFFFFFF20]  }
0xbb: {  	v12 =	vld [tilespmem:s5+$0xFFFFFF40];
	v6 =	vmul.bf16 v6, v7  }
0xbc: {  	v7 =	vld [tilespmem:s5+$0xFFFFFF20]  }
0xbd: {  	v13 =	vld [tilespmem:s19+$0xFFFFFF00];
	v8 =	vmul.bf16 v8, v9  }
0xbe: {  	v9 =	vld [tilespmem:s5+$0xFFFFFF00]  }
0xbf: {  	v14 =	vld [tilespmem:s19+$0xFFFFFF40];
	v15 =	vunpack.i.l.bf16.f32 v8  }
0xc0: {  	v16 =	vld [tilespmem:s19+$0xFFFFFF30];
	v15 =	vadd.f32 $0.0e+00, v15  }
0xc1: {  	v8 =	vunpack.i.u.bf16.f32 v8;
	v7 =	vmul.bf16 v7, v11;
	v11 =	vld [tilespmem:s5+$0xFFFFFF50]  }
0xc2: {  	v17 =	vld [tilespmem:s19+$0xFFFFFF10];
	v8 =	vadd.f32 v15, v8;
	v15 =	vunpack.i.u.bf16.f32 v6  }
0xc3: {  	v6 =	vunpack.i.l.bf16.f32 v6;
	v9 =	vmul.bf16 v9, v13;
	v13 =	vunpack.i.l.bf16.f32 v7;
	v18 =	vld [tilespmem:s19+$0xFFFFFF50]  }
0xc4: {  	v19 =	vld [tilespmem:s5+$0xFFFFFF10];
	v13 =	vadd.f32 $0.0e+00, v13;
	v12 =	vmul.bf16 v12, v14;
	v6 =	vadd.f32 v6, v8  }
0xc5: {  	v7 =	vunpack.i.u.bf16.f32 v7;
	v8 =	vunpack.i.l.bf16.f32 v9;
	v10 =	vmul.bf16 v10, v16;
	v14 =	vld [tilespmem:s5+$0xFFFFFF80]  }
0xc6: {  	v8 =	vadd.f32 $0.0e+00, v8;
	v7 =	vadd.f32 v13, v7;
	v13 =	vunpack.i.l.bf16.f32 v12;
	v16 =	vld [tilespmem:s19+$0xFFFFFF80]  }
0xc7: {  	v9 =	vunpack.i.u.bf16.f32 v9;
	v20 =	vunpack.i.l.bf16.f32 v10;
	v13 =	vadd.f32 $0.0e+00, v13;
	v21 =	vld [tilespmem:s5+$0xFFFFFFA0]  }
0xc8: {  	v8 =	vadd.f32 v8, v9;
	v9 =	vunpack.i.u.bf16.f32 v12;
	v11 =	vmul.bf16 v11, v18;
	v12 =	vld [tilespmem:s19+$0xFFFFFFA0]  }
0xc9: {  	v10 =	vunpack.i.u.bf16.f32 v10;
	v17 =	vmul.bf16 v19, v17;
	v9 =	vadd.f32 v13, v9;
	v13 =	vld [tilespmem:s5+$0xFFFFFF90]  }
0xca: {  	v6 =	vadd.f32 v6, v15;
	v7 =	vadd.f32 v20, v7;
	v18 =	vunpack.i.l.bf16.f32 v11;
	v15 =	vld [tilespmem:s19+$0xFFFFFF90]  }
0xcb: {  	v19 =	vunpack.i.l.bf16.f32 v17;
	v9 =	vadd.f32 v18, v9;
	v14 =	vmul.bf16 v14, v16;
	v16 =	vld [tilespmem:s5+$0xFFFFFFC0]  }
0xcc: {  	v7 =	vadd.f32 v7, v10;
	v10 =	vunpack.i.u.bf16.f32 v11;
	v8 =	vadd.f32 v19, v8;
	v11 =	vld [tilespmem:s19+$0xFFFFFFC0];
	(xrf2) =	vadd.scan.msk.f32 $0xffff, v6  }
0xcd: {  	v6 =	vunpack.i.u.bf16.f32 v17;
	v9 =	vadd.f32 v9, v10;
	v10 =	vunpack.i.l.bf16.f32 v14;
	v17 =	vld [tilespmem:s19+$0xFFFFFFB0]  }
0xce: {  	v6 =	vadd.f32 v8, v6;
	v8 =	vadd.f32 $0.0e+00, v10;
	v10 =	vmul.bf16 v21, v12;
	v12 =	vld [tilespmem:s5+$0xFFFFFFD0]  }
0xcf: {  	v14 =	vunpack.i.u.bf16.f32 v14;
	v13 =	vmul.bf16 v13, v15;
	v15 =	vld [tilespmem:s19+$0xFFFFFFE0];
	(xrf2) =	vadd.scan.msk.f32 $0xffff, v7  }
0xd0: {  	v7 =	vadd.f32 v8, v14;
	v8 =	vunpack.i.l.bf16.f32 v10;
	v14 =	vld [tilespmem:s19+$0xFFFFFFD0]  }
0xd1: {  	v18 =	vunpack.i.l.bf16.f32 v13;
	v8 =	vadd.f32 $0.0e+00, v8;
	v11 =	vmul.bf16 v16, v11;
	v16 =	vld [tilespmem:s5+$0xFFFFFFE0]  }
0xd2: {  	v10 =	vunpack.i.u.bf16.f32 v10;
	v7 =	vadd.f32 v18, v7;
	v5 =	vmul.bf16 v5, v17;
	v17 =	vld [tilespmem:s19+$0x0];
	(xrf2) =	vadd.scan.msk.f32 $0xffff, v6  }
0xd3: {  	v6 =	vunpack.i.u.bf16.f32 v13;
	v8 =	vadd.f32 v8, v10;
	v10 =	vunpack.i.l.bf16.f32 v11;
	v13 =	vld [tilespmem:s19+$0x20]  }
0xd4: {  	v6 =	vadd.f32 v7, v6;
	v7 =	vunpack.i.l.bf16.f32 v5;
	v10 =	vadd.f32 $0.0e+00, v10;
	v18 =	vld [tilespmem:s5+$0xFFFFFFF0]  }
0xd5: {  	v7 =	vadd.f32 v7, v8;
	v8 =	vunpack.i.u.bf16.f32 v11;
	v11 =	vmul.bf16 v12, v14;
	v12 =	vld [tilespmem:s19+$0xFFFFFFF0];
	(xrf2) =	vadd.scan.msk.f32 $0xffff, v9  }
0xd6: {  	v5 =	vunpack.i.u.bf16.f32 v5;
	v8 =	vadd.f32 v10, v8;
	v9 =	vmul.bf16 v16, v15;
	v10 =	vld [tilespmem:s19+$0x10];
	v14, _, _ =	vpop (xrf2)  }
0xd7: {  	v5 =	vadd.f32 v7, v5;
	v7 =	vunpack.i.l.bf16.f32 v11;
	v4 =	vmul.bf16 v4, v17;
	v15 =	vld [tilespmem:s5+$0x10]  }
0xd8: {  	v7 =	vadd.f32 v7, v8;
	v8 =	vunpack.i.l.bf16.f32 v9;
	v3 =	vmul.bf16 v3, v13;
	v13 =	vld [tilespmem:s5+$0x30];
	(xrf2) =	vadd.scan.msk.f32 $0xffff, v6  }
0xd9: {  	v6 =	vunpack.i.u.bf16.f32 v11;
	v8 =	vadd.f32 $0.0e+00, v8;
	v11 =	vunpack.i.l.bf16.f32 v4;
	v16 =	vld [tilespmem:s19+$0x30];
	v17, _, _ =	vpop (xrf2)  }
0xda: {  	v6 =	vadd.f32 v7, v6;
	v7 =	vunpack.i.u.bf16.f32 v9;
	v9 =	vunpack.i.u.bf16.f32 v3  }
0xdb: {  	v4 =	vunpack.i.u.bf16.f32 v4;
	v7 =	vadd.f32 v8, v7;
	v8 =	vadd.f32 $0.0e+00, v11;
	v11 =	vld [tilespmem:s5+$0x40];
	(xrf2) =	vadd.scan.msk.f32 $0xffff, v5  }
0xdc: {  	v3 =	vunpack.i.l.bf16.f32 v3;
	v5 =	vmul.bf16 v18, v12;
	v10 =	vmul.bf16 v15, v10;
	v12 =	vld [tilespmem:s19+$0x40];
	v15, _, _ =	vpop (xrf2)  }
0xdd: {  	v17 =	vbroadcast v17, $0xF;
	v3 =	vadd.f32 $0.0e+00, v3;
	v4 =	vadd.f32 v8, v4;
	v8 =	vld [tilespmem:s5+$0xA0]  }
0xde: {  	v15 =	vbroadcast v15, $0xF;
	v18 =	vunpack.i.u.bf16.f32 v10;
	v13 =	vmul.bf16 v13, v16;
	v16 =	vld [tilespmem:s5+$0x50];
	(xrf2) =	vadd.scan.msk.f32 $0xffff, v6  }
0xdf: {  	v3 =	vadd.f32 v3, v9;
	v6 =	vunpack.i.l.bf16.f32 v5;
	v10 =	vunpack.i.l.bf16.f32 v10;
	v9 =	vld [tilespmem:s19+$0x50];
	v19, _, _ =	vpop (xrf2)  }
0xe0: {  	v14 =	vbroadcast v14, $0xF;
	v15 =	vsel vm1, v15, v17;
	v4 =	vadd.f32 v10, v4;
	v10 =	vld [tilespmem:s5+$0x60]  }
0xe1: {  	v5 =	vunpack.i.u.bf16.f32 v5;
	v6 =	vadd.f32 v6, v7;
	v7 =	vunpack.i.l.bf16.f32 v13;
	v17 =	vld [tilespmem:s19+$0x60]  }
0xe2: {  	v20 =	vbroadcast v19, $0xF;
	v3 =	vadd.f32 v7, v3;
	v7 =	vmul.bf16 v11, v12;
	v11 =	vld [tilespmem:s5+$0x70];
	v12, _, _ =	vpop (xrf2)  }
0xe3: {  	v5 =	vadd.f32 v6, v5;
	v4 =	vadd.f32 v4, v18;
	v6 =	vunpack.i.u.bf16.f32 v13;
	v13 =	vld [tilespmem:s5+$0x80]  }
0xe4: {  	v15 =	vsel vm2, v15, v20;
	v3 =	vadd.f32 v3, v6;
	v6 =	vunpack.i.l.bf16.f32 v7;
	v18 =	vld [tilespmem:s19+$0x80]  }
0xe5: {  	v14 =	vsel vm3, v15, v14;
	v12 =	vbroadcast v12, $0xF;
	v6 =	vadd.f32 $0.0e+00, v6;
	v15 =	vld [tilespmem:s19+$0x70];
	v19, _, _ =	vpop (xrf2)  }
0xe6: {  	v7 =	vunpack.i.u.bf16.f32 v7;
	v9 =	vmul.bf16 v16, v9;
	v10 =	vmul.bf16 v10, v17;
	v16 =	vld [tilespmem:s19+$0xA0]  }
0xe7: {  	v12 =	vsel vm4, v14, v12;
	v6 =	vadd.f32 v6, v7;
	(xrf2) =	vadd.scan.msk.f32 $0xffff, v5  }
0xe8: {  	v5 =	vbroadcast v19, $0xF;
	v7 =	vunpack.i.u.bf16.f32 v10;
	v10 =	vunpack.i.l.bf16.f32 v10;
	v14 =	vld [tilespmem:s5+$0xB0];
	v17, _, _ =	vpop (xrf2)  }
0xe9: {  	v19 =	vunpack.i.l.bf16.f32 v9;
	v10 =	vadd.f32 $0.0e+00, v10;
	v13 =	vmul.bf16 v13, v18;
	v18 =	vld [tilespmem:s19+$0x90]  }
0xea: {  	v5 =	vsel vm5, v12, v5;
	v12 =	vbroadcast v17, $0xF;
	v11 =	vmul.bf16 v11, v15;
	v15 =	vld [tilespmem:s5+$0x90];
	(xrf2) =	vadd.scan.msk.f32 $0xffff, v4  }
0xeb: {  	v4 =	vadd.f32 v19, v6;
	v6 =	vadd.f32 v10, v7;
	v7 =	vunpack.i.u.bf16.f32 v13;
	v10 =	vld [tilespmem:s19+$0xB0]  }
0xec: {  	v5 =	vsel vm6, v5, v12;
	v12 =	vunpack.i.l.bf16.f32 v13;
	v8 =	vmul.bf16 v8, v16  }
0xed: {  	v9 =	vunpack.i.u.bf16.f32 v9;
	v13 =	vunpack.i.l.bf16.f32 v11;
	v12 =	vadd.f32 $0.0e+00, v12;
	v16 =	vld [tilespmem:s5+$0xC0];
	(xrf2) =	vadd.scan.msk.f32 $0xffff, v3  }
0xee: {  	v3 =	vadd.f32 v4, v9;
	v4 =	vunpack.i.u.bf16.f32 v11;
	v9 =	vunpack.i.l.bf16.f32 v8;
	v11 =	vld [tilespmem:s19+$0xC0]  }
0xef: {  	v7 =	vadd.f32 v12, v7;
	v9 =	vadd.f32 $0.0e+00, v9;
	v12 =	vmul.bf16 v15, v18;
	v15 =	vld [tilespmem:s5+$0xD0]  }
0xf0: {  	v6 =	vadd.f32 v13, v6;
	v8 =	vunpack.i.u.bf16.f32 v8;
	v10 =	vmul.bf16 v14, v10;
	v13 =	vld [tilespmem:s5+$0xE0];
	(xrf2) =	vadd.scan.msk.f32 $0xffff, v3  }
0xf1: {  	v8 =	vadd.f32 v9, v8;
	v3 =	vunpack.i.l.bf16.f32 v12;
	v9 =	vld [tilespmem:s19+$0xE0];
	v14, _, _ =	vpop (xrf2)  }
0xf2: {  	v4 =	vadd.f32 v6, v4;
	v14 =	vbroadcast v14, $0xF;
	v3 =	vadd.f32 v3, v7;
	v6 =	vld [tilespmem:s19+$0xD0]  }
0xf3: {  	v7 =	vunpack.i.u.bf16.f32 v12;
	v17 =	vunpack.i.l.bf16.f32 v10;
	v11 =	vmul.bf16 v16, v11  }
0xf4: {  	v5 =	vsel vm7, v5, v14;
	v3 =	vadd.f32 v3, v7;
	v7 =	vadd.f32 v17, v8;
	v8 =	vld [tilespmem:s5+$0xF0];
	v12, _, _ =	vpop (xrf2);
	(xrf2) =	vadd.scan.msk.f32 $0xffff, v4  }
0xf5: {  	v10 =	vunpack.i.u.bf16.f32 v10;
	v4 =	vbroadcast v12, $0xF;
	v12 =	vunpack.i.l.bf16.f32 v11;
	v14 =	vld [tilespmem:s19+$0xF0]  }
0xf6: {  	v7 =	vadd.f32 v7, v10;
	v10 =	vadd.f32 $0.0e+00, v12;
	v9 =	vmul.bf16 v13, v9  }
0xf7: {  	v4 =	vsel vm8, v5, v4;
	v5 =	vunpack.i.u.bf16.f32 v11;
	v6 =	vmul.bf16 v15, v6;
	v11, _, _ =	vpop (xrf2)  }
0xf8: {  	v5 =	vadd.f32 v10, v5;
	v10 =	vunpack.i.l.bf16.f32 v9;
	(xrf2) =	vadd.scan.msk.f32 $0xffff, v7  }
0xf9: {  	v9 =	vunpack.i.u.bf16.f32 v9;
	v7 =	vunpack.i.l.bf16.f32 v6;
	v10 =	vadd.f32 $0.0e+00, v10  }
.Ltmp1:
0xfa: {  	v11 =	vbroadcast v11, $0xF;
	v5 =	vadd.f32 v7, v5;
	v7 =	vmul.bf16 v8, v14;
	v8, _, _ =	vpop (xrf2);
	(pc) =	sbr.rel @p2 .LBB2_5-.Ltmp1, $4  }
0xfb: {  	v6 =	vunpack.i.u.bf16.f32 v6;
	v8 =	vbroadcast v8, $0xF;
	v9 =	vadd.f32 v10, v9;
	(xrf2) =	vadd.scan.msk.f32 $0xffff, v3  }
0xfc: {  	v3 =	vsel vm9, v4, v11;
	v10 =	vadd.f32 v5, v6;
	v11 =	vunpack.i.l.bf16.f32 v7  }
0xfd: {  	v3 =	vsel vm10, v3, v8;
	v5 =	vadd.f32 v11, v9  }
0xfe: {  	v6 =	vunpack.i.u.bf16.f32 v7;
	v4, _, _ =	vpop (xrf2);
	(xrf2) =	vadd.scan.msk.f32 $0xffff, v10  }
0xff: {  	v5 =	vadd.f32 v5, v6;
	_ =	sdelay $0x1  }
0x100: {  	(xrf2) =	vadd.scan.msk.f32 $0xffff, v5;
	_ =	sdelay $0x3  }
0x101: {  	v4 =	vbroadcast v4, $0xF;
	v5, _, _ =	vpop (xrf2)  }
0x102: {  	v6, _, _ =	vpop (xrf2)  }
0x103: {  	v3 =	vsel vm11, v3, v4;
	v4 =	vbroadcast v5, $0xF;
	v6 =	vbroadcast v6, $0xF  }
0x104: {  	v5, _, _ =	vpop (xrf2)  }
0x105: {  	v3 =	vsel vm12, v3, v6;
	v5 =	vbroadcast v5, $0xF  }
0x106: {  	v3 =	vsel vm13, v3, v4  }
0x107: {  	v3 =	vsel vm14, v3, v5;
	v4, _, _ =	vpop (xrf2)  }
0x108: {  	v3 =	vsel vm15, v3, v4  }
0x109: {  	v3 =	vmul.f32 $1.442695020e+00, v3;
	_ =	sdelay $0x1  }
0x10a: {  	(erf) = vpow2.f32 v3;
	_ =	sdelay $0x8  }
0x10b: {  	s4 =	sshra.s32 s24, $0x2;
	v3 =	vpop (erf)  }
0x10c: {  	[tilespmem:v1+s4+$0x0 ss:$0x1] =	vst.idx.msk $0xffff, v3  }
0x10d: {  	v1 =	vld.idx.msk [tilespmem:v2+s4+$0x0 ss:$0x1], $0xffff;
	_ =	sdelay $0x3  }
0x10e: {  	p2 =	seq.s32 s14, $0x27  }
0x10f: {  	s4 =	sadd.s32 @!p2 s20, s13  }
0x110: {  	p3 =	slt.s32 @!p2 s4, $0x2780  }
0x111: {  	p3 =	por !p3, p2  }
0x112: {  	s5 =	simm.s32 @!p2 $0x80;
	s9 =	simm.s32 @!p2 $0x5000;
	s4 =	simm.s32 @p3 $0x2780;
	[tilespmem:v1+s29+$0x0] =	vst.idx.add.f32.msk vm0, v3  }
0x113: {  	[tilespmem:s9], [sflag:$0x1] =	stream.indirect.gather @!p2 [hbm4b:s2+s5], $0x20, s4, s5, $0xb8;
	[tilespmem:$0x15A90] =	vst v63  }
0x114: {  	s4 =	sadd.s32 @!p2 $0x2800, s4;
	s9 =	simm.s32 @!p2 $0x6000  }
0x115: {  	[tilespmem:s9], [sflag:$0x1] =	stream.indirect.gather @!p2 [hbm4b:s3+s5], $0x20, s4, s5, $0xb8;
	[tilespmem:$0x15A90] =	vst v63  }
0x116: {  	_ =	swait.ge [sflag:s30], $0x1000  }
0x117: {  	[sflag:s30] =	ssyncset.done $0x0  }
0x118: {  	[sflag:s30] =	ssyncadd.s32 $0xFFFFF000  }
0x119: {  	_ =	swait.ge [sflag:s30], $0x1000  }
0x11a: {  	[sflag:s30] =	ssyncset.done $0x0  }
0x11b: {  	s5 =	simm.s32 $0x8100;
	[sflag:s30] =	ssyncadd.s32 $0xFFFFF000  }
0x11c: {  	v2 =	vld [tilespmem:s5+$0x20]  }
0x11d: {  	s19 =	simm.s32 $0x7100;
	v3 =	vld [tilespmem:s5+$0xFFFFFF70]  }
0x11e: {  	v4 =	vld [tilespmem:s19+$0xFFFFFF70]  }
0x11f: {  	v5 =	vld [tilespmem:s5+$0xFFFFFF60]  }
0x120: {  	v6 =	vld [tilespmem:s19+$0xFFFFFF60]  }
0x121: {  	v7 =	vld [tilespmem:s5+$0xFFFFFF30]  }
0x122: {  	v8 =	vld [tilespmem:s19+$0xFFFFFF20]  }
0x123: {  	v9 =	vld [tilespmem:s5+$0xFFFFFF40]  }
0x124: {  	v10 =	vld [tilespmem:s5+$0xFFFFFF20]  }
0x125: {  	v12 =	vld [tilespmem:s19+$0xFFFFFF40]  }
0x126: {  	v14 =	vld [tilespmem:s19+$0xFFFFFF30]  }
0x127: {  	v44 =	vld [tilespmem:s5+$0xFFFFFF50]  }
0x128: {  	v45 =	vld [tilespmem:s19+$0xFFFFFF10]  }
0x129: {  	v15 =	vld [tilespmem:s19+$0xFFFFFF50]  }
0x12a: {  	v16 =	vld [tilespmem:s5+$0xFFFFFF10]  }
0x12b: {  	v17 =	vld [tilespmem:s5+$0xFFFFFFA0]  }
0x12c: {  	v19 =	vld [tilespmem:s19+$0xFFFFFFA0]  }
0x12d: {  	v53 =	vld [tilespmem:s5+$0xFFFFFFC0]  }
0x12e: {  	v54 =	vld [tilespmem:s19+$0xFFFFFFC0]  }
0x12f: {  	v61 =	vld [tilespmem:s19+$0x20];
	v5 =	vmul.bf16 v5, v6  }
0x130: {  	v11 =	vld [tilespmem:s19+$0xFFFFFF00];
	v3 =	vmul.bf16 v3, v4;
	v8 =	vmul.bf16 v10, v8  }
0x131: {  	v6 =	vld [tilespmem:s5+$0xFFFFFF00];
	v9 =	vmul.bf16 v9, v12;
	v7 =	vmul.bf16 v7, v14  }
0x132: {  	v1 =	vld [tilespmem:s5+$0xFFFFFFB0];
	v50 =	vmul.bf16 v44, v15;
	v10 =	vmul.bf16 v16, v45;
	v13 =	vunpack.i.l.bf16.f32 v5  }
0x133: {  	v48 =	vld [tilespmem:s19+$0xFFFFFF80];
	v55 =	vmul.bf16 v17, v19;
	v14 =	vmul.bf16 v53, v54;
	v4 =	vadd.f32 $0.0e+00, v13  }
0x134: {  	v57 =	vld [tilespmem:s19+$0xFFFFFFE0];
	v2 =	vmul.bf16 v2, v61;
	v5 =	vunpack.i.u.bf16.f32 v5;
	v46 =	vunpack.i.l.bf16.f32 v8  }
0x135: {  	v59 =	vld [tilespmem:s5+$0xFFFFFFE0];
	v8 =	vunpack.i.u.bf16.f32 v8;
	v4 =	vadd.f32 v4, v5;
	v5 =	vunpack.i.u.bf16.f32 v3  }
0x136: {  	v51 =	vld [tilespmem:s5+$0xFFFFFF90];
	v6 =	vmul.bf16 v6, v11;
	v3 =	vunpack.i.l.bf16.f32 v3;
	v11 =	vadd.f32 $0.0e+00, v46  }
0x137: {  	v52 =	vld [tilespmem:s19+$0xFFFFFF90];
	v49 =	vunpack.i.l.bf16.f32 v9;
	v18 =	vunpack.i.l.bf16.f32 v7;
	v3 =	vadd.f32 v3, v4  }
0x138: {  	v9 =	vunpack.i.u.bf16.f32 v9;
	v4 =	vld [tilespmem:s5+$0xFFFFFF80];
	v8 =	vadd.f32 v11, v8;
	v11 =	vadd.f32 $0.0e+00, v49  }
0x139: {  	v56 =	vld [tilespmem:s5+$0xFFFFFFD0];
	v7 =	vunpack.i.u.bf16.f32 v7;
	v15 =	vunpack.i.l.bf16.f32 v50;
	v47 =	vunpack.i.l.bf16.f32 v6  }
0x13a: {  	v58 =	vld [tilespmem:s19+$0xFFFFFFD0];
	v13 =	vmul.bf16 v59, v57;
	v12 =	vadd.f32 $0.0e+00, v47;
	v9 =	vadd.f32 v11, v9  }
0x13b: {  	v6 =	vunpack.i.u.bf16.f32 v6;
	v49 =	vld [tilespmem:s19+$0xC0];
	v8 =	vadd.f32 v18, v8;
	v3 =	vadd.f32 v3, v5  }
0x13c: {  	v47 =	vld [tilespmem:s5+$0xC0];
	v5 =	vunpack.i.l.bf16.f32 v10;
	v10 =	vunpack.i.u.bf16.f32 v10;
	v6 =	vadd.f32 v12, v6  }
0x13d: {  	v60 =	vld [tilespmem:s5+$0x0];
	v11 =	vmul.bf16 v51, v52;
	v9 =	vadd.f32 v15, v9;
	v4 =	vmul.bf16 v4, v48  }
0x13e: {  	v12 =	vunpack.i.u.bf16.f32 v50;
	(xrf2) =	vadd.scan.msk.f32 $0xffff, v3;
	v5 =	vadd.f32 v5, v6;
	v6 =	vadd.f32 v8, v7;
	v8 =	vld [tilespmem:s19+$0xFFFFFFB0]  }
0x13f: {  	v62 =	vld [tilespmem:s5+$0xFFFFFFF0];
	v3 =	vunpack.i.l.bf16.f32 v11;
	v15 =	vunpack.i.l.bf16.f32 v13;
	v7 =	vunpack.i.l.bf16.f32 v4  }
0x140: {  	v63 =	vld [tilespmem:s19+$0xFFFFFFF0];
	v13 =	vunpack.i.u.bf16.f32 v13;
	v5 =	vadd.f32 v5, v10;
	(xrf2) =	vadd.scan.msk.f32 $0xffff, v6;
	v7 =	vadd.f32 $0.0e+00, v7  }
0x141: {  	v21 =	vld [tilespmem:s5+$0x10];
	v22 =	vadd.f32 $0.0e+00, v15;
	v54 =	vmul.bf16 v47, v49;
	v4 =	vunpack.i.u.bf16.f32 v4  }
0x142: {  	v24 =	vld [tilespmem:s19+$0x30];
	v6 =	vadd.f32 v9, v12;
	(xrf2) =	vadd.scan.msk.f32 $0xffff, v5;
	v4 =	vadd.f32 v7, v4;
	v7 =	vunpack.i.l.bf16.f32 v55  }
0x143: {  	v10 =	vmul.bf16 v56, v58;
	v1 =	vmul.bf16 v1, v8;
	v8 =	vld [tilespmem:s19+$0x0];
	v7 =	vadd.f32 $0.0e+00, v7  }
0x144: {  	v27 =	vld [tilespmem:s5+$0x40];
	v9 =	vadd.f32 v22, v13;
	v3 =	vadd.f32 v3, v4;
	v4 =	vunpack.i.u.bf16.f32 v55  }
0x145: {  	v29 =	vld [tilespmem:s5+$0xA0];
	v5 =	vunpack.i.u.bf16.f32 v11;
	v4 =	vadd.f32 v7, v4;
	v7 =	vunpack.i.l.bf16.f32 v14  }
0x146: {  	v30 =	vld [tilespmem:s5+$0x50];
	(xrf2) =	vadd.scan.msk.f32 $0xffff, v6;
	v3 =	vadd.f32 v3, v5;
	v5 =	vunpack.i.l.bf16.f32 v1;
	v7 =	vadd.f32 $0.0e+00, v7  }
0x147: {  	v11 =	vmul.bf16 v62, v63;
	v6 =	vld [tilespmem:s19+$0x10];
	v4 =	vadd.f32 v5, v4;
	v5 =	vunpack.i.u.bf16.f32 v14  }
0x148: {  	v31 =	vld [tilespmem:s5+$0x60];
	v20 =	vunpack.i.u.bf16.f32 v1;
	v25, _, _ =	vpop (xrf2);
	v8 =	vmul.bf16 v60, v8;
	v5 =	vadd.f32 v7, v5  }
0x149: {  	v33 =	vld [tilespmem:s19+$0x50];
	v16 =	vbroadcast v25, $0xF;
	v7 =	vunpack.i.l.bf16.f32 v10;
	(xrf2) =	vadd.scan.msk.f32 $0xffff, v3;
	v3 =	vunpack.i.u.bf16.f32 v10  }
0x14a: {  	v41 =	vld [tilespmem:s19+$0xA0];
	v4 =	vadd.f32 v4, v20;
	v23 =	vunpack.i.l.bf16.f32 v8;
	v26, _, _ =	vpop (xrf2);
	v5 =	vadd.f32 v7, v5  }
0x14b: {  	v8 =	vunpack.i.u.bf16.f32 v8;
	v7 =	vld [tilespmem:s5+$0x30];
	v10 =	vadd.f32 $0.0e+00, v23;
	v13 =	vbroadcast v26, $0xF  }
0x14c: {  	v45 =	vld [tilespmem:s19+$0x90];
	(xrf2) =	vadd.scan.msk.f32 $0xffff, v4;
	v4 =	vmul.bf16 v21, v6;
	v28, _, _ =	vpop (xrf2);
	v3 =	vadd.f32 v5, v3;
	v5 =	vunpack.i.u.bf16.f32 v2  }
0x14d: {  	v46 =	vld [tilespmem:s5+$0x90];
	v2 =	vunpack.i.l.bf16.f32 v2;
	v8 =	vadd.f32 v10, v8;
	v12 =	vbroadcast v28, $0xF  }
0x14e: {  	v6 =	vld [tilespmem:s19+$0x40];
	v2 =	vadd.f32 $0.0e+00, v2;
	v14 =	vunpack.i.u.bf16.f32 v4;
	v4 =	vunpack.i.l.bf16.f32 v4  }
0x14f: {  	v37 =	vld [tilespmem:s5+$0x80];
	v10 =	vmul.bf16 v29, v41;
	(xrf2) =	vadd.scan.msk.f32 $0xffff, v3;
	v3 =	vunpack.i.l.bf16.f32 v11;
	v4 =	vadd.f32 v4, v8  }
0x150: {  	v38 =	vld [tilespmem:s19+$0x80];
	v32, _, _ =	vpop (xrf2);
	v11 =	vunpack.i.u.bf16.f32 v11;
	v7 =	vmul.bf16 v7, v24;
	v2 =	vadd.f32 v2, v5  }
0x151: {  	v8 =	vld [tilespmem:s19+$0x60];
	v5 =	vsel vm1, v12, v13;
	v3 =	vadd.f32 v3, v9;
	v13 =	vbroadcast v32, $0xF  }
0x152: {  	v9 =	vmul.bf16 v30, v33;
	v12 =	vmul.bf16 v46, v45;
	v34 =	vunpack.i.l.bf16.f32 v7  }
0x153: {  	v6 =	vmul.bf16 v27, v6;
	v4 =	vadd.f32 v4, v14;
	v2 =	vadd.f32 v34, v2  }
0x154: {  	v3 =	vadd.f32 v3, v11;
	v7 =	vunpack.i.u.bf16.f32 v7;
	v5 =	vsel vm2, v5, v13  }
0x155: {  	v44 =	vunpack.i.l.bf16.f32 v9;
	v2 =	vadd.f32 v2, v7;
	v7 =	vunpack.i.l.bf16.f32 v6  }
0x156: {  	v35 =	vld [tilespmem:s5+$0x70];
	v13 =	vmul.bf16 v37, v38;
	v36, _, _ =	vpop (xrf2);
	v8 =	vmul.bf16 v31, v8;
	v7 =	vadd.f32 $0.0e+00, v7  }
0x157: {  	v39 =	vld [tilespmem:s19+$0x70];
	v5 =	vsel vm3, v5, v16;
	v11 =	vbroadcast v36, $0xF;
	v6 =	vunpack.i.u.bf16.f32 v6;
	v40, _, _ =	vpop (xrf2)  }
0x158: {  	(xrf2) =	vadd.scan.msk.f32 $0xffff, v3;
	v3 =	vbroadcast v40, $0xF;
	v6 =	vadd.f32 v7, v6;
	v7 =	vunpack.i.l.bf16.f32 v8  }
0x159: {  	v9 =	vunpack.i.u.bf16.f32 v9;
	v5 =	vsel vm4, v5, v11;
	v43, _, _ =	vpop (xrf2);
	v7 =	vadd.f32 $0.0e+00, v7  }
0x15a: {  	v42 =	vld [tilespmem:s5+$0xB0];
	(xrf2) =	vadd.scan.msk.f32 $0xffff, v4;
	v8 =	vunpack.i.u.bf16.f32 v8;
	v3 =	vsel vm5, v5, v3;
	v5 =	vbroadcast v43, $0xF  }
0x15b: {  	v52 =	vunpack.i.l.bf16.f32 v12;
	(xrf2) =	vadd.scan.msk.f32 $0xffff, v2;
	v6 =	vadd.f32 v44, v6;
	v7 =	vadd.f32 v7, v8;
	v8 =	vld [tilespmem:s19+$0xB0]  }
0x15c: {  	v4 =	vmul.bf16 v35, v39;
	v3 =	vsel vm6, v3, v5;
	v5 =	vunpack.i.l.bf16.f32 v13  }
0x15d: {  	v2 =	vunpack.i.l.bf16.f32 v10;
	v6 =	vadd.f32 v6, v9;
	v5 =	vadd.f32 $0.0e+00, v5  }
0x15e: {  	v51 =	vld [tilespmem:s5+$0xE0];
	v14 =	vunpack.i.u.bf16.f32 v13;
	v48 =	vunpack.i.l.bf16.f32 v4;
	v2 =	vadd.f32 $0.0e+00, v2  }
0x15f: {  	v50 =	vld [tilespmem:s5+$0xD0];
	v10 =	vunpack.i.u.bf16.f32 v10;
	v7 =	vadd.f32 v48, v7;
	(xrf2) =	vadd.scan.msk.f32 $0xffff, v6;
	v5 =	vadd.f32 v5, v14  }
0x160: {  	v4 =	vunpack.i.u.bf16.f32 v4;
	v2 =	vadd.f32 v2, v10;
	v6 =	vld [tilespmem:s19+$0xE0];
	v8 =	vmul.bf16 v42, v8  }
0x161: {  	v4 =	vadd.f32 v7, v4;
	v7 =	vld [tilespmem:s19+$0xD0];
	v5 =	vadd.f32 v52, v5  }
0x162: {  	v58 =	vld [tilespmem:s19+$0xF0];
	v57 =	vunpack.i.l.bf16.f32 v54;
	v12 =	vunpack.i.u.bf16.f32 v12;
	v55 =	vunpack.i.l.bf16.f32 v8  }
0x163: {  	v11 =	vunpack.i.u.bf16.f32 v54;
	v53, _, _ =	vpop (xrf2);
	(xrf2) =	vadd.scan.msk.f32 $0xffff, v4;
	v4 =	vadd.f32 v5, v12;
	v2 =	vadd.f32 v55, v2;
	v5 =	vld [tilespmem:s5+$0xF0]  }
0x164: {  	v13 =	vadd.f32 $0.0e+00, v57;
	v10 =	vbroadcast v53, $0xF;
	v56, _, _ =	vpop (xrf2);
	v8 =	vunpack.i.u.bf16.f32 v8  }
0x165: {  	v12 =	vbroadcast v56, $0xF;
	v6 =	vmul.bf16 v51, v6;
	v61, _, _ =	vpop (xrf2);
	v2 =	vadd.f32 v2, v8  }
0x166: {  	v3 =	vsel vm7, v3, v10;
	v7 =	vmul.bf16 v50, v7;
	v62 =	vbroadcast v61, $0xF  }
0x167: {  	v8 =	vadd.f32 v13, v11;
	v3 =	vsel vm8, v3, v12;
	v59 =	vunpack.i.l.bf16.f32 v6;
	(xrf2) =	vadd.scan.msk.f32 $0xffff, v2  }
0x168: {  	v60 =	vunpack.i.l.bf16.f32 v7;
	v9 =	vadd.f32 $0.0e+00, v59;
	v63 =	vmul.bf16 v5, v58  }
0x169: {  	v6 =	vunpack.i.u.bf16.f32 v6;
	v7 =	vunpack.i.u.bf16.f32 v7;
	v8 =	vadd.f32 v60, v8;
	v5, _, _ =	vpop (xrf2)  }
0x16a: {  	v6 =	vadd.f32 v9, v6;
	(xrf2) =	vadd.scan.msk.f32 $0xffff, v4;
	v5 =	vbroadcast v5, $0xF;
	v4 =	vunpack.i.l.bf16.f32 v63  }
0x16b: {  	vm0 =	vmxor vm0, vm0;
	p2 =	slt.u32 s22, s6;
	v3 =	vsel vm9, v3, v62;
	v7 =	vadd.f32 v8, v7  }
0x16c: {  	vm0 =	vmneg @p2 vm0;
	v3 =	vsel vm10, v3, v5;
	v5 =	vadd.f32 v4, v6  }
0x16d: {  	s4 =	simm.s32 $0x40;
	v1 =	vmov s17;
	v2 =	vmov s12;
	s12 =	simm.s32 $0x0;
	v6 =	vunpack.i.u.bf16.f32 v63;
	(xrf2) =	vadd.scan.msk.f32 $0xffff, v7;
	v4, _, _ =	vpop (xrf2)  }
.LBB2_7:
0x16e: {  	p2 =	sne.s32 s4, $0x1C0;
	v6 =	vadd.f32 v5, v6;
	s5 =	sadd.s32 $0x200, s5;
	s19 =	sadd.s32 $0x200, s19  }
0x16f: {  	s9 =	smov.u32 s4;
	s4 =	sadd.s32 $0x40, s4  }
0x170: {  	(xrf2) =	vadd.scan.msk.f32 $0xffff, v6  }
0x171: {  	v6 =	vbroadcast v4, $0xF;
	v5, _, _ =	vpop (xrf2);
	_ =	sdelay $0x1  }
0x172: {  	v3 =	vsel vm11, v3, v6  }
0x173: {  	v4, _, _ =	vpop (xrf2);
	_ =	sdelay $0x1  }
0x174: {  	v4 =	vbroadcast v4, $0xF  }
0x175: {  	v5 =	vbroadcast v5, $0xF;
	v6, _, _ =	vpop (xrf2)  }
0x176: {  	v3 =	vsel vm12, v3, v4;
	v6 =	vbroadcast v6, $0xF  }
0x177: {  	v3 =	vsel vm13, v3, v5  }
0x178: {  	v3 =	vsel vm14, v3, v6;
	v4, _, _ =	vpop (xrf2)  }
0x179: {  	v3 =	vsel vm15, v3, v4  }
0x17a: {  	v3 =	vmul.f32 $1.442695020e+00, v3;
	_ =	sdelay $0x1  }
0x17b: {  	(erf) = vpow2.f32 v3;
	_ =	sdelay $0x8  }
0x17c: {  	s20 =	sshra.s32 s12, $0x2;
	s12 =	smov.u32 s9;
	v3 =	vpop (erf)  }
0x17d: {  	[tilespmem:v1+s20+$0x0 ss:$0x1] =	vst.idx.msk $0xffff, v3  }
0x17e: {  	v4 =	vld.idx.msk [tilespmem:v2+s20+$0x0 ss:$0x1], $0xffff;
	_ =	sdelay $0x7  }
0x17f: {  	[tilespmem:v4+s29+$0x0] =	vst.idx.add.f32.msk vm0, v3  }
0x180: {  	v3 =	vld [tilespmem:s5+$0x20]  }
0x181: {  	v4 =	vld [tilespmem:s5+$0x0]  }
0x182: {  	v5 =	vld [tilespmem:s5+$0xFFFFFFB0]  }
0x183: {  	v6 =	vld [tilespmem:s5+$0xFFFFFF70]  }
0x184: {  	v7 =	vld [tilespmem:s19+$0xFFFFFF70]  }
0x185: {  	v8 =	vld [tilespmem:s5+$0xFFFFFF60]  }
0x186: {  	v9 =	vld [tilespmem:s19+$0xFFFFFF60]  }
0x187: {  	v10 =	vld [tilespmem:s5+$0xFFFFFF30]  }
0x188: {  	v11 =	vld [tilespmem:s19+$0xFFFFFF20]  }
0x189: {  	v12 =	vld [tilespmem:s5+$0xFFFFFF40];
	v6 =	vmul.bf16 v6, v7  }
0x18a: {  	v7 =	vld [tilespmem:s5+$0xFFFFFF20]  }
0x18b: {  	v13 =	vld [tilespmem:s19+$0xFFFFFF00];
	v8 =	vmul.bf16 v8, v9  }
0x18c: {  	v9 =	vld [tilespmem:s5+$0xFFFFFF00]  }
0x18d: {  	v14 =	vld [tilespmem:s19+$0xFFFFFF40];
	v15 =	vunpack.i.l.bf16.f32 v8  }
0x18e: {  	v16 =	vld [tilespmem:s19+$0xFFFFFF30];
	v15 =	vadd.f32 $0.0e+00, v15  }
0x18f: {  	v8 =	vunpack.i.u.bf16.f32 v8;
	v7 =	vmul.bf16 v7, v11;
	v11 =	vld [tilespmem:s5+$0xFFFFFF50]  }
0x190: {  	v17 =	vld [tilespmem:s19+$0xFFFFFF10];
	v8 =	vadd.f32 v15, v8;
	v15 =	vunpack.i.u.bf16.f32 v6  }
0x191: {  	v6 =	vunpack.i.l.bf16.f32 v6;
	v9 =	vmul.bf16 v9, v13;
	v13 =	vunpack.i.l.bf16.f32 v7;
	v18 =	vld [tilespmem:s19+$0xFFFFFF50]  }
0x192: {  	v19 =	vld [tilespmem:s5+$0xFFFFFF10];
	v13 =	vadd.f32 $0.0e+00, v13;
	v12 =	vmul.bf16 v12, v14;
	v6 =	vadd.f32 v6, v8  }
0x193: {  	v7 =	vunpack.i.u.bf16.f32 v7;
	v8 =	vunpack.i.l.bf16.f32 v9;
	v10 =	vmul.bf16 v10, v16;
	v14 =	vld [tilespmem:s5+$0xFFFFFF80]  }
0x194: {  	v8 =	vadd.f32 $0.0e+00, v8;
	v7 =	vadd.f32 v13, v7;
	v13 =	vunpack.i.l.bf16.f32 v12;
	v16 =	vld [tilespmem:s19+$0xFFFFFF80]  }
0x195: {  	v9 =	vunpack.i.u.bf16.f32 v9;
	v20 =	vunpack.i.l.bf16.f32 v10;
	v13 =	vadd.f32 $0.0e+00, v13;
	v21 =	vld [tilespmem:s5+$0xFFFFFFA0]  }
0x196: {  	v8 =	vadd.f32 v8, v9;
	v9 =	vunpack.i.u.bf16.f32 v12;
	v11 =	vmul.bf16 v11, v18;
	v12 =	vld [tilespmem:s19+$0xFFFFFFA0]  }
0x197: {  	v10 =	vunpack.i.u.bf16.f32 v10;
	v17 =	vmul.bf16 v19, v17;
	v9 =	vadd.f32 v13, v9;
	v13 =	vld [tilespmem:s5+$0xFFFFFF90]  }
0x198: {  	v6 =	vadd.f32 v6, v15;
	v7 =	vadd.f32 v20, v7;
	v18 =	vunpack.i.l.bf16.f32 v11;
	v15 =	vld [tilespmem:s19+$0xFFFFFF90]  }
0x199: {  	v19 =	vunpack.i.l.bf16.f32 v17;
	v9 =	vadd.f32 v18, v9;
	v14 =	vmul.bf16 v14, v16;
	v16 =	vld [tilespmem:s5+$0xFFFFFFC0]  }
0x19a: {  	v7 =	vadd.f32 v7, v10;
	v10 =	vunpack.i.u.bf16.f32 v11;
	v8 =	vadd.f32 v19, v8;
	v11 =	vld [tilespmem:s19+$0xFFFFFFC0];
	(xrf2) =	vadd.scan.msk.f32 $0xffff, v6  }
0x19b: {  	v6 =	vunpack.i.u.bf16.f32 v17;
	v9 =	vadd.f32 v9, v10;
	v10 =	vunpack.i.l.bf16.f32 v14;
	v17 =	vld [tilespmem:s19+$0xFFFFFFB0]  }
0x19c: {  	v6 =	vadd.f32 v8, v6;
	v8 =	vadd.f32 $0.0e+00, v10;
	v10 =	vmul.bf16 v21, v12;
	v12 =	vld [tilespmem:s5+$0xFFFFFFD0]  }
0x19d: {  	v14 =	vunpack.i.u.bf16.f32 v14;
	v13 =	vmul.bf16 v13, v15;
	v15 =	vld [tilespmem:s19+$0xFFFFFFE0];
	(xrf2) =	vadd.scan.msk.f32 $0xffff, v7  }
0x19e: {  	v7 =	vadd.f32 v8, v14;
	v8 =	vunpack.i.l.bf16.f32 v10;
	v14 =	vld [tilespmem:s19+$0xFFFFFFD0]  }
0x19f: {  	v18 =	vunpack.i.l.bf16.f32 v13;
	v8 =	vadd.f32 $0.0e+00, v8;
	v11 =	vmul.bf16 v16, v11;
	v16 =	vld [tilespmem:s5+$0xFFFFFFE0]  }
0x1a0: {  	v10 =	vunpack.i.u.bf16.f32 v10;
	v7 =	vadd.f32 v18, v7;
	v5 =	vmul.bf16 v5, v17;
	v17 =	vld [tilespmem:s19+$0x0];
	(xrf2) =	vadd.scan.msk.f32 $0xffff, v6  }
0x1a1: {  	v6 =	vunpack.i.u.bf16.f32 v13;
	v8 =	vadd.f32 v8, v10;
	v10 =	vunpack.i.l.bf16.f32 v11;
	v13 =	vld [tilespmem:s19+$0x20]  }
0x1a2: {  	v6 =	vadd.f32 v7, v6;
	v7 =	vunpack.i.l.bf16.f32 v5;
	v10 =	vadd.f32 $0.0e+00, v10;
	v18 =	vld [tilespmem:s5+$0xFFFFFFF0]  }
0x1a3: {  	v7 =	vadd.f32 v7, v8;
	v8 =	vunpack.i.u.bf16.f32 v11;
	v11 =	vmul.bf16 v12, v14;
	v12 =	vld [tilespmem:s19+$0xFFFFFFF0];
	(xrf2) =	vadd.scan.msk.f32 $0xffff, v9  }
0x1a4: {  	v5 =	vunpack.i.u.bf16.f32 v5;
	v8 =	vadd.f32 v10, v8;
	v9 =	vmul.bf16 v16, v15;
	v10 =	vld [tilespmem:s19+$0x10];
	v14, _, _ =	vpop (xrf2)  }
0x1a5: {  	v5 =	vadd.f32 v7, v5;
	v7 =	vunpack.i.l.bf16.f32 v11;
	v4 =	vmul.bf16 v4, v17;
	v15 =	vld [tilespmem:s5+$0x10]  }
0x1a6: {  	v7 =	vadd.f32 v7, v8;
	v8 =	vunpack.i.l.bf16.f32 v9;
	v3 =	vmul.bf16 v3, v13;
	v13 =	vld [tilespmem:s5+$0x30];
	(xrf2) =	vadd.scan.msk.f32 $0xffff, v6  }
0x1a7: {  	v6 =	vunpack.i.u.bf16.f32 v11;
	v8 =	vadd.f32 $0.0e+00, v8;
	v11 =	vunpack.i.l.bf16.f32 v4;
	v16 =	vld [tilespmem:s19+$0x30];
	v17, _, _ =	vpop (xrf2)  }
0x1a8: {  	v6 =	vadd.f32 v7, v6;
	v7 =	vunpack.i.u.bf16.f32 v9;
	v9 =	vunpack.i.u.bf16.f32 v3  }
0x1a9: {  	v4 =	vunpack.i.u.bf16.f32 v4;
	v7 =	vadd.f32 v8, v7;
	v8 =	vadd.f32 $0.0e+00, v11;
	v11 =	vld [tilespmem:s5+$0x40];
	(xrf2) =	vadd.scan.msk.f32 $0xffff, v5  }
0x1aa: {  	v3 =	vunpack.i.l.bf16.f32 v3;
	v5 =	vmul.bf16 v18, v12;
	v10 =	vmul.bf16 v15, v10;
	v12 =	vld [tilespmem:s19+$0x40];
	v15, _, _ =	vpop (xrf2)  }
0x1ab: {  	v17 =	vbroadcast v17, $0xF;
	v3 =	vadd.f32 $0.0e+00, v3;
	v4 =	vadd.f32 v8, v4;
	v8 =	vld [tilespmem:s5+$0xA0]  }
0x1ac: {  	v15 =	vbroadcast v15, $0xF;
	v18 =	vunpack.i.u.bf16.f32 v10;
	v13 =	vmul.bf16 v13, v16;
	v16 =	vld [tilespmem:s5+$0x50];
	(xrf2) =	vadd.scan.msk.f32 $0xffff, v6  }
0x1ad: {  	v3 =	vadd.f32 v3, v9;
	v6 =	vunpack.i.l.bf16.f32 v5;
	v10 =	vunpack.i.l.bf16.f32 v10;
	v9 =	vld [tilespmem:s19+$0x50];
	v19, _, _ =	vpop (xrf2)  }
0x1ae: {  	v14 =	vbroadcast v14, $0xF;
	v15 =	vsel vm1, v15, v17;
	v4 =	vadd.f32 v10, v4;
	v10 =	vld [tilespmem:s5+$0x60]  }
0x1af: {  	v5 =	vunpack.i.u.bf16.f32 v5;
	v6 =	vadd.f32 v6, v7;
	v7 =	vunpack.i.l.bf16.f32 v13;
	v17 =	vld [tilespmem:s19+$0x60]  }
0x1b0: {  	v20 =	vbroadcast v19, $0xF;
	v3 =	vadd.f32 v7, v3;
	v7 =	vmul.bf16 v11, v12;
	v11 =	vld [tilespmem:s5+$0x70];
	v12, _, _ =	vpop (xrf2)  }
0x1b1: {  	v5 =	vadd.f32 v6, v5;
	v4 =	vadd.f32 v4, v18;
	v6 =	vunpack.i.u.bf16.f32 v13;
	v13 =	vld [tilespmem:s5+$0x80]  }
0x1b2: {  	v15 =	vsel vm2, v15, v20;
	v3 =	vadd.f32 v3, v6;
	v6 =	vunpack.i.l.bf16.f32 v7;
	v18 =	vld [tilespmem:s19+$0x80]  }
0x1b3: {  	v14 =	vsel vm3, v15, v14;
	v12 =	vbroadcast v12, $0xF;
	v6 =	vadd.f32 $0.0e+00, v6;
	v15 =	vld [tilespmem:s19+$0x70];
	v19, _, _ =	vpop (xrf2)  }
0x1b4: {  	v7 =	vunpack.i.u.bf16.f32 v7;
	v9 =	vmul.bf16 v16, v9;
	v10 =	vmul.bf16 v10, v17;
	v16 =	vld [tilespmem:s19+$0xA0]  }
0x1b5: {  	v12 =	vsel vm4, v14, v12;
	v6 =	vadd.f32 v6, v7;
	(xrf2) =	vadd.scan.msk.f32 $0xffff, v5  }
0x1b6: {  	v5 =	vbroadcast v19, $0xF;
	v7 =	vunpack.i.u.bf16.f32 v10;
	v10 =	vunpack.i.l.bf16.f32 v10;
	v14 =	vld [tilespmem:s5+$0xB0];
	v17, _, _ =	vpop (xrf2)  }
0x1b7: {  	v19 =	vunpack.i.l.bf16.f32 v9;
	v10 =	vadd.f32 $0.0e+00, v10;
	v13 =	vmul.bf16 v13, v18;
	v18 =	vld [tilespmem:s19+$0x90]  }
0x1b8: {  	v5 =	vsel vm5, v12, v5;
	v12 =	vbroadcast v17, $0xF;
	v11 =	vmul.bf16 v11, v15;
	v15 =	vld [tilespmem:s5+$0x90];
	(xrf2) =	vadd.scan.msk.f32 $0xffff, v4  }
0x1b9: {  	v4 =	vadd.f32 v19, v6;
	v6 =	vadd.f32 v10, v7;
	v7 =	vunpack.i.u.bf16.f32 v13;
	v10 =	vld [tilespmem:s19+$0xB0]  }
0x1ba: {  	v5 =	vsel vm6, v5, v12;
	v12 =	vunpack.i.l.bf16.f32 v13;
	v8 =	vmul.bf16 v8, v16  }
0x1bb: {  	v9 =	vunpack.i.u.bf16.f32 v9;
	v13 =	vunpack.i.l.bf16.f32 v11;
	v12 =	vadd.f32 $0.0e+00, v12;
	v16 =	vld [tilespmem:s5+$0xC0];
	(xrf2) =	vadd.scan.msk.f32 $0xffff, v3  }
0x1bc: {  	v3 =	vadd.f32 v4, v9;
	v4 =	vunpack.i.u.bf16.f32 v11;
	v9 =	vunpack.i.l.bf16.f32 v8;
	v11 =	vld [tilespmem:s19+$0xC0]  }
0x1bd: {  	v7 =	vadd.f32 v12, v7;
	v9 =	vadd.f32 $0.0e+00, v9;
	v12 =	vmul.bf16 v15, v18;
	v15 =	vld [tilespmem:s5+$0xD0]  }
0x1be: {  	v6 =	vadd.f32 v13, v6;
	v8 =	vunpack.i.u.bf16.f32 v8;
	v10 =	vmul.bf16 v14, v10;
	v13 =	vld [tilespmem:s5+$0xE0];
	(xrf2) =	vadd.scan.msk.f32 $0xffff, v3  }
0x1bf: {  	v8 =	vadd.f32 v9, v8;
	v3 =	vunpack.i.l.bf16.f32 v12;
	v9 =	vld [tilespmem:s19+$0xE0];
	v14, _, _ =	vpop (xrf2)  }
0x1c0: {  	v4 =	vadd.f32 v6, v4;
	v14 =	vbroadcast v14, $0xF;
	v3 =	vadd.f32 v3, v7;
	v6 =	vld [tilespmem:s19+$0xD0]  }
0x1c1: {  	v7 =	vunpack.i.u.bf16.f32 v12;
	v17 =	vunpack.i.l.bf16.f32 v10;
	v11 =	vmul.bf16 v16, v11  }
0x1c2: {  	v5 =	vsel vm7, v5, v14;
	v3 =	vadd.f32 v3, v7;
	v7 =	vadd.f32 v17, v8;
	v8 =	vld [tilespmem:s5+$0xF0];
	v12, _, _ =	vpop (xrf2);
	(xrf2) =	vadd.scan.msk.f32 $0xffff, v4  }
0x1c3: {  	v10 =	vunpack.i.u.bf16.f32 v10;
	v4 =	vbroadcast v12, $0xF;
	v12 =	vunpack.i.l.bf16.f32 v11;
	v14 =	vld [tilespmem:s19+$0xF0]  }
0x1c4: {  	v7 =	vadd.f32 v7, v10;
	v10 =	vadd.f32 $0.0e+00, v12;
	v9 =	vmul.bf16 v13, v9  }
0x1c5: {  	v4 =	vsel vm8, v5, v4;
	v5 =	vunpack.i.u.bf16.f32 v11;
	v6 =	vmul.bf16 v15, v6;
	v11, _, _ =	vpop (xrf2)  }
0x1c6: {  	v5 =	vadd.f32 v10, v5;
	v10 =	vunpack.i.l.bf16.f32 v9;
	(xrf2) =	vadd.scan.msk.f32 $0xffff, v7  }
0x1c7: {  	v9 =	vunpack.i.u.bf16.f32 v9;
	v7 =	vunpack.i.l.bf16.f32 v6;
	v10 =	vadd.f32 $0.0e+00, v10  }
.Ltmp2:
0x1c8: {  	v11 =	vbroadcast v11, $0xF;
	v5 =	vadd.f32 v7, v5;
	v7 =	vmul.bf16 v8, v14;
	v8, _, _ =	vpop (xrf2);
	(pc) =	sbr.rel @p2 .LBB2_7-.Ltmp2, $4  }
0x1c9: {  	v6 =	vunpack.i.u.bf16.f32 v6;
	v8 =	vbroadcast v8, $0xF;
	v9 =	vadd.f32 v10, v9;
	(xrf2) =	vadd.scan.msk.f32 $0xffff, v3  }
0x1ca: {  	v3 =	vsel vm9, v4, v11;
	v10 =	vadd.f32 v5, v6;
	v11 =	vunpack.i.l.bf16.f32 v7  }
0x1cb: {  	v3 =	vsel vm10, v3, v8;
	v5 =	vadd.f32 v11, v9  }
0x1cc: {  	v6 =	vunpack.i.u.bf16.f32 v7;
	v4, _, _ =	vpop (xrf2);
	(xrf2) =	vadd.scan.msk.f32 $0xffff, v10  }
0x1cd: {  	v5 =	vadd.f32 v5, v6;
	_ =	sdelay $0x1  }
0x1ce: {  	(xrf2) =	vadd.scan.msk.f32 $0xffff, v5;
	_ =	sdelay $0x3  }
0x1cf: {  	v59, _, _ =	vpop (xrf2)  }
0x1d0: {  	v4 =	vbroadcast v4, $0xF;
	v60, _, _ =	vpop (xrf2)  }
0x1d1: {  	v6 =	vbroadcast v60, $0xF  }
0x1d2: {  	v3 =	vsel vm11, v3, v4;
	v61 =	vbroadcast v59, $0xF;
	v62, _, _ =	vpop (xrf2)  }
0x1d3: {  	v3 =	vsel vm12, v3, v6;
	v5 =	vbroadcast v62, $0xF  }
0x1d4: {  	v3 =	vsel vm13, v3, v61  }
0x1d5: {  	v3 =	vsel vm14, v3, v5;
	v63, _, _ =	vpop (xrf2)  }
0x1d6: {  	v3 =	vsel vm15, v3, v63  }
0x1d7: {  	v3 =	vmul.f32 $1.442695020e+00, v3;
	_ =	sdelay $0x1  }
0x1d8: {  	(erf) = vpow2.f32 v3;
	_ =	sdelay $0x8  }
0x1d9: {  	s4 =	sshra.s32 s12, $0x2;
	v3 =	vpop (erf)  }
0x1da: {  	[tilespmem:v1+s4+$0x0 ss:$0x1] =	vst.idx.msk $0xffff, v3  }
0x1db: {  	v1 =	vld.idx.msk [tilespmem:v2+s4+$0x0 ss:$0x1], $0xffff;
	_ =	sdelay $0x1  }
0x1dc: {  	s14 =	sadd.s32 $0x1, s14  }
0x1dd: {  	p2 =	sne.s32 s14, $0x28  }
.Ltmp3:
0x1de: {  	_ = 	snop;
	(pc) =	sbr.rel @p2 .LBB2_4-.Ltmp3, $3  }
0x1df: {  	_ =	sdelay $0x1  }
0x1e0: {  	s15 =	sadd.s32 $0x100, s15  }
0x1e1: {  	s18 =	sadd.s32 $0x100, s18;
	s17 =	sadd.s32 $0x100, s17;
	s23 =	sadd.s32 $0x100, s23;
	[tilespmem:v1+s29+$0x0] =	vst.idx.add.f32.msk vm0, v3  }
0x1e2: {  	s4 =	rddreg [dreg:$0xa]  }
0x1e3: {  	[spmem:s4] =	stream.linear.scatter [tilespmem:s29], [sflag:$0x3], $0x2800, $0x38;
	[tilespmem:$0x15A90] =	vst v63  }
0x1e4: {  	_ =	swait.ge [sflag:s10], $0x2800  }
0x1e5: {  	[sflag:s10] =	ssyncset.done $0x0  }
0x1e6: {  	[sflag:s10] =	ssyncadd.s32 $0xFFFFD800  }
0x1e7: {  	s15 =	simm.s32 $0x2800;
	[bflag:$0x0] =	sbarrier.arrive $0xFFFF  }
0x1e8: {  	s5 =	simm.s32 $0x280;
	s9 =	simm.s32 $0x10800;
	s24 =	rddreg [dreg:$0xb]  }
0x1e9: {  	[tilespmem:s9], [sflag:$0x3] =	stream.strided.gather [spmem:s24], $0x2800, s15, s5, $0x38;
	[tilespmem:$0x15A90] =	vst v63  }
0x1ea: {  	_ =	swait.ge [sflag:s10], $0x2800  }
0x1eb: {  	[sflag:s10] =	ssyncset.done $0x0  }
0x1ec: {  	s5 =	simm.s32 $0x0;
	[sflag:s10] =	ssyncadd.s32 $0xFFFFD800  }
0x1ed: {  	v1 =	vld [tilespmem:s5+$0x10800]  }
0x1ee: {  	v2 =	vld [tilespmem:s5+$0x10A80];
	_ =	sdelay $0x1  }
0x1ef: {  	v3 =	vld [tilespmem:s5+$0x10D00];
	_ =	sdelay $0x1  }
0x1f0: {  	v4 =	vld [tilespmem:s5+$0x10F80]  }
0x1f1: {  	v1 =	vadd.f32 v2, v1  }
0x1f2: {  	v2 =	vld [tilespmem:s5+$0x11200]  }
0x1f3: {  	v1 =	vadd.f32 v3, v1  }
0x1f4: {  	v3 =	vld [tilespmem:s5+$0x11480]  }
0x1f5: {  	v1 =	vadd.f32 v4, v1  }
0x1f6: {  	v4 =	vld [tilespmem:s5+$0x11700]  }
0x1f7: {  	v1 =	vadd.f32 v2, v1  }
0x1f8: {  	v2 =	vld [tilespmem:s5+$0x11980]  }
0x1f9: {  	s4 =	simm.s32 $0x10;
	v5 =	vld [tilespmem:s5+$0x11C00];
	v1 =	vadd.f32 v3, v1  }
0x1fa: {  	v6 =	vld [tilespmem:s4+$0x10800]  }
0x1fb: {  	v3 =	vld [tilespmem:s5+$0x11E80];
	v1 =	vadd.f32 v4, v1  }
0x1fc: {  	v4 =	vld [tilespmem:s4+$0x10A80]  }
0x1fd: {  	v7 =	vld [tilespmem:s4+$0x10D00];
	v1 =	vadd.f32 v2, v1  }
0x1fe: {  	v2 =	vld [tilespmem:s5+$0x12100]  }
0x1ff: {  	v8 =	vld [tilespmem:s4+$0x10F80];
	v1 =	vadd.f32 v5, v1  }
0x200: {  	v5 =	vld [tilespmem:s5+$0x12380]  }
0x201: {  	v4 =	vadd.f32 v4, v6;
	v6 =	vld [tilespmem:s4+$0x11200];
	v1 =	vadd.f32 v3, v1  }
0x202: {  	v3 =	vld [tilespmem:s5+$0x12600]  }
0x203: {  	v4 =	vadd.f32 v7, v4;
	v7 =	vld [tilespmem:s4+$0x11480];
	v1 =	vadd.f32 v2, v1  }
0x204: {  	v2 =	vld [tilespmem:s5+$0x12880]  }
0x205: {  	v9 =	vld [tilespmem:s4+$0x11700];
	v4 =	vadd.f32 v8, v4;
	v1 =	vadd.f32 v5, v1  }
0x206: {  	v8 =	vld [tilespmem:s5+$0x12B00]  }
0x207: {  	v5 =	vadd.f32 v6, v4;
	v4 =	vld [tilespmem:s4+$0x11980];
	v6 =	vadd.f32 v3, v1  }
0x208: {  	v3 =	vld [tilespmem:s5+$0x12D80]  }
0x209: {  	v1 =	vld [tilespmem:s4+$0x11E80];
	v7 =	vadd.f32 v7, v5;
	v10 =	vadd.f32 v2, v6  }
0x20a: {  	s12 =	simm.s32 $0x20;
	v5 =	vld [tilespmem:s4+$0x11C00]  }
0x20b: {  	s14 =	simm.s32 $0xC0;
	s17 =	simm.s32 $0xE000;
	v2 =	vld [tilespmem:s12+$0x10800];
	v6 =	vadd.f32 v9, v7;
	v7 =	vadd.f32 v8, v10  }
.LBB2_10:
0x20c: {  	p2 =	sne.s32 s14, $0x9C0;
	v8 =	vld [tilespmem:s12+$0x10A80]  }
0x20d: {  	v4 =	vadd.f32 v4, v6;
	v6 =	vld [tilespmem:s4+$0x12100];
	v3 =	vadd.f32 v3, v7  }
0x20e: {  	v7 =	vld [tilespmem:s12+$0x10D00]  }
0x20f: {  	v4 =	vadd.f32 v5, v4;
	v5 =	vld [tilespmem:s4+$0x12380];
	[tilespmem:s5+$0x13000] =	vst v3;
	s5 =	smov.u32 s4;
	s4 =	smov.u32 s12  }
0x210: {  	v3 =	vld [tilespmem:s4+$0x10F80]  }
0x211: {  	v2 =	vadd.f32 v8, v2;
	v1 =	vadd.f32 v1, v4;
	v4 =	vld [tilespmem:s5+$0x12600]  }
0x212: {  	v8 =	vld [tilespmem:s4+$0x11200]  }
0x213: {  	v2 =	vadd.f32 v7, v2;
	v1 =	vadd.f32 v6, v1;
	v6 =	vld [tilespmem:s5+$0x12880]  }
0x214: {  	v7 =	vld [tilespmem:s4+$0x11480]  }
0x215: {  	v2 =	vadd.f32 v3, v2;
	v1 =	vadd.f32 v5, v1;
	v9 =	vld [tilespmem:s5+$0x12B00]  }
0x216: {  	v10 =	vld [tilespmem:s4+$0x11700]  }
.Ltmp4:
0x217: {  	v2 =	vadd.f32 v8, v2;
	v5 =	vadd.f32 v4, v1;
	v3 =	vld [tilespmem:s5+$0x12D80];
	(pc) =	sbr.rel @p2 .LBB2_10-.Ltmp4, $4  }
0x218: {  	v4 =	vld [tilespmem:s4+$0x11980]  }
0x219: {  	v7 =	vadd.f32 v7, v2;
	v1 =	vld [tilespmem:s4+$0x11E80];
	v8 =	vadd.f32 v6, v5  }
0x21a: {  	s12 =	sshra.s32 s14, $0x2;
	v5 =	vld [tilespmem:s4+$0x11C00]  }
0x21b: {  	s14 =	sadd.s32 $0x40, s14;
	v2 =	vld [tilespmem:s12+$0x10800];
	v6 =	vadd.f32 v10, v7;
	v7 =	vadd.f32 v9, v8  }
0x21c: {  	v8 =	vld [tilespmem:s12+$0x10A80]  }
0x21d: {  	v9 =	vld [tilespmem:s4+$0x12100];
	v3 =	vadd.f32 v3, v7  }
0x21e: {  	v52 =	vld [tilespmem:s12+$0x10D00]  }
0x21f: {  	v10 =	vld [tilespmem:s4+$0x12380];
	v4 =	vadd.f32 v4, v6;
	[tilespmem:s5+$0x13000] =	vst v3  }
0x220: {  	v3 =	vld [tilespmem:s12+$0x10F80]  }
0x221: {  	v4 =	vadd.f32 v5, v4;
	v2 =	vadd.f32 v8, v2  }
0x222: {  	v53 =	vld [tilespmem:s12+$0x11200]  }
0x223: {  	v54 =	vld [tilespmem:s4+$0x12600];
	v1 =	vadd.f32 v1, v4;
	v2 =	vadd.f32 v52, v2  }
0x224: {  	v55 =	vld [tilespmem:s12+$0x11480]  }
0x225: {  	v56 =	vld [tilespmem:s4+$0x12880];
	v1 =	vadd.f32 v9, v1;
	v2 =	vadd.f32 v3, v2  }
0x226: {  	v3 =	vld [tilespmem:s12+$0x11700]  }
0x227: {  	v57 =	vld [tilespmem:s4+$0x12B00];
	v1 =	vadd.f32 v10, v1;
	v2 =	vadd.f32 v53, v2  }
0x228: {  	v58 =	vld [tilespmem:s12+$0x11980]  }
0x229: {  	v59 =	vld [tilespmem:s4+$0x12D80];
	v1 =	vadd.f32 v54, v1;
	v2 =	vadd.f32 v55, v2  }
0x22a: {  	v60 =	vld [tilespmem:s12+$0x11C00]  }
0x22b: {  	v1 =	vadd.f32 v56, v1;
	v2 =	vadd.f32 v3, v2  }
0x22c: {  	v3 =	vld [tilespmem:s12+$0x11E80]  }
0x22d: {  	v1 =	vadd.f32 v57, v1;
	v2 =	vadd.f32 v58, v2  }
0x22e: {  	v61 =	vld [tilespmem:s12+$0x12100]  }
0x22f: {  	v1 =	vadd.f32 v59, v1;
	v2 =	vadd.f32 v60, v2  }
0x230: {  	v62 =	vld [tilespmem:s12+$0x12380]  }
0x231: {  	[tilespmem:s4+$0x13000] =	vst v1;
	v1 =	vadd.f32 v3, v2  }
0x232: {  	v2 =	vld [tilespmem:s12+$0x12600]  }
0x233: {  	v1 =	vadd.f32 v61, v1  }
0x234: {  	v3 =	vld [tilespmem:s12+$0x12880]  }
0x235: {  	v1 =	vadd.f32 v62, v1  }
0x236: {  	v63 =	vld [tilespmem:s12+$0x12B00]  }
0x237: {  	v1 =	vadd.f32 v2, v1  }
0x238: {  	v2 =	vld [tilespmem:s12+$0x12D80]  }
0x239: {  	v1 =	vadd.f32 v3, v1;
	_ =	sdelay $0x1  }
0x23a: {  	v1 =	vadd.f32 v63, v1;
	_ =	sdelay $0x1  }
0x23b: {  	v1 =	vadd.f32 v2, v1;
	_ =	sdelay $0x1  }
0x23c: {  	s23 =	rddreg [dreg:$0x11];
	s24 =	simm.s32 $0x13000;
	[tilespmem:s12+$0x13000] =	vst v1  }
0x23d: {  	[hbm4b:s23+s1] =	stream.linear.scatter [tilespmem:s24], [sflag:$0x3], $0x280, $0x38;
	[tilespmem:$0x15A90] =	vst v63  }
0x23e: {  	_ =	swait.ge [sflag:s10], $0x280  }
0x23f: {  	[sflag:s10] =	ssyncset.done $0x0  }
0x240: {  	[sflag:s10] =	ssyncadd.s32 $0xFFFFFD80  }
0x241: {  	v1 =	vimm.f32 @!p0 $1.000000000e+00;
	[bflag:$0x0] =	sbarrier.arrive $0xFFFF  }
0x242: {  	s5 =	simm.s32 @!p0 $0x13280;
	s4 =	simm.s32 @!p0 $0x0;
	[tilespmem:$0x13280] =	vst @!p0 v1  }
0x243: {  	[hbm4b:s8+s4] =	stream.linear.scatter @!p0 [tilespmem:s5], [sflag:$0x3], $0x10, $0x38;
	[tilespmem:$0x15A90] =	vst v63  }
0x244: {  	s4 =	simm.s32 @!p0 $0x3  }
0x245: {  	_ =	swait.ge @!p0 [sflag:s4], $0x10  }
0x246: {  	[sflag:s4] =	ssyncset.done @!p0 $0x0  }
0x247: {  	[sflag:s4] =	ssyncadd.s32 @!p0 $0xFFFFFFF0  }
.LBB2_12:
0x248: {  	[tilespmem:s11], [sflag:$0x3] =	stream.linear.gather [hbm4b:s16+s1], $0x10, $0x38;
	[tilespmem:$0x15A90] =	vst v63  }
0x249: {  	_ =	swait.ge [sflag:s10], $0x10  }
0x24a: {  	[sflag:s10] =	ssyncset.done $0x0  }
0x24b: {  	[sflag:s10] =	ssyncadd.s32 $0xFFFFFFF0  }
0x24c: {  	v1 =	vld [tilespmem:$0x13280];
	_ =	sdelay $0x4  }
0x24d: {  	(xrf2) =	vadd.scan.msk.f32 $0xffff, v1;
	_ =	sdelay $0x9  }
0x24e: {  	v1, _, _ =	vpop (xrf2)  }
0x24f: {  	(v2sf) =	vpush v1, $0xF;
	_ =	sdelay $0xe  }
0x250: {  	s4 =	spop (v2sf)  }
0x251: {  	p2 =	slt.f32 s4, $1.550000000e+01  }
.Ltmp5:
0x252: {  	_ = 	snop;
	(pc) =	sbr.rel @p2 .LBB2_12-.Ltmp5, $1  }
0x253: {  	_ =	sdelay $0x3  }
0x254: {  	s4 =	simm.s32 $0x0;
	s5 =	rddreg [dreg:$0x4]  }
0x255: {  	[tilespmem:s29], [sflag:$0x1] =	stream.linear.gather [hbm4b:s5+s4], $0x2800, $0x38;
	[tilespmem:$0x15A90] =	vst v63  }
0x256: {  	s24 =	rddreg [dreg:$0x5]  }
0x257: {  	[tilespmem:s17], [sflag:$0x2] =	stream.linear.gather [hbm4b:s24+s4], $0x2800, $0x38;
	[tilespmem:$0x15A90] =	vst v63  }
0x258: {  	_ =	swait.ge [sflag:s26], $0x2800  }
0x259: {  	[sflag:s26] =	ssyncset.done $0x0  }
0x25a: {  	[sflag:s26] =	ssyncadd.s32 $0xFFFFD800  }
0x25b: {  	_ =	swait.ge [sflag:s30], $0x2800  }
0x25c: {  	[sflag:s30] =	ssyncset.done $0x0  }
0x25d: {  	s4 =	simm.s32 $0x0;
	[sflag:s30] =	ssyncadd.s32 $0xFFFFD800  }
0x25e: {  	v2 =	vld [tilespmem:s4+$0xE000]  }
0x25f: {  	v3 =	vld [tilespmem:s4+$0xE010]  }
0x260: {  	v4 =	vld [tilespmem:s4+$0xE020]  }
0x261: {  	v1 =	vld [tilespmem:s4+$0xE030]  }
0x262: {  	v5 =	vld [tilespmem:s4+$0xB800]  }
0x263: {  	v6 =	vld [tilespmem:s4+$0xB810]  }
0x264: {  	s5 =	simm.s32 $0x100;
	v7 =	vld [tilespmem:s4+$0xB820]  }
.LBB2_14:
0x265: {  	p2 =	sne.s32 s5, $0x9F00;
	v8 =	vld [tilespmem:s4+$0xB830];
	_ =	sdelay $0x1  }
0x266: {  	v2 =	vadd.f32 v2, v5  }
0x267: {  	v3 =	vadd.f32 v3, v6  }
0x268: {  	v4 =	vadd.f32 v4, v7;
	(erf) = vrcp.f32 v2  }
0x269: {  	v1 =	vadd.f32 v1, v8;
	(erf) = vrcp.f32 v3  }
0x26a: {  	(erf) = vrcp.f32 v4  }
0x26b: {  	(erf) = vrcp.f32 v1;
	_ =	sdelay $0x2  }
0x26c: {  	s9 =	sshra.s32 s5, $0x2  }
0x26d: {  	v2 =	vld [tilespmem:s9+$0xE000]  }
0x26e: {  	v3 =	vld [tilespmem:s9+$0xE010]  }
.Ltmp6:
0x26f: {  	v4 =	vld [tilespmem:s9+$0xE020];
	v5 =	vpop (erf);
	(pc) =	sbr.rel @p2 .LBB2_14-.Ltmp6, $4  }
0x270: {  	v1 =	vld [tilespmem:s9+$0xE030];
	[tilespmem:s4+$0xB800] =	vst v5;
	v6 =	vpop (erf)  }
0x271: {  	v5 =	vld [tilespmem:s9+$0xB800];
	[tilespmem:s4+$0xB810] =	vst v6;
	v7 =	vpop (erf)  }
0x272: {  	v6 =	vld [tilespmem:s9+$0xB810];
	[tilespmem:s4+$0xB820] =	vst v7;
	v8 =	vpop (erf)  }
0x273: {  	s5 =	sadd.s32 $0x100, s5;
	v7 =	vld [tilespmem:s9+$0xB820];
	[tilespmem:s4+$0xB830] =	vst v8;
	s4 =	smov.u32 s9  }
0x274: {  	v8 =	vld [tilespmem:s4+$0xB830];
	_ =	sdelay $0x1  }
0x275: {  	v2 =	vadd.f32 v2, v5  }
0x276: {  	v3 =	vadd.f32 v3, v6  }
0x277: {  	v4 =	vadd.f32 v4, v7;
	(erf) = vrcp.f32 v2  }
0x278: {  	v1 =	vadd.f32 v1, v8;
	(erf) = vrcp.f32 v3  }
0x279: {  	(erf) = vrcp.f32 v4  }
0x27a: {  	(erf) = vrcp.f32 v1;
	_ =	sdelay $0x5  }
0x27b: {  	v1 =	vpop (erf)  }
0x27c: {  	[tilespmem:s4+$0xB800] =	vst v1;
	v1 =	vpop (erf)  }
0x27d: {  	[tilespmem:s4+$0xB810] =	vst v1;
	v1 =	vpop (erf)  }
0x27e: {  	s12 =	rddreg [dreg:$0x13];
	[tilespmem:s4+$0xB820] =	vst v1;
	v1 =	vpop (erf)  }
0x27f: {  	s5 =	simm.s32 $0xE010;
	s14 =	rddreg [dreg:$0xe];
	[tilespmem:s4+$0xB830] =	vst v1;
	s4 =	simm.s32 $0x9010  }
.LBB2_16:
0x280: {  	v1 =	vld [tilespmem:s12+$0xFFFFFFF0];
	_ =	sdelay $0x6  }
0x281: {  	v2 =	vld [tilespmem:s4+$0xFFFFFFF0]  }
0x282: {  	v1 =	vld.idx.msk [tilespmem:v1+s29+$0x0], $0xffff;
	_ =	sdelay $0x4  }
0x283: {  	v1 =	vmul.f32 v2, v1;
	_ =	sdelay $0x1  }
0x284: {  	[tilespmem:s5+$0xFFFFFFF0] =	vst v1  }
0x285: {  	v1 =	vld [tilespmem:s12+$0x0];
	_ =	sdelay $0x6  }
0x286: {  	v2 =	vld [tilespmem:s4+$0x0]  }
0x287: {  	v1 =	vld.idx.msk [tilespmem:v1+s29+$0x0], $0xffff;
	_ =	sdelay $0x1  }
0x288: {  	p2 =	sne.s32 s14, $0x1  }
.Ltmp7:
0x289: {  	_ = 	snop;
	(pc) =	sbr.rel @p2 .LBB2_16-.Ltmp7, $4  }
0x28a: {  	_ = 	snop  }
0x28b: {  	v1 =	vmul.f32 v2, v1  }
0x28c: {  	s14 =	sadd.s32 $0xFFFFFFFF, s14  }
0x28d: {  	s4 =	sadd.s32 $0x20, s4;
	s12 =	sadd.s32 $0x20, s12;
	[tilespmem:s5+$0x0] =	vst v1;
	s5 =	sadd.s32 $0x20, s5  }
0x28e: {  	s4 =	rddreg [dreg:$0xc]  }
0x28f: {  	[hbm4b:s4+s1] =	stream.linear.scatter [tilespmem:s17], [sflag:$0x3], $0x2700, $0x38;
	[tilespmem:$0x15A90] =	vst v63  }
0x290: {  	_ =	swait.ge [sflag:s10], $0x2700  }
0x291: {  	s5 =	simm.s32 @!p1 $0x10700;
	[sflag:s10] =	ssyncset.done $0x0  }
0x292: {  	s4 =	simm.s32 @!p1 $0x0;
	s9 =	rddreg [dreg:$0xf];
	[sflag:s10] =	ssyncadd.s32 $0xFFFFD900  }
0x293: {  	[hbm4b:s9+s4] =	stream.linear.scatter @!p1 [tilespmem:s5], [sflag:$0x3], $0x80, $0x38;
	[tilespmem:$0x15A90] =	vst v63  }
0x294: {  	s4 =	simm.s32 @!p1 $0x3  }
0x295: {  	_ =	swait.ge @!p1 [sflag:s4], $0x80  }
0x296: {  	s25 =	sadd.s32 $0x1, s25;
	s24 =	rddreg [dreg:$0x10]  }
0x297: {  	p2 =	sne.s32 s25, s24  }
.Ltmp8:
0x298: {  	_ = 	snop;
	(pc) =	sbr.rel @p2 .LBB2_1-.Ltmp8, $3  }
0x299: {  	_ =	sdelay $0x1  }
0x29a: {  	[sflag:s4] =	ssyncset.done @!p1 $0x0  }
0x29b: {  	[sflag:s4] =	ssyncadd.s32 @!p1 $0xFFFFFF80  }
0x29c: {  	_ =	sfence.sel $0x180000  }
0x29d: {  	[bflag:$0x0] =	sbarrier.arrive $0xFFFF  }
0x29e: {  	_ =	strace $0x90000047  }
0x29f: {  	[bflag:$0x2] =	sbarrier.arrive $0xFFFF  }
0x2a0: {  	s0 =	rddreg [dreg:$0x3]  }
0x2a1: {  	s0 =	sadd.s32 @!p0 $0x100000, s0  }
0x2a2: {  	[sflag:s0] =	ssyncadd.tile.s32 @!p0 $0x1;
	_ =	shalt  }
.Lfunc_end2:
_tile_overlayer_lowered:
.L_overlay_start_2:
0x2a3: {  	(tag) =	ssettag $0x2  }
0x2a4: {  	s0 =	rddreg [dreg:$0x0];
	s2 =	stileid.u32  }
0x2a5: {  	s1 =	rddreg [dreg:$0x1];
	p0 =	sne.s32 s2, $0x0  }
0x2a6: {  	s3 =	rddreg [dreg:$0x2];
	[bflag:$0x3] =	sbarrier.arrive $0xFFFF;
	s2 =	simm.s32 @!p0 $0x1C03  }
0x2a7: {  	[timem:s3], [sflag:s2] =	dma.local @!p0 [hbm:s0], s1  }
0x2a8: {  	s0 =	simm.s32 @!p0 $0x3  }
0x2a9: {  	_ =	swait.ge @!p0 [sflag:s0], s1  }
0x2aa: {  	s1 =	ssub.s32 @!p0 $0x0, s1;
	[sflag:s0] =	ssyncset.done @!p0 $0x0  }
0x2ab: {  	[sflag:s0] =	ssyncadd.s32 @!p0 s1  }
0x2ac: {  	[bflag:$0x3] =	sbarrier.arrive $0xFFFF  }
0x2ad: {  	_ =	shalt  }

</sc_bundles>
